<compile_context>
chip_gen: v7x
topology: tpu7x:2x2x1
jax: 0.10.2.dev20260603
libtpu: 0.0.44.dev20260713+nightly
codegen_flags: <defaults>
</compile_context>

<pallas_src>
import functools

import jax
import jax.numpy as jnp
from jax import lax
from jax.experimental import pallas as pl
from jax.experimental.pallas import tpu as pltpu
from jax.experimental.pallas import tpu_sc as plsc

N = 8192
D = 256
K = 1024
N_ITERS = 5
BLK = 1024
NBLK = N // BLK

NUM_SC = 2
NUM_SUBCORES = 16
NUM_TILES = NUM_SC * NUM_SUBCORES
ROWS_PER_TILE = N // NUM_TILES
KROWS_PER_SUBCORE = K // NUM_SUBCORES
IDX_CHUNK = 128
NCHUNK = ROWS_PER_TILE // IDX_CHUNK


def _assign_body(x_ref, ct_ref, lab_ref, cnt_ref, c2_ref, iota_ref):
    i = pl.program_id(0)

    @pl.when(i == 0)
    def _():
        ct = ct_ref[...]
        c2_ref[...] = jnp.sum(ct * ct, axis=0, keepdims=True)
        iota_ref[...] = lax.broadcasted_iota(
            jnp.int32, (BLK, K), 1).astype(jnp.float32)
        cnt_ref[0, :, :] = jnp.zeros((1, K), jnp.float32)

    m = lax.dot_general(
        x_ref[...], ct_ref[...], (((1,), (0,)), ((), ())),
        preferred_element_type=jnp.float32)
    score = c2_ref[...] - 2.0 * m
    mn = jnp.min(score, axis=1, keepdims=True)
    eq = score == mn
    cand = jnp.where(eq, iota_ref[...], jnp.float32(K))
    labf = jnp.min(cand, axis=1, keepdims=True)
    lab_ref[...] = labf.astype(jnp.int32).reshape(BLK // 128, 128)
    onehot = labf == iota_ref[...]
    cnt_ref[0, :, :] += jnp.sum(onehot.astype(jnp.float32), axis=0,
                                keepdims=True)


_assign_call = pl.pallas_call(
    _assign_body,
    grid=(NBLK,),
    in_specs=[
        pl.BlockSpec((BLK, D), lambda i: (i, 0)),
        pl.BlockSpec((D, K), lambda i: (0, 0)),
    ],
    out_specs=[
        pl.BlockSpec((BLK // 128, 128), lambda i: (i, 0)),
        pl.BlockSpec((1, 1, K), lambda i: (0, 0, 0)),
    ],
    out_shape=[
        jax.ShapeDtypeStruct((N // 128, 128), jnp.int32),
        jax.ShapeDtypeStruct((1, 1, K), jnp.float32),
    ],
    scratch_shapes=[
        pltpu.VMEM((1, K), jnp.float32),
        pltpu.VMEM((BLK, K), jnp.float32),
    ],
)


def _assign(x, ct):
    lab, cnt = _assign_call(x, ct)
    return lab, cnt.reshape(K)


def _update_assign_body(x_ref, acca_ref, accb_ref, cntp_ref, ctp_ref,
                        lab_ref, cnt_ref, ctn_ref, c2_ref, iota_ref):
    i = pl.program_id(0)

    @pl.when(i == 0)
    def _():
        sums_t = jnp.concatenate(
            [jnp.transpose(acca_ref[0] + acca_ref[1]),
             jnp.transpose(accb_ref[0] + accb_ref[1])], axis=0)
        cnt = cntp_ref[0]
        newct = sums_t / jnp.maximum(cnt, 1.0)
        ctn_ref[...] = jnp.where(cnt > 0, newct, ctp_ref[...])
        ct = ctn_ref[...]
        c2_ref[...] = jnp.sum(ct * ct, axis=0, keepdims=True)
        iota_ref[...] = lax.broadcasted_iota(
            jnp.int32, (BLK, K), 1).astype(jnp.float32)
        cnt_ref[0, :, :] = jnp.zeros((1, K), jnp.float32)

    m = lax.dot_general(
        x_ref[...], ctn_ref[...], (((1,), (0,)), ((), ())),
        preferred_element_type=jnp.float32)
    score = c2_ref[...] - 2.0 * m
    mn = jnp.min(score, axis=1, keepdims=True)
    cand = jnp.where(score == mn, iota_ref[...], jnp.float32(K))
    labf = jnp.min(cand, axis=1, keepdims=True)
    lab_ref[...] = labf.astype(jnp.int32).reshape(BLK // 128, 128)
    onehot = labf == iota_ref[...]
    cnt_ref[0, :, :] += jnp.sum(onehot.astype(jnp.float32), axis=0,
                                keepdims=True)


_update_assign_call = pl.pallas_call(
    _update_assign_body,
    grid=(NBLK,),
    in_specs=[
        pl.BlockSpec((BLK, D), lambda i: (i, 0)),
        pl.BlockSpec((NUM_SC, K, 128), lambda i: (0, 0, 0)),
        pl.BlockSpec((NUM_SC, K, 128), lambda i: (0, 0, 0)),
        pl.BlockSpec((1, 1, K), lambda i: (0, 0, 0)),
        pl.BlockSpec((D, K), lambda i: (0, 0)),
    ],
    out_specs=[
        pl.BlockSpec((BLK // 128, 128), lambda i: (i, 0)),
        pl.BlockSpec((1, 1, K), lambda i: (0, 0, 0)),
        pl.BlockSpec((D, K), lambda i: (0, 0)),
    ],
    out_shape=[
        jax.ShapeDtypeStruct((N // 128, 128), jnp.int32),
        jax.ShapeDtypeStruct((1, 1, K), jnp.float32),
        jax.ShapeDtypeStruct((D, K), jnp.float32),
    ],
    scratch_shapes=[
        pltpu.VMEM((1, K), jnp.float32),
        pltpu.VMEM((BLK, K), jnp.float32),
    ],
)


def _update_assign(x, acca, accb, counts, ctp):
    lab, cnt, ctn = _update_assign_call(
        x, acca, accb, counts.reshape(1, 1, K), ctp)
    return lab, cnt.reshape(K), ctn


def _sc_segsum_body(x_hbm, lab_hbm, zeros_hbm, outa_hbm, outb_hbm, idx_a, idx_b, rows_v,
                    shared, semz, semx, semi):
    cid = lax.axis_index("c")
    sid = lax.axis_index("s")
    wid = cid * NUM_SUBCORES + sid
    base = wid * ROWS_PER_TILE
    sl = pl.ds(sid * KROWS_PER_SUBCORE, KROWS_PER_SUBCORE)
    cz = pltpu.async_copy(zeros_hbm.at[sl], shared.at[sl], semz)
    cx = pltpu.async_copy(x_hbm.at[pl.ds(base, ROWS_PER_TILE)], rows_v, semx)
    ca = pltpu.async_copy(lab_hbm.at[wid * NCHUNK], idx_a, semi)
    cb = pltpu.async_copy(lab_hbm.at[wid * NCHUNK + 1], idx_b, semi)
    ca.wait()
    cb.wait()
    cz.wait()
    cx.wait()
    plsc.subcore_barrier()
    s1 = pltpu.async_copy(
        rows_v.at[pl.ds(0, IDX_CHUNK)], shared.at[idx_a], semx, add=True)
    s2 = pltpu.async_copy(
        rows_v.at[pl.ds(IDX_CHUNK, IDX_CHUNK)], shared.at[idx_b], semx,
        add=True)
    s1.wait()
    s2.wait()
    plsc.subcore_barrier()
    d1 = pltpu.async_copy(
        shared.at[sl, pl.ds(0, 128)], outa_hbm.at[cid].at[sl], semz)
    d2 = pltpu.async_copy(
        shared.at[sl, pl.ds(128, 128)], outb_hbm.at[cid].at[sl], semx)
    d1.wait()
    d2.wait()


@functools.cache
def _sc_segsum():
    mesh = plsc.VectorSubcoreMesh(core_axis_name="c", subcore_axis_name="s")
    return pl.kernel(
        _sc_segsum_body,
        mesh=mesh,
        compiler_params=pltpu.CompilerParams(use_tc_tiling_on_sc=False),
        out_type=[
            jax.ShapeDtypeStruct((NUM_SC, K, 128), jnp.float32),
            jax.ShapeDtypeStruct((NUM_SC, K, 128), jnp.float32),
        ],
        scratch_types=[
            pltpu.VMEM((IDX_CHUNK,), jnp.int32),
            pltpu.VMEM((IDX_CHUNK,), jnp.int32),
            pltpu.VMEM((ROWS_PER_TILE, D), jnp.float32),
            pltpu.VMEM_SHARED((K, D), jnp.float32),
            pltpu.SemaphoreType.DMA,
            pltpu.SemaphoreType.DMA,
            pltpu.SemaphoreType.DMA,
        ],
    )


@jax.jit
def kernel(x):
    x = x.reshape(x.shape[0], -1)
    zeros = jnp.zeros((K, D), jnp.float32)
    ct = x[:K].T
    labels, counts = _assign(x, ct)
    for _ in range(N_ITERS):
        acca, accb = _sc_segsum()(x, labels, zeros)
        labels, counts, ct = _update_assign(x, acca, accb, counts, ct)
    return labels.reshape(N)

# --- scband reference (transcript-rebuilt; emitter-appended) ---
"""Pipeline reference for scband-kmeans-model-31671088841242 (READ-ONLY COPY).

The authoritative reference and input builder live on the scoring server;
editing this copy changes nothing except your own understanding.
"""

import jax, jax.numpy as jnp
import numpy as np

NUM_CLASSES = 1024
N_ITERS = 5


def _pairwise_sqdist(x, c):
    # ||x - c||^2 = ||x||^2 - 2 x c^T + ||c||^2
    x2 = jnp.sum(x * x, axis=1, keepdims=True)
    c2 = jnp.sum(c * c, axis=1)[None, :]
    return x2 - 2.0 * (x @ c.T) + c2


def _kmeans_fit_predict(x, n_clusters, n_iters):
    # init centroids with the first n_clusters points (deterministic init)
    centroids = x[:n_clusters]
    for _ in range(n_iters):
        d2 = _pairwise_sqdist(x, centroids)
        labels = jnp.argmin(d2, axis=1)
        # scatter-add style per-cluster sums and counts (SparseCore-friendly)
        sums = jax.ops.segment_sum(x, labels, num_segments=n_clusters)
        counts = jax.ops.segment_sum(jnp.ones((x.shape[0],), dtype=x.dtype), labels, num_segments=n_clusters)
        new_centroids = sums / jnp.maximum(counts, 1.0)[:, None]
        centroids = jnp.where(counts[:, None] > 0, new_centroids, centroids)
    d2 = _pairwise_sqdist(x, centroids)
    labels = jnp.argmin(d2, axis=1)
    return labels


def setup_inputs(seed: int = 0) -> dict:
    key = jax.random.key(seed)
    x = jax.random.normal(key, (8192, 256), dtype=jnp.float32)
    return {"x": x}


def reference(x):
    # forward: flatten then kmeans.fit_predict -> cluster labels
    x = x.reshape(x.shape[0], -1)
    labels = _kmeans_fit_predict(x, NUM_CLASSES, N_ITERS)
    return labels

if __name__ == "__main__":
    import jax
    _d = setup_inputs()
    print(jax.jit(kernel)(*tuple(_d.values())))

</pallas_src>

<mosaic_0001>
#map = affine_map<(d0, d1) -> (0, 0)>
#map1 = affine_map<(d0, d1) -> (0, 0, 0)>
module attributes {stable_mosaic.version = 14 : i64} {
  func.func @_sc_segsum_body(%arg0: i32, %arg1: i32, %arg2: memref<8192x256xf32, #tpu.memory_space<hbm>>, %arg3: memref<64x128xi32, #tpu.memory_space<hbm>>, %arg4: memref<1024x256xf32, #tpu.memory_space<hbm>>, %arg5: memref<2x1024x128xf32, #tpu.memory_space<hbm>>, %arg6: memref<2x1024x128xf32, #tpu.memory_space<hbm>>, %arg7: memref<128xi32, #tpu.memory_space<vmem>>, %arg8: memref<128xi32, #tpu.memory_space<vmem>>, %arg9: memref<256x256xf32, #tpu.memory_space<vmem>>, %arg10: memref<1024x256xf32, #tpu.memory_space<vmem_shared>>, %arg11: memref<!tpu.dma_semaphore, #tpu.memory_space<semaphore_mem>>, %arg12: memref<!tpu.dma_semaphore, #tpu.memory_space<semaphore_mem>>, %arg13: memref<!tpu.dma_semaphore, #tpu.memory_space<semaphore_mem>>) attributes {dimension_semantics = [#tpu.dimension_semantics<core_parallel>, #tpu.dimension_semantics<subcore_parallel>], iteration_bounds = array<i64: 2, 16>, scalar_prefetch = 0 : i64, scratch_operands = 7 : i64, tpu.core_type = #tpu.core_type<sc_vector_subcore>, window_params = [{transform_indices = #map}, {transform_indices = #map}, {transform_indices = #map}, {transform_indices = #map1}, {transform_indices = #map1}]} {
    %mul3A = arith.constant 16 : i32
    %mul3A_0 = arith.muli %arg0, %mul3A : i32
    %add3A = arith.addi %mul3A_0, %arg1 : i32
    %mul3A_1 = arith.constant 256 : i32
    %mul3A_2 = arith.muli %add3A, %mul3A_1 : i32
    %mul3A_3 = arith.constant 64 : i32
    %mul3A_4 = arith.muli %arg1, %mul3A_3 : i32
    %dma_start3A = arith.constant 0 : i32
    %dma_start3A_5 = tpu.memref_slice %arg10[%mul3A_4, %dma_start3A] : memref<1024x256xf32, #tpu.memory_space<vmem_shared>> -> memref<64x256xf32, #tpu.memory_space<vmem_shared>>
    %dma_start3A_6 = arith.constant 0 : i32
    %dma_start3A_7 = tpu.memref_slice %arg4[%mul3A_4, %dma_start3A_6] : memref<1024x256xf32, #tpu.memory_space<hbm>> -> memref<64x256xf32, #tpu.memory_space<hbm>>
    tpu.enqueue_dma source(%dma_start3A_7 : memref<64x256xf32, #tpu.memory_space<hbm>>) target(%dma_start3A_5 : memref<64x256xf32, #tpu.memory_space<vmem_shared>>) target_semaphore(%arg11 : memref<!tpu.dma_semaphore, #tpu.memory_space<semaphore_mem>>)
    %dma_start3A_8 = arith.constant 0 : i32
    %dma_start3A_9 = tpu.memref_slice %arg2[%mul3A_2, %dma_start3A_8] : memref<8192x256xf32, #tpu.memory_space<hbm>> -> memref<256x256xf32, #tpu.memory_space<hbm>>
    %dma_start3A_10 = arith.constant 0 : i32
    %dma_start3A_11 = tpu.memref_slice %arg2[%mul3A_2, %dma_start3A_10] : memref<8192x256xf32, #tpu.memory_space<hbm>> -> memref<256x256xf32, #tpu.memory_space<hbm>>
    tpu.enqueue_dma source(%dma_start3A_11 : memref<256x256xf32, #tpu.memory_space<hbm>>) target(%arg9 : memref<256x256xf32, #tpu.memory_space<vmem>>) target_semaphore(%arg12 : memref<!tpu.dma_semaphore, #tpu.memory_space<semaphore_mem>>)
    %mul3A_12 = arith.constant 2 : i32
    %mul3A_13 = arith.muli %add3A, %mul3A_12 : i32
    %dma_start3A_14 = arith.constant 0 : i32
    %dma_start3A_15 = tpu.memref_slice %arg3[%mul3A_13, %dma_start3A_14] : memref<64x128xi32, #tpu.memory_space<hbm>> -> memref<1x128xi32, #tpu.memory_space<hbm>>
    %dma_start3A_16 = tpu.memref_squeeze %dma_start3A_15 : memref<1x128xi32, #tpu.memory_space<hbm>> -> memref<128xi32, #tpu.memory_space<hbm>>
    %dma_start3A_17 = arith.constant 0 : i32
    %dma_start3A_18 = tpu.memref_slice %arg3[%mul3A_13, %dma_start3A_17] : memref<64x128xi32, #tpu.memory_space<hbm>> -> memref<1x128xi32, #tpu.memory_space<hbm>>
    %dma_start3A_19 = tpu.memref_squeeze %dma_start3A_18 : memref<1x128xi32, #tpu.memory_space<hbm>> -> memref<128xi32, #tpu.memory_space<hbm>>
    tpu.enqueue_dma source(%dma_start3A_19 : memref<128xi32, #tpu.memory_space<hbm>>) target(%arg7 : memref<128xi32, #tpu.memory_space<vmem>>) target_semaphore(%arg13 : memref<!tpu.dma_semaphore, #tpu.memory_space<semaphore_mem>>)
    %mul3A_20 = arith.constant 2 : i32
    %mul3A_21 = arith.muli %add3A, %mul3A_20 : i32
    %add3A_22 = arith.constant 1 : i32
    %add3A_23 = arith.addi %mul3A_21, %add3A_22 : i32
    %dma_start3A_24 = arith.constant 0 : i32
    %dma_start3A_25 = tpu.memref_slice %arg3[%add3A_23, %dma_start3A_24] : memref<64x128xi32, #tpu.memory_space<hbm>> -> memref<1x128xi32, #tpu.memory_space<hbm>>
    %dma_start3A_26 = tpu.memref_squeeze %dma_start3A_25 : memref<1x128xi32, #tpu.memory_space<hbm>> -> memref<128xi32, #tpu.memory_space<hbm>>
    %dma_start3A_27 = arith.constant 0 : i32
    %dma_start3A_28 = tpu.memref_slice %arg3[%add3A_23, %dma_start3A_27] : memref<64x128xi32, #tpu.memory_space<hbm>> -> memref<1x128xi32, #tpu.memory_space<hbm>>
    %dma_start3A_29 = tpu.memref_squeeze %dma_start3A_28 : memref<1x128xi32, #tpu.memory_space<hbm>> -> memref<128xi32, #tpu.memory_space<hbm>>
    tpu.enqueue_dma source(%dma_start3A_29 : memref<128xi32, #tpu.memory_space<hbm>>) target(%arg8 : memref<128xi32, #tpu.memory_space<vmem>>) target_semaphore(%arg13 : memref<!tpu.dma_semaphore, #tpu.memory_space<semaphore_mem>>)
    %dma_wait3A = arith.constant 0 : i32
    %dma_wait3A_30 = tpu.memref_slice %arg3[%mul3A_13, %dma_wait3A] : memref<64x128xi32, #tpu.memory_space<hbm>> -> memref<1x128xi32, #tpu.memory_space<hbm>>
    %dma_wait3A_31 = tpu.memref_squeeze %dma_wait3A_30 : memref<1x128xi32, #tpu.memory_space<hbm>> -> memref<128xi32, #tpu.memory_space<hbm>>
    %dma_wait3A_32 = arith.constant 0 : i32
    %dma_wait3A_33 = tpu.memref_slice %arg3[%mul3A_13, %dma_wait3A_32] : memref<64x128xi32, #tpu.memory_space<hbm>> -> memref<1x128xi32, #tpu.memory_space<hbm>>
    %dma_wait3A_34 = tpu.memref_squeeze %dma_wait3A_33 : memref<1x128xi32, #tpu.memory_space<hbm>> -> memref<128xi32, #tpu.memory_space<hbm>>
    tpu.wait_dma2 semaphore(%arg13 : memref<!tpu.dma_semaphore, #tpu.memory_space<semaphore_mem>>) src(%dma_wait3A_34 : memref<128xi32, #tpu.memory_space<hbm>>) dst(%arg7 : memref<128xi32, #tpu.memory_space<vmem>>)
    %dma_wait3A_35 = arith.constant 0 : i32
    %dma_wait3A_36 = tpu.memref_slice %arg3[%add3A_23, %dma_wait3A_35] : memref<64x128xi32, #tpu.memory_space<hbm>> -> memref<1x128xi32, #tpu.memory_space<hbm>>
    %dma_wait3A_37 = tpu.memref_squeeze %dma_wait3A_36 : memref<1x128xi32, #tpu.memory_space<hbm>> -> memref<128xi32, #tpu.memory_space<hbm>>
    %dma_wait3A_38 = arith.constant 0 : i32
    %dma_wait3A_39 = tpu.memref_slice %arg3[%add3A_23, %dma_wait3A_38] : memref<64x128xi32, #tpu.memory_space<hbm>> -> memref<1x128xi32, #tpu.memory_space<hbm>>
    %dma_wait3A_40 = tpu.memref_squeeze %dma_wait3A_39 : memref<1x128xi32, #tpu.memory_space<hbm>> -> memref<128xi32, #tpu.memory_space<hbm>>
    tpu.wait_dma2 semaphore(%arg13 : memref<!tpu.dma_semaphore, #tpu.memory_space<semaphore_mem>>) src(%dma_wait3A_40 : memref<128xi32, #tpu.memory_space<hbm>>) dst(%arg8 : memref<128xi32, #tpu.memory_space<vmem>>)
    %dma_wait3A_41 = arith.constant 0 : i32
    %dma_wait3A_42 = tpu.memref_slice %arg10[%mul3A_4, %dma_wait3A_41] : memref<1024x256xf32, #tpu.memory_space<vmem_shared>> -> memref<64x256xf32, #tpu.memory_space<vmem_shared>>
    %dma_wait3A_43 = arith.constant 0 : i32
    %dma_wait3A_44 = tpu.memref_slice %arg4[%mul3A_4, %dma_wait3A_43] : memref<1024x256xf32, #tpu.memory_space<hbm>> -> memref<64x256xf32, #tpu.memory_space<hbm>>
    tpu.wait_dma2 semaphore(%arg11 : memref<!tpu.dma_semaphore, #tpu.memory_space<semaphore_mem>>) src(%dma_wait3A_44 : memref<64x256xf32, #tpu.memory_space<hbm>>) dst(%dma_wait3A_42 : memref<64x256xf32, #tpu.memory_space<vmem_shared>>)
    %dma_wait3A_45 = arith.constant 0 : i32
    %dma_wait3A_46 = tpu.memref_slice %arg2[%mul3A_2, %dma_wait3A_45] : memref<8192x256xf32, #tpu.memory_space<hbm>> -> memref<256x256xf32, #tpu.memory_space<hbm>>
    %dma_wait3A_47 = arith.constant 0 : i32
    %dma_wait3A_48 = tpu.memref_slice %arg2[%mul3A_2, %dma_wait3A_47] : memref<8192x256xf32, #tpu.memory_space<hbm>> -> memref<256x256xf32, #tpu.memory_space<hbm>>
    tpu.wait_dma2 semaphore(%arg12 : memref<!tpu.dma_semaphore, #tpu.memory_space<semaphore_mem>>) src(%dma_wait3A_48 : memref<256x256xf32, #tpu.memory_space<hbm>>) dst(%arg9 : memref<256x256xf32, #tpu.memory_space<vmem>>)
    %barrier3A = arith.constant 0 : index
    tpu.barrier barrier_id(%barrier3A)
    %dma_start3A_49 = arith.constant 0 : i32
    %dma_start3A_50 = arith.constant 0 : i32
    %dma_start3A_51 = tpu.memref_slice %arg9[%dma_start3A_49, %dma_start3A_50] : memref<256x256xf32, #tpu.memory_space<vmem>> -> memref<128x256xf32, #tpu.memory_space<vmem>>
    %dma_start3A_52 = arith.constant 0 : i32
    %dma_start3A_53 = arith.constant 0 : i32
    %dma_start3A_54 = tpu.memref_slice %arg10[%dma_start3A_52, %dma_start3A_53] : memref<1024x256xf32, #tpu.memory_space<vmem_shared>> -> memref<1024x256xf32, #tpu.memory_space<vmem_shared>>
    tpu.enqueue_indirect_dma source(%dma_start3A_51 : memref<128x256xf32, #tpu.memory_space<vmem>>) target(%dma_start3A_54 : memref<1024x256xf32, #tpu.memory_space<vmem_shared>>) offsets(%arg7 : memref<128xi32, #tpu.memory_space<vmem>>) semaphore(%arg12 : memref<!tpu.dma_semaphore, #tpu.memory_space<semaphore_mem>>) {add = true}
    %dma_start3A_55 = arith.constant 128 : i32
    %dma_start3A_56 = arith.constant 0 : i32
    %dma_start3A_57 = tpu.memref_slice %arg9[%dma_start3A_55, %dma_start3A_56] : memref<256x256xf32, #tpu.memory_space<vmem>> -> memref<128x256xf32, #tpu.memory_space<vmem>>
    %dma_start3A_58 = arith.constant 0 : i32
    %dma_start3A_59 = arith.constant 0 : i32
    %dma_start3A_60 = tpu.memref_slice %arg10[%dma_start3A_58, %dma_start3A_59] : memref<1024x256xf32, #tpu.memory_space<vmem_shared>> -> memref<1024x256xf32, #tpu.memory_space<vmem_shared>>
    tpu.enqueue_indirect_dma source(%dma_start3A_57 : memref<128x256xf32, #tpu.memory_space<vmem>>) target(%dma_start3A_60 : memref<1024x256xf32, #tpu.memory_space<vmem_shared>>) offsets(%arg8 : memref<128xi32, #tpu.memory_space<vmem>>) semaphore(%arg12 : memref<!tpu.dma_semaphore, #tpu.memory_space<semaphore_mem>>) {add = true}
    %dma_wait3A_61 = arith.constant 0 : i32
    %dma_wait3A_62 = arith.constant 0 : i32
    %dma_wait3A_63 = tpu.memref_slice %arg9[%dma_wait3A_61, %dma_wait3A_62] : memref<256x256xf32, #tpu.memory_space<vmem>> -> memref<128x256xf32, #tpu.memory_space<vmem>>
    %dma_wait3A_64 = arith.constant 0 : i32
    %dma_wait3A_65 = arith.constant 0 : i32
    %dma_wait3A_66 = tpu.memref_slice %arg10[%dma_wait3A_64, %dma_wait3A_65] : memref<1024x256xf32, #tpu.memory_space<vmem_shared>> -> memref<1024x256xf32, #tpu.memory_space<vmem_shared>>
    tpu.wait_indirect_dma semaphore(%arg12 : memref<!tpu.dma_semaphore, #tpu.memory_space<semaphore_mem>>) src(%dma_wait3A_63 : memref<128x256xf32, #tpu.memory_space<vmem>>) dst(%dma_wait3A_66 : memref<1024x256xf32, #tpu.memory_space<vmem_shared>>)
    %dma_wait3A_67 = arith.constant 128 : i32
    %dma_wait3A_68 = arith.constant 0 : i32
    %dma_wait3A_69 = tpu.memref_slice %arg9[%dma_wait3A_67, %dma_wait3A_68] : memref<256x256xf32, #tpu.memory_space<vmem>> -> memref<128x256xf32, #tpu.memory_space<vmem>>
    %dma_wait3A_70 = arith.constant 0 : i32
    %dma_wait3A_71 = arith.constant 0 : i32
    %dma_wait3A_72 = tpu.memref_slice %arg10[%dma_wait3A_70, %dma_wait3A_71] : memref<1024x256xf32, #tpu.memory_space<vmem_shared>> -> memref<1024x256xf32, #tpu.memory_space<vmem_shared>>
    tpu.wait_indirect_dma semaphore(%arg12 : memref<!tpu.dma_semaphore, #tpu.memory_space<semaphore_mem>>) src(%dma_wait3A_69 : memref<128x256xf32, #tpu.memory_space<vmem>>) dst(%dma_wait3A_72 : memref<1024x256xf32, #tpu.memory_space<vmem_shared>>)
    %barrier3A_73 = arith.constant 0 : index
    tpu.barrier barrier_id(%barrier3A_73)
    %dma_start3A_74 = arith.constant 0 : i32
    %dma_start3A_75 = arith.constant 0 : i32
    %dma_start3A_76 = tpu.memref_slice %arg5[%arg0, %dma_start3A_74, %dma_start3A_75] : memref<2x1024x128xf32, #tpu.memory_space<hbm>> -> memref<1x1024x128xf32, #tpu.memory_space<hbm>>
    %dma_start3A_77 = tpu.memref_squeeze %dma_start3A_76 : memref<1x1024x128xf32, #tpu.memory_space<hbm>> -> memref<1024x128xf32, #tpu.memory_space<hbm>>
    %dma_start3A_78 = arith.constant 0 : i32
    %dma_start3A_79 = tpu.memref_slice %dma_start3A_77[%mul3A_4, %dma_start3A_78] : memref<1024x128xf32, #tpu.memory_space<hbm>> -> memref<64x128xf32, #tpu.memory_space<hbm>>
    %dma_start3A_80 = arith.constant 0 : i32
    %dma_start3A_81 = tpu.memref_slice %arg10[%mul3A_4, %dma_start3A_80] : memref<1024x256xf32, #tpu.memory_space<vmem_shared>> -> memref<64x128xf32, #tpu.memory_space<vmem_shared>>
    tpu.enqueue_dma source(%dma_start3A_81 : memref<64x128xf32, #tpu.memory_space<vmem_shared>>) target(%dma_start3A_79 : memref<64x128xf32, #tpu.memory_space<hbm>>) target_semaphore(%arg11 : memref<!tpu.dma_semaphore, #tpu.memory_space<semaphore_mem>>)
    %dma_start3A_82 = arith.constant 0 : i32
    %dma_start3A_83 = arith.constant 0 : i32
    %dma_start3A_84 = tpu.memref_slice %arg6[%arg0, %dma_start3A_82, %dma_start3A_83] : memref<2x1024x128xf32, #tpu.memory_space<hbm>> -> memref<1x1024x128xf32, #tpu.memory_space<hbm>>
    %dma_start3A_85 = tpu.memref_squeeze %dma_start3A_84 : memref<1x1024x128xf32, #tpu.memory_space<hbm>> -> memref<1024x128xf32, #tpu.memory_space<hbm>>
    %dma_start3A_86 = arith.constant 0 : i32
    %dma_start3A_87 = tpu.memref_slice %dma_start3A_85[%mul3A_4, %dma_start3A_86] : memref<1024x128xf32, #tpu.memory_space<hbm>> -> memref<64x128xf32, #tpu.memory_space<hbm>>
    %dma_start3A_88 = arith.constant 128 : i32
    %dma_start3A_89 = tpu.memref_slice %arg10[%mul3A_4, %dma_start3A_88] : memref<1024x256xf32, #tpu.memory_space<vmem_shared>> -> memref<64x128xf32, #tpu.memory_space<vmem_shared>>
    tpu.enqueue_dma source(%dma_start3A_89 : memref<64x128xf32, #tpu.memory_space<vmem_shared>>) target(%dma_start3A_87 : memref<64x128xf32, #tpu.memory_space<hbm>>) target_semaphore(%arg12 : memref<!tpu.dma_semaphore, #tpu.memory_space<semaphore_mem>>)
    %dma_wait3A_90 = arith.constant 0 : i32
    %dma_wait3A_91 = arith.constant 0 : i32
    %dma_wait3A_92 = tpu.memref_slice %arg5[%arg0, %dma_wait3A_90, %dma_wait3A_91] : memref<2x1024x128xf32, #tpu.memory_space<hbm>> -> memref<1x1024x128xf32, #tpu.memory_space<hbm>>
    %dma_wait3A_93 = tpu.memref_squeeze %dma_wait3A_92 : memref<1x1024x128xf32, #tpu.memory_space<hbm>> -> memref<1024x128xf32, #tpu.memory_space<hbm>>
    %dma_wait3A_94 = arith.constant 0 : i32
    %dma_wait3A_95 = tpu.memref_slice %dma_wait3A_93[%mul3A_4, %dma_wait3A_94] : memref<1024x128xf32, #tpu.memory_space<hbm>> -> memref<64x128xf32, #tpu.memory_space<hbm>>
    %dma_wait3A_96 = arith.constant 0 : i32
    %dma_wait3A_97 = tpu.memref_slice %arg10[%mul3A_4, %dma_wait3A_96] : memref<1024x256xf32, #tpu.memory_space<vmem_shared>> -> memref<64x128xf32, #tpu.memory_space<vmem_shared>>
    tpu.wait_dma2 semaphore(%arg11 : memref<!tpu.dma_semaphore, #tpu.memory_space<semaphore_mem>>) src(%dma_wait3A_97 : memref<64x128xf32, #tpu.memory_space<vmem_shared>>) dst(%dma_wait3A_95 : memref<64x128xf32, #tpu.memory_space<hbm>>)
    %dma_wait3A_98 = arith.constant 0 : i32
    %dma_wait3A_99 = arith.constant 0 : i32
    %dma_wait3A_100 = tpu.memref_slice %arg6[%arg0, %dma_wait3A_98, %dma_wait3A_99] : memref<2x1024x128xf32, #tpu.memory_space<hbm>> -> memref<1x1024x128xf32, #tpu.memory_space<hbm>>
    %dma_wait3A_101 = tpu.memref_squeeze %dma_wait3A_100 : memref<1x1024x128xf32, #tpu.memory_space<hbm>> -> memref<1024x128xf32, #tpu.memory_space<hbm>>
    %dma_wait3A_102 = arith.constant 0 : i32
    %dma_wait3A_103 = tpu.memref_slice %dma_wait3A_101[%mul3A_4, %dma_wait3A_102] : memref<1024x128xf32, #tpu.memory_space<hbm>> -> memref<64x128xf32, #tpu.memory_space<hbm>>
    %dma_wait3A_104 = arith.constant 128 : i32
    %dma_wait3A_105 = tpu.memref_slice %arg10[%mul3A_4, %dma_wait3A_104] : memref<1024x256xf32, #tpu.memory_space<vmem_shared>> -> memref<64x128xf32, #tpu.memory_space<vmem_shared>>
    tpu.wait_dma2 semaphore(%arg12 : memref<!tpu.dma_semaphore, #tpu.memory_space<semaphore_mem>>) src(%dma_wait3A_105 : memref<64x128xf32, #tpu.memory_space<vmem_shared>>) dst(%dma_wait3A_103 : memref<64x128xf32, #tpu.memory_space<hbm>>)
    return
  }
}

#map = affine_map<(d0, d1) -> (0, 0)>
#map1 = affine_map<(d0, d1) -> (0, 0, 0)>
module attributes {stable_mosaic.version = 14 : i64} {
  func.func @_sc_segsum_body(%arg0: i32, %arg1: i32, %arg2: memref<8192x256xf32, #tpu.memory_space<hbm>>, %arg3: memref<64x128xi32, #tpu.memory_space<hbm>>, %arg4: memref<1024x256xf32, #tpu.memory_space<hbm>>, %arg5: memref<2x1024x128xf32, #tpu.memory_space<hbm>>, %arg6: memref<2x1024x128xf32, #tpu.memory_space<hbm>>, %arg7: memref<128xi32, #tpu.memory_space<vmem>>, %arg8: memref<128xi32, #tpu.memory_space<vmem>>, %arg9: memref<256x256xf32, #tpu.memory_space<vmem>>, %arg10: memref<1024x256xf32, #tpu.memory_space<vmem_shared>>, %arg11: memref<!tpu.dma_semaphore, #tpu.memory_space<semaphore_mem>>, %arg12: memref<!tpu.dma_semaphore, #tpu.memory_space<semaphore_mem>>, %arg13: memref<!tpu.dma_semaphore, #tpu.memory_space<semaphore_mem>>) attributes {dimension_semantics = [#tpu.dimension_semantics<core_parallel>, #tpu.dimension_semantics<subcore_parallel>], iteration_bounds = array<i64: 2, 16>, scalar_prefetch = 0 : i64, scratch_operands = 7 : i64, tpu.core_type = #tpu.core_type<sc_vector_subcore>, window_params = [{transform_indices = #map}, {transform_indices = #map}, {transform_indices = #map}, {transform_indices = #map1}, {transform_indices = #map1}]} {
    %mul3A = arith.constant 16 : i32
    %mul3A_0 = arith.muli %arg0, %mul3A : i32
    %add3A = arith.addi %mul3A_0, %arg1 : i32
    %mul3A_1 = arith.constant 256 : i32
    %mul3A_2 = arith.muli %add3A, %mul3A_1 : i32
    %mul3A_3 = arith.constant 64 : i32
    %mul3A_4 = arith.muli %arg1, %mul3A_3 : i32
    %dma_start3A = arith.constant 0 : i32
    %dma_start3A_5 = tpu.memref_slice %arg10[%mul3A_4, %dma_start3A] : memref<1024x256xf32, #tpu.memory_space<vmem_shared>> -> memref<64x256xf32, #tpu.memory_space<vmem_shared>>
    %dma_start3A_6 = arith.constant 0 : i32
    %dma_start3A_7 = tpu.memref_slice %arg4[%mul3A_4, %dma_start3A_6] : memref<1024x256xf32, #tpu.memory_space<hbm>> -> memref<64x256xf32, #tpu.memory_space<hbm>>
    tpu.enqueue_dma source(%dma_start3A_7 : memref<64x256xf32, #tpu.memory_space<hbm>>) target(%dma_start3A_5 : memref<64x256xf32, #tpu.memory_space<vmem_shared>>) target_semaphore(%arg11 : memref<!tpu.dma_semaphore, #tpu.memory_space<semaphore_mem>>)
    %dma_start3A_8 = arith.constant 0 : i32
    %dma_start3A_9 = tpu.memref_slice %arg2[%mul3A_2, %dma_start3A_8] : memref<8192x256xf32, #tpu.memory_space<hbm>> -> memref<256x256xf32, #tpu.memory_space<hbm>>
    %dma_start3A_10 = arith.constant 0 : i32
    %dma_start3A_11 = tpu.memref_slice %arg2[%mul3A_2, %dma_start3A_10] : memref<8192x256xf32, #tpu.memory_space<hbm>> -> memref<256x256xf32, #tpu.memory_space<hbm>>
    tpu.enqueue_dma source(%dma_start3A_11 : memref<256x256xf32, #tpu.memory_space<hbm>>) target(%arg9 : memref<256x256xf32, #tpu.memory_space<vmem>>) target_semaphore(%arg12 : memref<!tpu.dma_semaphore, #tpu.memory_space<semaphore_mem>>)
    %mul3A_12 = arith.constant 2 : i32
    %mul3A_13 = arith.muli %add3A, %mul3A_12 : i32
    %dma_start3A_14 = arith.constant 0 : i32
    %dma_start3A_15 = tpu.memref_slice %arg3[%mul3A_13, %dma_start3A_14] : memref<64x128xi32, #tpu.memory_space<hbm>> -> memref<1x128xi32, #tpu.memory_space<hbm>>
    %dma_start3A_16 = tpu.memref_squeeze %dma_start3A_15 : memref<1x128xi32, #tpu.memory_space<hbm>> -> memref<128xi32, #tpu.memory_space<hbm>>
    %dma_start3A_17 = arith.constant 0 : i32
    %dma_start3A_18 = tpu.memref_slice %arg3[%mul3A_13, %dma_start3A_17] : memref<64x128xi32, #tpu.memory_space<hbm>> -> memref<1x128xi32, #tpu.memory_space<hbm>>
    %dma_start3A_19 = tpu.memref_squeeze %dma_start3A_18 : memref<1x128xi32, #tpu.memory_space<hbm>> -> memref<128xi32, #tpu.memory_space<hbm>>
    tpu.enqueue_dma source(%dma_start3A_19 : memref<128xi32, #tpu.memory_space<hbm>>) target(%arg7 : memref<128xi32, #tpu.memory_space<vmem>>) target_semaphore(%arg13 : memref<!tpu.dma_semaphore, #tpu.memory_space<semaphore_mem>>)
    %mul3A_20 = arith.constant 2 : i32
    %mul3A_21 = arith.muli %add3A, %mul3A_20 : i32
    %add3A_22 = arith.constant 1 : i32
    %add3A_23 = arith.addi %mul3A_21, %add3A_22 : i32
    %dma_start3A_24 = arith.constant 0 : i32
    %dma_start3A_25 = tpu.memref_slice %arg3[%add3A_23, %dma_start3A_24] : memref<64x128xi32, #tpu.memory_space<hbm>> -> memref<1x128xi32, #tpu.memory_space<hbm>>
    %dma_start3A_26 = tpu.memref_squeeze %dma_start3A_25 : memref<1x128xi32, #tpu.memory_space<hbm>> -> memref<128xi32, #tpu.memory_space<hbm>>
    %dma_start3A_27 = arith.constant 0 : i32
    %dma_start3A_28 = tpu.memref_slice %arg3[%add3A_23, %dma_start3A_27] : memref<64x128xi32, #tpu.memory_space<hbm>> -> memref<1x128xi32, #tpu.memory_space<hbm>>
    %dma_start3A_29 = tpu.memref_squeeze %dma_start3A_28 : memref<1x128xi32, #tpu.memory_space<hbm>> -> memref<128xi32, #tpu.memory_space<hbm>>
    tpu.enqueue_dma source(%dma_start3A_29 : memref<128xi32, #tpu.memory_space<hbm>>) target(%arg8 : memref<128xi32, #tpu.memory_space<vmem>>) target_semaphore(%arg13 : memref<!tpu.dma_semaphore, #tpu.memory_space<semaphore_mem>>)
    %dma_wait3A = arith.constant 0 : i32
    %dma_wait3A_30 = tpu.memref_slice %arg3[%mul3A_13, %dma_wait3A] : memref<64x128xi32, #tpu.memory_space<hbm>> -> memref<1x128xi32, #tpu.memory_space<hbm>>
    %dma_wait3A_31 = tpu.memref_squeeze %dma_wait3A_30 : memref<1x128xi32, #tpu.memory_space<hbm>> -> memref<128xi32, #tpu.memory_space<hbm>>
    %dma_wait3A_32 = arith.constant 0 : i32
    %dma_wait3A_33 = tpu.memref_slice %arg3[%mul3A_13, %dma_wait3A_32] : memref<64x128xi32, #tpu.memory_space<hbm>> -> memref<1x128xi32, #tpu.memory_space<hbm>>
    %dma_wait3A_34 = tpu.memref_squeeze %dma_wait3A_33 : memref<1x128xi32, #tpu.memory_space<hbm>> -> memref<128xi32, #tpu.memory_space<hbm>>
    tpu.wait_dma2 semaphore(%arg13 : memref<!tpu.dma_semaphore, #tpu.memory_space<semaphore_mem>>) src(%dma_wait3A_34 : memref<128xi32, #tpu.memory_space<hbm>>) dst(%arg7 : memref<128xi32, #tpu.memory_space<vmem>>)
    %dma_wait3A_35 = arith.constant 0 : i32
    %dma_wait3A_36 = tpu.memref_slice %arg3[%add3A_23, %dma_wait3A_35] : memref<64x128xi32, #tpu.memory_space<hbm>> -> memref<1x128xi32, #tpu.memory_space<hbm>>
    %dma_wait3A_37 = tpu.memref_squeeze %dma_wait3A_36 : memref<1x128xi32, #tpu.memory_space<hbm>> -> memref<128xi32, #tpu.memory_space<hbm>>
    %dma_wait3A_38 = arith.constant 0 : i32
    %dma_wait3A_39 = tpu.memref_slice %arg3[%add3A_23, %dma_wait3A_38] : memref<64x128xi32, #tpu.memory_space<hbm>> -> memref<1x128xi32, #tpu.memory_space<hbm>>
    %dma_wait3A_40 = tpu.memref_squeeze %dma_wait3A_39 : memref<1x128xi32, #tpu.memory_space<hbm>> -> memref<128xi32, #tpu.memory_space<hbm>>
    tpu.wait_dma2 semaphore(%arg13 : memref<!tpu.dma_semaphore, #tpu.memory_space<semaphore_mem>>) src(%dma_wait3A_40 : memref<128xi32, #tpu.memory_space<hbm>>) dst(%arg8 : memref<128xi32, #tpu.memory_space<vmem>>)
    %dma_wait3A_41 = arith.constant 0 : i32
    %dma_wait3A_42 = tpu.memref_slice %arg10[%mul3A_4, %dma_wait3A_41] : memref<1024x256xf32, #tpu.memory_space<vmem_shared>> -> memref<64x256xf32, #tpu.memory_space<vmem_shared>>
    %dma_wait3A_43 = arith.constant 0 : i32
    %dma_wait3A_44 = tpu.memref_slice %arg4[%mul3A_4, %dma_wait3A_43] : memref<1024x256xf32, #tpu.memory_space<hbm>> -> memref<64x256xf32, #tpu.memory_space<hbm>>
    tpu.wait_dma2 semaphore(%arg11 : memref<!tpu.dma_semaphore, #tpu.memory_space<semaphore_mem>>) src(%dma_wait3A_44 : memref<64x256xf32, #tpu.memory_space<hbm>>) dst(%dma_wait3A_42 : memref<64x256xf32, #tpu.memory_space<vmem_shared>>)
    %dma_wait3A_45 = arith.constant 0 : i32
    %dma_wait3A_46 = tpu.memref_slice %arg2[%mul3A_2, %dma_wait3A_45] : memref<8192x256xf32, #tpu.memory_space<hbm>> -> memref<256x256xf32, #tpu.memory_space<hbm>>
    %dma_wait3A_47 = arith.constant 0 : i32
    %dma_wait3A_48 = tpu.memref_slice %arg2[%mul3A_2, %dma_wait3A_47] : memref<8192x256xf32, #tpu.memory_space<hbm>> -> memref<256x256xf32, #tpu.memory_space<hbm>>
    tpu.wait_dma2 semaphore(%arg12 : memref<!tpu.dma_semaphore, #tpu.memory_space<semaphore_mem>>) src(%dma_wait3A_48 : memref<256x256xf32, #tpu.memory_space<hbm>>) dst(%arg9 : memref<256x256xf32, #tpu.memory_space<vmem>>)
    %barrier3A = arith.constant 0 : index
    tpu.barrier barrier_id(%barrier3A)
    %dma_start3A_49 = arith.constant 0 : i32
    %dma_start3A_50 = arith.constant 0 : i32
    %dma_start3A_51 = tpu.memref_slice %arg9[%dma_start3A_49, %dma_start3A_50] : memref<256x256xf32, #tpu.memory_space<vmem>> -> memref<128x256xf32, #tpu.memory_space<vmem>>
    %dma_start3A_52 = arith.constant 0 : i32
    %dma_start3A_53 = arith.constant 0 : i32
    %dma_start3A_54 = tpu.memref_slice %arg10[%dma_start3A_52, %dma_start3A_53] : memref<1024x256xf32, #tpu.memory_space<vmem_shared>> -> memref<1024x256xf32, #tpu.memory_space<vmem_shared>>
    tpu.enqueue_indirect_dma source(%dma_start3A_51 : memref<128x256xf32, #tpu.memory_space<vmem>>) target(%dma_start3A_54 : memref<1024x256xf32, #tpu.memory_space<vmem_shared>>) offsets(%arg7 : memref<128xi32, #tpu.memory_space<vmem>>) semaphore(%arg12 : memref<!tpu.dma_semaphore, #tpu.memory_space<semaphore_mem>>) {add = true}
    %dma_start3A_55 = arith.constant 128 : i32
    %dma_start3A_56 = arith.constant 0 : i32
    %dma_start3A_57 = tpu.memref_slice %arg9[%dma_start3A_55, %dma_start3A_56] : memref<256x256xf32, #tpu.memory_space<vmem>> -> memref<128x256xf32, #tpu.memory_space<vmem>>
    %dma_start3A_58 = arith.constant 0 : i32
    %dma_start3A_59 = arith.constant 0 : i32
    %dma_start3A_60 = tpu.memref_slice %arg10[%dma_start3A_58, %dma_start3A_59] : memref<1024x256xf32, #tpu.memory_space<vmem_shared>> -> memref<1024x256xf32, #tpu.memory_space<vmem_shared>>
    tpu.enqueue_indirect_dma source(%dma_start3A_57 : memref<128x256xf32, #tpu.memory_space<vmem>>) target(%dma_start3A_60 : memref<1024x256xf32, #tpu.memory_space<vmem_shared>>) offsets(%arg8 : memref<128xi32, #tpu.memory_space<vmem>>) semaphore(%arg12 : memref<!tpu.dma_semaphore, #tpu.memory_space<semaphore_mem>>) {add = true}
    %dma_wait3A_61 = arith.constant 0 : i32
    %dma_wait3A_62 = arith.constant 0 : i32
    %dma_wait3A_63 = tpu.memref_slice %arg9[%dma_wait3A_61, %dma_wait3A_62] : memref<256x256xf32, #tpu.memory_space<vmem>> -> memref<128x256xf32, #tpu.memory_space<vmem>>
    %dma_wait3A_64 = arith.constant 0 : i32
    %dma_wait3A_65 = arith.constant 0 : i32
    %dma_wait3A_66 = tpu.memref_slice %arg10[%dma_wait3A_64, %dma_wait3A_65] : memref<1024x256xf32, #tpu.memory_space<vmem_shared>> -> memref<1024x256xf32, #tpu.memory_space<vmem_shared>>
    tpu.wait_indirect_dma semaphore(%arg12 : memref<!tpu.dma_semaphore, #tpu.memory_space<semaphore_mem>>) src(%dma_wait3A_63 : memref<128x256xf32, #tpu.memory_space<vmem>>) dst(%dma_wait3A_66 : memref<1024x256xf32, #tpu.memory_space<vmem_shared>>)
    %dma_wait3A_67 = arith.constant 128 : i32
    %dma_wait3A_68 = arith.constant 0 : i32
    %dma_wait3A_69 = tpu.memref_slice %arg9[%dma_wait3A_67, %dma_wait3A_68] : memref<256x256xf32, #tpu.memory_space<vmem>> -> memref<128x256xf32, #tpu.memory_space<vmem>>
    %dma_wait3A_70 = arith.constant 0 : i32
    %dma_wait3A_71 = arith.constant 0 : i32
    %dma_wait3A_72 = tpu.memref_slice %arg10[%dma_wait3A_70, %dma_wait3A_71] : memref<1024x256xf32, #tpu.memory_space<vmem_shared>> -> memref<1024x256xf32, #tpu.memory_space<vmem_shared>>
    tpu.wait_indirect_dma semaphore(%arg12 : memref<!tpu.dma_semaphore, #tpu.memory_space<semaphore_mem>>) src(%dma_wait3A_69 : memref<128x256xf32, #tpu.memory_space<vmem>>) dst(%dma_wait3A_72 : memref<1024x256xf32, #tpu.memory_space<vmem_shared>>)
    %barrier3A_73 = arith.constant 0 : index
    tpu.barrier barrier_id(%barrier3A_73)
    %dma_start3A_74 = arith.constant 0 : i32
    %dma_start3A_75 = arith.constant 0 : i32
    %dma_start3A_76 = tpu.memref_slice %arg5[%arg0, %dma_start3A_74, %dma_start3A_75] : memref<2x1024x128xf32, #tpu.memory_space<hbm>> -> memref<1x1024x128xf32, #tpu.memory_space<hbm>>
    %dma_start3A_77 = tpu.memref_squeeze %dma_start3A_76 : memref<1x1024x128xf32, #tpu.memory_space<hbm>> -> memref<1024x128xf32, #tpu.memory_space<hbm>>
    %dma_start3A_78 = arith.constant 0 : i32
    %dma_start3A_79 = tpu.memref_slice %dma_start3A_77[%mul3A_4, %dma_start3A_78] : memref<1024x128xf32, #tpu.memory_space<hbm>> -> memref<64x128xf32, #tpu.memory_space<hbm>>
    %dma_start3A_80 = arith.constant 0 : i32
    %dma_start3A_81 = tpu.memref_slice %arg10[%mul3A_4, %dma_start3A_80] : memref<1024x256xf32, #tpu.memory_space<vmem_shared>> -> memref<64x128xf32, #tpu.memory_space<vmem_shared>>
    tpu.enqueue_dma source(%dma_start3A_81 : memref<64x128xf32, #tpu.memory_space<vmem_shared>>) target(%dma_start3A_79 : memref<64x128xf32, #tpu.memory_space<hbm>>) target_semaphore(%arg11 : memref<!tpu.dma_semaphore, #tpu.memory_space<semaphore_mem>>)
    %dma_start3A_82 = arith.constant 0 : i32
    %dma_start3A_83 = arith.constant 0 : i32
    %dma_start3A_84 = tpu.memref_slice %arg6[%arg0, %dma_start3A_82, %dma_start3A_83] : memref<2x1024x128xf32, #tpu.memory_space<hbm>> -> memref<1x1024x128xf32, #tpu.memory_space<hbm>>
    %dma_start3A_85 = tpu.memref_squeeze %dma_start3A_84 : memref<1x1024x128xf32, #tpu.memory_space<hbm>> -> memref<1024x128xf32, #tpu.memory_space<hbm>>
    %dma_start3A_86 = arith.constant 0 : i32
    %dma_start3A_87 = tpu.memref_slice %dma_start3A_85[%mul3A_4, %dma_start3A_86] : memref<1024x128xf32, #tpu.memory_space<hbm>> -> memref<64x128xf32, #tpu.memory_space<hbm>>
    %dma_start3A_88 = arith.constant 128 : i32
    %dma_start3A_89 = tpu.memref_slice %arg10[%mul3A_4, %dma_start3A_88] : memref<1024x256xf32, #tpu.memory_space<vmem_shared>> -> memref<64x128xf32, #tpu.memory_space<vmem_shared>>
    tpu.enqueue_dma source(%dma_start3A_89 : memref<64x128xf32, #tpu.memory_space<vmem_shared>>) target(%dma_start3A_87 : memref<64x128xf32, #tpu.memory_space<hbm>>) target_semaphore(%arg12 : memref<!tpu.dma_semaphore, #tpu.memory_space<semaphore_mem>>)
    %dma_wait3A_90 = arith.constant 0 : i32
    %dma_wait3A_91 = arith.constant 0 : i32
    %dma_wait3A_92 = tpu.memref_slice %arg5[%arg0, %dma_wait3A_90, %dma_wait3A_91] : memref<2x1024x128xf32, #tpu.memory_space<hbm>> -> memref<1x1024x128xf32, #tpu.memory_space<hbm>>
    %dma_wait3A_93 = tpu.memref_squeeze %dma_wait3A_92 : memref<1x1024x128xf32, #tpu.memory_space<hbm>> -> memref<1024x128xf32, #tpu.memory_space<hbm>>
    %dma_wait3A_94 = arith.constant 0 : i32
    %dma_wait3A_95 = tpu.memref_slice %dma_wait3A_93[%mul3A_4, %dma_wait3A_94] : memref<1024x128xf32, #tpu.memory_space<hbm>> -> memref<64x128xf32, #tpu.memory_space<hbm>>
    %dma_wait3A_96 = arith.constant 0 : i32
    %dma_wait3A_97 = tpu.memref_slice %arg10[%mul3A_4, %dma_wait3A_96] : memref<1024x256xf32, #tpu.memory_space<vmem_shared>> -> memref<64x128xf32, #tpu.memory_space<vmem_shared>>
    tpu.wait_dma2 semaphore(%arg11 : memref<!tpu.dma_semaphore, #tpu.memory_space<semaphore_mem>>) src(%dma_wait3A_97 : memref<64x128xf32, #tpu.memory_space<vmem_shared>>) dst(%dma_wait3A_95 : memref<64x128xf32, #tpu.memory_space<hbm>>)
    %dma_wait3A_98 = arith.constant 0 : i32
    %dma_wait3A_99 = arith.constant 0 : i32
    %dma_wait3A_100 = tpu.memref_slice %arg6[%arg0, %dma_wait3A_98, %dma_wait3A_99] : memref<2x1024x128xf32, #tpu.memory_space<hbm>> -> memref<1x1024x128xf32, #tpu.memory_space<hbm>>
    %dma_wait3A_101 = tpu.memref_squeeze %dma_wait3A_100 : memref<1x1024x128xf32, #tpu.memory_space<hbm>> -> memref<1024x128xf32, #tpu.memory_space<hbm>>
    %dma_wait3A_102 = arith.constant 0 : i32
    %dma_wait3A_103 = tpu.memref_slice %dma_wait3A_101[%mul3A_4, %dma_wait3A_102] : memref<1024x128xf32, #tpu.memory_space<hbm>> -> memref<64x128xf32, #tpu.memory_space<hbm>>
    %dma_wait3A_104 = arith.constant 128 : i32
    %dma_wait3A_105 = tpu.memref_slice %arg10[%mul3A_4, %dma_wait3A_104] : memref<1024x256xf32, #tpu.memory_space<vmem_shared>> -> memref<64x128xf32, #tpu.memory_space<vmem_shared>>
    tpu.wait_dma2 semaphore(%arg12 : memref<!tpu.dma_semaphore, #tpu.memory_space<semaphore_mem>>) src(%dma_wait3A_105 : memref<64x128xf32, #tpu.memory_space<vmem_shared>>) dst(%dma_wait3A_103 : memref<64x128xf32, #tpu.memory_space<hbm>>)
    return
  }
}

#map = affine_map<(d0, d1) -> (0, 0)>
#map1 = affine_map<(d0, d1) -> (0, 0, 0)>
module attributes {stable_mosaic.version = 14 : i64} {
  func.func @_sc_segsum_body(%arg0: i32, %arg1: i32, %arg2: memref<8192x256xf32, #tpu.memory_space<hbm>>, %arg3: memref<64x128xi32, #tpu.memory_space<hbm>>, %arg4: memref<1024x256xf32, #tpu.memory_space<hbm>>, %arg5: memref<2x1024x128xf32, #tpu.memory_space<hbm>>, %arg6: memref<2x1024x128xf32, #tpu.memory_space<hbm>>, %arg7: memref<128xi32, #tpu.memory_space<vmem>>, %arg8: memref<128xi32, #tpu.memory_space<vmem>>, %arg9: memref<256x256xf32, #tpu.memory_space<vmem>>, %arg10: memref<1024x256xf32, #tpu.memory_space<vmem_shared>>, %arg11: memref<!tpu.dma_semaphore, #tpu.memory_space<semaphore_mem>>, %arg12: memref<!tpu.dma_semaphore, #tpu.memory_space<semaphore_mem>>, %arg13: memref<!tpu.dma_semaphore, #tpu.memory_space<semaphore_mem>>) attributes {dimension_semantics = [#tpu.dimension_semantics<core_parallel>, #tpu.dimension_semantics<subcore_parallel>], iteration_bounds = array<i64: 2, 16>, scalar_prefetch = 0 : i64, scratch_operands = 7 : i64, tpu.core_type = #tpu.core_type<sc_vector_subcore>, window_params = [{transform_indices = #map}, {transform_indices = #map}, {transform_indices = #map}, {transform_indices = #map1}, {transform_indices = #map1}]} {
    %mul3A = arith.constant 16 : i32
    %mul3A_0 = arith.muli %arg0, %mul3A : i32
    %add3A = arith.addi %mul3A_0, %arg1 : i32
    %mul3A_1 = arith.constant 256 : i32
    %mul3A_2 = arith.muli %add3A, %mul3A_1 : i32
    %mul3A_3 = arith.constant 64 : i32
    %mul3A_4 = arith.muli %arg1, %mul3A_3 : i32
    %dma_start3A = arith.constant 0 : i32
    %dma_start3A_5 = tpu.memref_slice %arg10[%mul3A_4, %dma_start3A] : memref<1024x256xf32, #tpu.memory_space<vmem_shared>> -> memref<64x256xf32, #tpu.memory_space<vmem_shared>>
    %dma_start3A_6 = arith.constant 0 : i32
    %dma_start3A_7 = tpu.memref_slice %arg4[%mul3A_4, %dma_start3A_6] : memref<1024x256xf32, #tpu.memory_space<hbm>> -> memref<64x256xf32, #tpu.memory_space<hbm>>
    tpu.enqueue_dma source(%dma_start3A_7 : memref<64x256xf32, #tpu.memory_space<hbm>>) target(%dma_start3A_5 : memref<64x256xf32, #tpu.memory_space<vmem_shared>>) target_semaphore(%arg11 : memref<!tpu.dma_semaphore, #tpu.memory_space<semaphore_mem>>)
    %dma_start3A_8 = arith.constant 0 : i32
    %dma_start3A_9 = tpu.memref_slice %arg2[%mul3A_2, %dma_start3A_8] : memref<8192x256xf32, #tpu.memory_space<hbm>> -> memref<256x256xf32, #tpu.memory_space<hbm>>
    %dma_start3A_10 = arith.constant 0 : i32
    %dma_start3A_11 = tpu.memref_slice %arg2[%mul3A_2, %dma_start3A_10] : memref<8192x256xf32, #tpu.memory_space<hbm>> -> memref<256x256xf32, #tpu.memory_space<hbm>>
    tpu.enqueue_dma source(%dma_start3A_11 : memref<256x256xf32, #tpu.memory_space<hbm>>) target(%arg9 : memref<256x256xf32, #tpu.memory_space<vmem>>) target_semaphore(%arg12 : memref<!tpu.dma_semaphore, #tpu.memory_space<semaphore_mem>>)
    %mul3A_12 = arith.constant 2 : i32
    %mul3A_13 = arith.muli %add3A, %mul3A_12 : i32
    %dma_start3A_14 = arith.constant 0 : i32
    %dma_start3A_15 = tpu.memref_slice %arg3[%mul3A_13, %dma_start3A_14] : memref<64x128xi32, #tpu.memory_space<hbm>> -> memref<1x128xi32, #tpu.memory_space<hbm>>
    %dma_start3A_16 = tpu.memref_squeeze %dma_start3A_15 : memref<1x128xi32, #tpu.memory_space<hbm>> -> memref<128xi32, #tpu.memory_space<hbm>>
    %dma_start3A_17 = arith.constant 0 : i32
    %dma_start3A_18 = tpu.memref_slice %arg3[%mul3A_13, %dma_start3A_17] : memref<64x128xi32, #tpu.memory_space<hbm>> -> memref<1x128xi32, #tpu.memory_space<hbm>>
    %dma_start3A_19 = tpu.memref_squeeze %dma_start3A_18 : memref<1x128xi32, #tpu.memory_space<hbm>> -> memref<128xi32, #tpu.memory_space<hbm>>
    tpu.enqueue_dma source(%dma_start3A_19 : memref<128xi32, #tpu.memory_space<hbm>>) target(%arg7 : memref<128xi32, #tpu.memory_space<vmem>>) target_semaphore(%arg13 : memref<!tpu.dma_semaphore, #tpu.memory_space<semaphore_mem>>)
    %mul3A_20 = arith.constant 2 : i32
    %mul3A_21 = arith.muli %add3A, %mul3A_20 : i32
    %add3A_22 = arith.constant 1 : i32
    %add3A_23 = arith.addi %mul3A_21, %add3A_22 : i32
    %dma_start3A_24 = arith.constant 0 : i32
    %dma_start3A_25 = tpu.memref_slice %arg3[%add3A_23, %dma_start3A_24] : memref<64x128xi32, #tpu.memory_space<hbm>> -> memref<1x128xi32, #tpu.memory_space<hbm>>
    %dma_start3A_26 = tpu.memref_squeeze %dma_start3A_25 : memref<1x128xi32, #tpu.memory_space<hbm>> -> memref<128xi32, #tpu.memory_space<hbm>>
    %dma_start3A_27 = arith.constant 0 : i32
    %dma_start3A_28 = tpu.memref_slice %arg3[%add3A_23, %dma_start3A_27] : memref<64x128xi32, #tpu.memory_space<hbm>> -> memref<1x128xi32, #tpu.memory_space<hbm>>
    %dma_start3A_29 = tpu.memref_squeeze %dma_start3A_28 : memref<1x128xi32, #tpu.memory_space<hbm>> -> memref<128xi32, #tpu.memory_space<hbm>>
    tpu.enqueue_dma source(%dma_start3A_29 : memref<128xi32, #tpu.memory_space<hbm>>) target(%arg8 : memref<128xi32, #tpu.memory_space<vmem>>) target_semaphore(%arg13 : memref<!tpu.dma_semaphore, #tpu.memory_space<semaphore_mem>>)
    %dma_wait3A = arith.constant 0 : i32
    %dma_wait3A_30 = tpu.memref_slice %arg3[%mul3A_13, %dma_wait3A] : memref<64x128xi32, #tpu.memory_space<hbm>> -> memref<1x128xi32, #tpu.memory_space<hbm>>
    %dma_wait3A_31 = tpu.memref_squeeze %dma_wait3A_30 : memref<1x128xi32, #tpu.memory_space<hbm>> -> memref<128xi32, #tpu.memory_space<hbm>>
    %dma_wait3A_32 = arith.constant 0 : i32
    %dma_wait3A_33 = tpu.memref_slice %arg3[%mul3A_13, %dma_wait3A_32] : memref<64x128xi32, #tpu.memory_space<hbm>> -> memref<1x128xi32, #tpu.memory_space<hbm>>
    %dma_wait3A_34 = tpu.memref_squeeze %dma_wait3A_33 : memref<1x128xi32, #tpu.memory_space<hbm>> -> memref<128xi32, #tpu.memory_space<hbm>>
    tpu.wait_dma2 semaphore(%arg13 : memref<!tpu.dma_semaphore, #tpu.memory_space<semaphore_mem>>) src(%dma_wait3A_34 : memref<128xi32, #tpu.memory_space<hbm>>) dst(%arg7 : memref<128xi32, #tpu.memory_space<vmem>>)
    %dma_wait3A_35 = arith.constant 0 : i32
    %dma_wait3A_36 = tpu.memref_slice %arg3[%add3A_23, %dma_wait3A_35] : memref<64x128xi32, #tpu.memory_space<hbm>> -> memref<1x128xi32, #tpu.memory_space<hbm>>
    %dma_wait3A_37 = tpu.memref_squeeze %dma_wait3A_36 : memref<1x128xi32, #tpu.memory_space<hbm>> -> memref<128xi32, #tpu.memory_space<hbm>>
    %dma_wait3A_38 = arith.constant 0 : i32
    %dma_wait3A_39 = tpu.memref_slice %arg3[%add3A_23, %dma_wait3A_38] : memref<64x128xi32, #tpu.memory_space<hbm>> -> memref<1x128xi32, #tpu.memory_space<hbm>>
    %dma_wait3A_40 = tpu.memref_squeeze %dma_wait3A_39 : memref<1x128xi32, #tpu.memory_space<hbm>> -> memref<128xi32, #tpu.memory_space<hbm>>
    tpu.wait_dma2 semaphore(%arg13 : memref<!tpu.dma_semaphore, #tpu.memory_space<semaphore_mem>>) src(%dma_wait3A_40 : memref<128xi32, #tpu.memory_space<hbm>>) dst(%arg8 : memref<128xi32, #tpu.memory_space<vmem>>)
    %dma_wait3A_41 = arith.constant 0 : i32
    %dma_wait3A_42 = tpu.memref_slice %arg10[%mul3A_4, %dma_wait3A_41] : memref<1024x256xf32, #tpu.memory_space<vmem_shared>> -> memref<64x256xf32, #tpu.memory_space<vmem_shared>>
    %dma_wait3A_43 = arith.constant 0 : i32
    %dma_wait3A_44 = tpu.memref_slice %arg4[%mul3A_4, %dma_wait3A_43] : memref<1024x256xf32, #tpu.memory_space<hbm>> -> memref<64x256xf32, #tpu.memory_space<hbm>>
    tpu.wait_dma2 semaphore(%arg11 : memref<!tpu.dma_semaphore, #tpu.memory_space<semaphore_mem>>) src(%dma_wait3A_44 : memref<64x256xf32, #tpu.memory_space<hbm>>) dst(%dma_wait3A_42 : memref<64x256xf32, #tpu.memory_space<vmem_shared>>)
    %dma_wait3A_45 = arith.constant 0 : i32
    %dma_wait3A_46 = tpu.memref_slice %arg2[%mul3A_2, %dma_wait3A_45] : memref<8192x256xf32, #tpu.memory_space<hbm>> -> memref<256x256xf32, #tpu.memory_space<hbm>>
    %dma_wait3A_47 = arith.constant 0 : i32
    %dma_wait3A_48 = tpu.memref_slice %arg2[%mul3A_2, %dma_wait3A_47] : memref<8192x256xf32, #tpu.memory_space<hbm>> -> memref<256x256xf32, #tpu.memory_space<hbm>>
    tpu.wait_dma2 semaphore(%arg12 : memref<!tpu.dma_semaphore, #tpu.memory_space<semaphore_mem>>) src(%dma_wait3A_48 : memref<256x256xf32, #tpu.memory_space<hbm>>) dst(%arg9 : memref<256x256xf32, #tpu.memory_space<vmem>>)
    %barrier3A = arith.constant 0 : index
    tpu.barrier barrier_id(%barrier3A)
    %dma_start3A_49 = arith.constant 0 : i32
    %dma_start3A_50 = arith.constant 0 : i32
    %dma_start3A_51 = tpu.memref_slice %arg9[%dma_start3A_49, %dma_start3A_50] : memref<256x256xf32, #tpu.memory_space<vmem>> -> memref<128x256xf32, #tpu.memory_space<vmem>>
    %dma_start3A_52 = arith.constant 0 : i32
    %dma_start3A_53 = arith.constant 0 : i32
    %dma_start3A_54 = tpu.memref_slice %arg10[%dma_start3A_52, %dma_start3A_53] : memref<1024x256xf32, #tpu.memory_space<vmem_shared>> -> memref<1024x256xf32, #tpu.memory_space<vmem_shared>>
    tpu.enqueue_indirect_dma source(%dma_start3A_51 : memref<128x256xf32, #tpu.memory_space<vmem>>) target(%dma_start3A_54 : memref<1024x256xf32, #tpu.memory_space<vmem_shared>>) offsets(%arg7 : memref<128xi32, #tpu.memory_space<vmem>>) semaphore(%arg12 : memref<!tpu.dma_semaphore, #tpu.memory_space<semaphore_mem>>) {add = true}
    %dma_start3A_55 = arith.constant 128 : i32
    %dma_start3A_56 = arith.constant 0 : i32
    %dma_start3A_57 = tpu.memref_slice %arg9[%dma_start3A_55, %dma_start3A_56] : memref<256x256xf32, #tpu.memory_space<vmem>> -> memref<128x256xf32, #tpu.memory_space<vmem>>
    %dma_start3A_58 = arith.constant 0 : i32
    %dma_start3A_59 = arith.constant 0 : i32
    %dma_start3A_60 = tpu.memref_slice %arg10[%dma_start3A_58, %dma_start3A_59] : memref<1024x256xf32, #tpu.memory_space<vmem_shared>> -> memref<1024x256xf32, #tpu.memory_space<vmem_shared>>
    tpu.enqueue_indirect_dma source(%dma_start3A_57 : memref<128x256xf32, #tpu.memory_space<vmem>>) target(%dma_start3A_60 : memref<1024x256xf32, #tpu.memory_space<vmem_shared>>) offsets(%arg8 : memref<128xi32, #tpu.memory_space<vmem>>) semaphore(%arg12 : memref<!tpu.dma_semaphore, #tpu.memory_space<semaphore_mem>>) {add = true}
    %dma_wait3A_61 = arith.constant 0 : i32
    %dma_wait3A_62 = arith.constant 0 : i32
    %dma_wait3A_63 = tpu.memref_slice %arg9[%dma_wait3A_61, %dma_wait3A_62] : memref<256x256xf32, #tpu.memory_space<vmem>> -> memref<128x256xf32, #tpu.memory_space<vmem>>
    %dma_wait3A_64 = arith.constant 0 : i32
    %dma_wait3A_65 = arith.constant 0 : i32
    %dma_wait3A_66 = tpu.memref_slice %arg10[%dma_wait3A_64, %dma_wait3A_65] : memref<1024x256xf32, #tpu.memory_space<vmem_shared>> -> memref<1024x256xf32, #tpu.memory_space<vmem_shared>>
    tpu.wait_indirect_dma semaphore(%arg12 : memref<!tpu.dma_semaphore, #tpu.memory_space<semaphore_mem>>) src(%dma_wait3A_63 : memref<128x256xf32, #tpu.memory_space<vmem>>) dst(%dma_wait3A_66 : memref<1024x256xf32, #tpu.memory_space<vmem_shared>>)
    %dma_wait3A_67 = arith.constant 128 : i32
    %dma_wait3A_68 = arith.constant 0 : i32
    %dma_wait3A_69 = tpu.memref_slice %arg9[%dma_wait3A_67, %dma_wait3A_68] : memref<256x256xf32, #tpu.memory_space<vmem>> -> memref<128x256xf32, #tpu.memory_space<vmem>>
    %dma_wait3A_70 = arith.constant 0 : i32
    %dma_wait3A_71 = arith.constant 0 : i32
    %dma_wait3A_72 = tpu.memref_slice %arg10[%dma_wait3A_70, %dma_wait3A_71] : memref<1024x256xf32, #tpu.memory_space<vmem_shared>> -> memref<1024x256xf32, #tpu.memory_space<vmem_shared>>
    tpu.wait_indirect_dma semaphore(%arg12 : memref<!tpu.dma_semaphore, #tpu.memory_space<semaphore_mem>>) src(%dma_wait3A_69 : memref<128x256xf32, #tpu.memory_space<vmem>>) dst(%dma_wait3A_72 : memref<1024x256xf32, #tpu.memory_space<vmem_shared>>)
    %barrier3A_73 = arith.constant 0 : index
    tpu.barrier barrier_id(%barrier3A_73)
    %dma_start3A_74 = arith.constant 0 : i32
    %dma_start3A_75 = arith.constant 0 : i32
    %dma_start3A_76 = tpu.memref_slice %arg5[%arg0, %dma_start3A_74, %dma_start3A_75] : memref<2x1024x128xf32, #tpu.memory_space<hbm>> -> memref<1x1024x128xf32, #tpu.memory_space<hbm>>
    %dma_start3A_77 = tpu.memref_squeeze %dma_start3A_76 : memref<1x1024x128xf32, #tpu.memory_space<hbm>> -> memref<1024x128xf32, #tpu.memory_space<hbm>>
    %dma_start3A_78 = arith.constant 0 : i32
    %dma_start3A_79 = tpu.memref_slice %dma_start3A_77[%mul3A_4, %dma_start3A_78] : memref<1024x128xf32, #tpu.memory_space<hbm>> -> memref<64x128xf32, #tpu.memory_space<hbm>>
    %dma_start3A_80 = arith.constant 0 : i32
    %dma_start3A_81 = tpu.memref_slice %arg10[%mul3A_4, %dma_start3A_80] : memref<1024x256xf32, #tpu.memory_space<vmem_shared>> -> memref<64x128xf32, #tpu.memory_space<vmem_shared>>
    tpu.enqueue_dma source(%dma_start3A_81 : memref<64x128xf32, #tpu.memory_space<vmem_shared>>) target(%dma_start3A_79 : memref<64x128xf32, #tpu.memory_space<hbm>>) target_semaphore(%arg11 : memref<!tpu.dma_semaphore, #tpu.memory_space<semaphore_mem>>)
    %dma_start3A_82 = arith.constant 0 : i32
    %dma_start3A_83 = arith.constant 0 : i32
    %dma_start3A_84 = tpu.memref_slice %arg6[%arg0, %dma_start3A_82, %dma_start3A_83] : memref<2x1024x128xf32, #tpu.memory_space<hbm>> -> memref<1x1024x128xf32, #tpu.memory_space<hbm>>
    %dma_start3A_85 = tpu.memref_squeeze %dma_start3A_84 : memref<1x1024x128xf32, #tpu.memory_space<hbm>> -> memref<1024x128xf32, #tpu.memory_space<hbm>>
    %dma_start3A_86 = arith.constant 0 : i32
    %dma_start3A_87 = tpu.memref_slice %dma_start3A_85[%mul3A_4, %dma_start3A_86] : memref<1024x128xf32, #tpu.memory_space<hbm>> -> memref<64x128xf32, #tpu.memory_space<hbm>>
    %dma_start3A_88 = arith.constant 128 : i32
    %dma_start3A_89 = tpu.memref_slice %arg10[%mul3A_4, %dma_start3A_88] : memref<1024x256xf32, #tpu.memory_space<vmem_shared>> -> memref<64x128xf32, #tpu.memory_space<vmem_shared>>
    tpu.enqueue_dma source(%dma_start3A_89 : memref<64x128xf32, #tpu.memory_space<vmem_shared>>) target(%dma_start3A_87 : memref<64x128xf32, #tpu.memory_space<hbm>>) target_semaphore(%arg12 : memref<!tpu.dma_semaphore, #tpu.memory_space<semaphore_mem>>)
    %dma_wait3A_90 = arith.constant 0 : i32
    %dma_wait3A_91 = arith.constant 0 : i32
    %dma_wait3A_92 = tpu.memref_slice %arg5[%arg0, %dma_wait3A_90, %dma_wait3A_91] : memref<2x1024x128xf32, #tpu.memory_space<hbm>> -> memref<1x1024x128xf32, #tpu.memory_space<hbm>>
    %dma_wait3A_93 = tpu.memref_squeeze %dma_wait3A_92 : memref<1x1024x128xf32, #tpu.memory_space<hbm>> -> memref<1024x128xf32, #tpu.memory_space<hbm>>
    %dma_wait3A_94 = arith.constant 0 : i32
    %dma_wait3A_95 = tpu.memref_slice %dma_wait3A_93[%mul3A_4, %dma_wait3A_94] : memref<1024x128xf32, #tpu.memory_space<hbm>> -> memref<64x128xf32, #tpu.memory_space<hbm>>
    %dma_wait3A_96 = arith.constant 0 : i32
    %dma_wait3A_97 = tpu.memref_slice %arg10[%mul3A_4, %dma_wait3A_96] : memref<1024x256xf32, #tpu.memory_space<vmem_shared>> -> memref<64x128xf32, #tpu.memory_space<vmem_shared>>
    tpu.wait_dma2 semaphore(%arg11 : memref<!tpu.dma_semaphore, #tpu.memory_space<semaphore_mem>>) src(%dma_wait3A_97 : memref<64x128xf32, #tpu.memory_space<vmem_shared>>) dst(%dma_wait3A_95 : memref<64x128xf32, #tpu.memory_space<hbm>>)
    %dma_wait3A_98 = arith.constant 0 : i32
    %dma_wait3A_99 = arith.constant 0 : i32
    %dma_wait3A_100 = tpu.memref_slice %arg6[%arg0, %dma_wait3A_98, %dma_wait3A_99] : memref<2x1024x128xf32, #tpu.memory_space<hbm>> -> memref<1x1024x128xf32, #tpu.memory_space<hbm>>
    %dma_wait3A_101 = tpu.memref_squeeze %dma_wait3A_100 : memref<1x1024x128xf32, #tpu.memory_space<hbm>> -> memref<1024x128xf32, #tpu.memory_space<hbm>>
    %dma_wait3A_102 = arith.constant 0 : i32
    %dma_wait3A_103 = tpu.memref_slice %dma_wait3A_101[%mul3A_4, %dma_wait3A_102] : memref<1024x128xf32, #tpu.memory_space<hbm>> -> memref<64x128xf32, #tpu.memory_space<hbm>>
    %dma_wait3A_104 = arith.constant 128 : i32
    %dma_wait3A_105 = tpu.memref_slice %arg10[%mul3A_4, %dma_wait3A_104] : memref<1024x256xf32, #tpu.memory_space<vmem_shared>> -> memref<64x128xf32, #tpu.memory_space<vmem_shared>>
    tpu.wait_dma2 semaphore(%arg12 : memref<!tpu.dma_semaphore, #tpu.memory_space<semaphore_mem>>) src(%dma_wait3A_105 : memref<64x128xf32, #tpu.memory_space<vmem_shared>>) dst(%dma_wait3A_103 : memref<64x128xf32, #tpu.memory_space<hbm>>)
    return
  }
}

#map = affine_map<(d0, d1) -> (0, 0)>
#map1 = affine_map<(d0, d1) -> (0, 0, 0)>
module attributes {stable_mosaic.version = 14 : i64} {
  func.func @_sc_segsum_body(%arg0: i32, %arg1: i32, %arg2: memref<8192x256xf32, #tpu.memory_space<hbm>>, %arg3: memref<64x128xi32, #tpu.memory_space<hbm>>, %arg4: memref<1024x256xf32, #tpu.memory_space<hbm>>, %arg5: memref<2x1024x128xf32, #tpu.memory_space<hbm>>, %arg6: memref<2x1024x128xf32, #tpu.memory_space<hbm>>, %arg7: memref<128xi32, #tpu.memory_space<vmem>>, %arg8: memref<128xi32, #tpu.memory_space<vmem>>, %arg9: memref<256x256xf32, #tpu.memory_space<vmem>>, %arg10: memref<1024x256xf32, #tpu.memory_space<vmem_shared>>, %arg11: memref<!tpu.dma_semaphore, #tpu.memory_space<semaphore_mem>>, %arg12: memref<!tpu.dma_semaphore, #tpu.memory_space<semaphore_mem>>, %arg13: memref<!tpu.dma_semaphore, #tpu.memory_space<semaphore_mem>>) attributes {dimension_semantics = [#tpu.dimension_semantics<core_parallel>, #tpu.dimension_semantics<subcore_parallel>], iteration_bounds = array<i64: 2, 16>, scalar_prefetch = 0 : i64, scratch_operands = 7 : i64, tpu.core_type = #tpu.core_type<sc_vector_subcore>, window_params = [{transform_indices = #map}, {transform_indices = #map}, {transform_indices = #map}, {transform_indices = #map1}, {transform_indices = #map1}]} {
    %mul3A = arith.constant 16 : i32
    %mul3A_0 = arith.muli %arg0, %mul3A : i32
    %add3A = arith.addi %mul3A_0, %arg1 : i32
    %mul3A_1 = arith.constant 256 : i32
    %mul3A_2 = arith.muli %add3A, %mul3A_1 : i32
    %mul3A_3 = arith.constant 64 : i32
    %mul3A_4 = arith.muli %arg1, %mul3A_3 : i32
    %dma_start3A = arith.constant 0 : i32
    %dma_start3A_5 = tpu.memref_slice %arg10[%mul3A_4, %dma_start3A] : memref<1024x256xf32, #tpu.memory_space<vmem_shared>> -> memref<64x256xf32, #tpu.memory_space<vmem_shared>>
    %dma_start3A_6 = arith.constant 0 : i32
    %dma_start3A_7 = tpu.memref_slice %arg4[%mul3A_4, %dma_start3A_6] : memref<1024x256xf32, #tpu.memory_space<hbm>> -> memref<64x256xf32, #tpu.memory_space<hbm>>
    tpu.enqueue_dma source(%dma_start3A_7 : memref<64x256xf32, #tpu.memory_space<hbm>>) target(%dma_start3A_5 : memref<64x256xf32, #tpu.memory_space<vmem_shared>>) target_semaphore(%arg11 : memref<!tpu.dma_semaphore, #tpu.memory_space<semaphore_mem>>)
    %dma_start3A_8 = arith.constant 0 : i32
    %dma_start3A_9 = tpu.memref_slice %arg2[%mul3A_2, %dma_start3A_8] : memref<8192x256xf32, #tpu.memory_space<hbm>> -> memref<256x256xf32, #tpu.memory_space<hbm>>
    %dma_start3A_10 = arith.constant 0 : i32
    %dma_start3A_11 = tpu.memref_slice %arg2[%mul3A_2, %dma_start3A_10] : memref<8192x256xf32, #tpu.memory_space<hbm>> -> memref<256x256xf32, #tpu.memory_space<hbm>>
    tpu.enqueue_dma source(%dma_start3A_11 : memref<256x256xf32, #tpu.memory_space<hbm>>) target(%arg9 : memref<256x256xf32, #tpu.memory_space<vmem>>) target_semaphore(%arg12 : memref<!tpu.dma_semaphore, #tpu.memory_space<semaphore_mem>>)
    %mul3A_12 = arith.constant 2 : i32
    %mul3A_13 = arith.muli %add3A, %mul3A_12 : i32
    %dma_start3A_14 = arith.constant 0 : i32
    %dma_start3A_15 = tpu.memref_slice %arg3[%mul3A_13, %dma_start3A_14] : memref<64x128xi32, #tpu.memory_space<hbm>> -> memref<1x128xi32, #tpu.memory_space<hbm>>
    %dma_start3A_16 = tpu.memref_squeeze %dma_start3A_15 : memref<1x128xi32, #tpu.memory_space<hbm>> -> memref<128xi32, #tpu.memory_space<hbm>>
    %dma_start3A_17 = arith.constant 0 : i32
    %dma_start3A_18 = tpu.memref_slice %arg3[%mul3A_13, %dma_start3A_17] : memref<64x128xi32, #tpu.memory_space<hbm>> -> memref<1x128xi32, #tpu.memory_space<hbm>>
    %dma_start3A_19 = tpu.memref_squeeze %dma_start3A_18 : memref<1x128xi32, #tpu.memory_space<hbm>> -> memref<128xi32, #tpu.memory_space<hbm>>
    tpu.enqueue_dma source(%dma_start3A_19 : memref<128xi32, #tpu.memory_space<hbm>>) target(%arg7 : memref<128xi32, #tpu.memory_space<vmem>>) target_semaphore(%arg13 : memref<!tpu.dma_semaphore, #tpu.memory_space<semaphore_mem>>)
    %mul3A_20 = arith.constant 2 : i32
    %mul3A_21 = arith.muli %add3A, %mul3A_20 : i32
    %add3A_22 = arith.constant 1 : i32
    %add3A_23 = arith.addi %mul3A_21, %add3A_22 : i32
    %dma_start3A_24 = arith.constant 0 : i32
    %dma_start3A_25 = tpu.memref_slice %arg3[%add3A_23, %dma_start3A_24] : memref<64x128xi32, #tpu.memory_space<hbm>> -> memref<1x128xi32, #tpu.memory_space<hbm>>
    %dma_start3A_26 = tpu.memref_squeeze %dma_start3A_25 : memref<1x128xi32, #tpu.memory_space<hbm>> -> memref<128xi32, #tpu.memory_space<hbm>>
    %dma_start3A_27 = arith.constant 0 : i32
    %dma_start3A_28 = tpu.memref_slice %arg3[%add3A_23, %dma_start3A_27] : memref<64x128xi32, #tpu.memory_space<hbm>> -> memref<1x128xi32, #tpu.memory_space<hbm>>
    %dma_start3A_29 = tpu.memref_squeeze %dma_start3A_28 : memref<1x128xi32, #tpu.memory_space<hbm>> -> memref<128xi32, #tpu.memory_space<hbm>>
    tpu.enqueue_dma source(%dma_start3A_29 : memref<128xi32, #tpu.memory_space<hbm>>) target(%arg8 : memref<128xi32, #tpu.memory_space<vmem>>) target_semaphore(%arg13 : memref<!tpu.dma_semaphore, #tpu.memory_space<semaphore_mem>>)
    %dma_wait3A = arith.constant 0 : i32
    %dma_wait3A_30 = tpu.memref_slice %arg3[%mul3A_13, %dma_wait3A] : memref<64x128xi32, #tpu.memory_space<hbm>> -> memref<1x128xi32, #tpu.memory_space<hbm>>
    %dma_wait3A_31 = tpu.memref_squeeze %dma_wait3A_30 : memref<1x128xi32, #tpu.memory_space<hbm>> -> memref<128xi32, #tpu.memory_space<hbm>>
    %dma_wait3A_32 = arith.constant 0 : i32
    %dma_wait3A_33 = tpu.memref_slice %arg3[%mul3A_13, %dma_wait3A_32] : memref<64x128xi32, #tpu.memory_space<hbm>> -> memref<1x128xi32, #tpu.memory_space<hbm>>
    %dma_wait3A_34 = tpu.memref_squeeze %dma_wait3A_33 : memref<1x128xi32, #tpu.memory_space<hbm>> -> memref<128xi32, #tpu.memory_space<hbm>>
    tpu.wait_dma2 semaphore(%arg13 : memref<!tpu.dma_semaphore, #tpu.memory_space<semaphore_mem>>) src(%dma_wait3A_34 : memref<128xi32, #tpu.memory_space<hbm>>) dst(%arg7 : memref<128xi32, #tpu.memory_space<vmem>>)
    %dma_wait3A_35 = arith.constant 0 : i32
    %dma_wait3A_36 = tpu.memref_slice %arg3[%add3A_23, %dma_wait3A_35] : memref<64x128xi32, #tpu.memory_space<hbm>> -> memref<1x128xi32, #tpu.memory_space<hbm>>
    %dma_wait3A_37 = tpu.memref_squeeze %dma_wait3A_36 : memref<1x128xi32, #tpu.memory_space<hbm>> -> memref<128xi32, #tpu.memory_space<hbm>>
    %dma_wait3A_38 = arith.constant 0 : i32
    %dma_wait3A_39 = tpu.memref_slice %arg3[%add3A_23, %dma_wait3A_38] : memref<64x128xi32, #tpu.memory_space<hbm>> -> memref<1x128xi32, #tpu.memory_space<hbm>>
    %dma_wait3A_40 = tpu.memref_squeeze %dma_wait3A_39 : memref<1x128xi32, #tpu.memory_space<hbm>> -> memref<128xi32, #tpu.memory_space<hbm>>
    tpu.wait_dma2 semaphore(%arg13 : memref<!tpu.dma_semaphore, #tpu.memory_space<semaphore_mem>>) src(%dma_wait3A_40 : memref<128xi32, #tpu.memory_space<hbm>>) dst(%arg8 : memref<128xi32, #tpu.memory_space<vmem>>)
    %dma_wait3A_41 = arith.constant 0 : i32
    %dma_wait3A_42 = tpu.memref_slice %arg10[%mul3A_4, %dma_wait3A_41] : memref<1024x256xf32, #tpu.memory_space<vmem_shared>> -> memref<64x256xf32, #tpu.memory_space<vmem_shared>>
    %dma_wait3A_43 = arith.constant 0 : i32
    %dma_wait3A_44 = tpu.memref_slice %arg4[%mul3A_4, %dma_wait3A_43] : memref<1024x256xf32, #tpu.memory_space<hbm>> -> memref<64x256xf32, #tpu.memory_space<hbm>>
    tpu.wait_dma2 semaphore(%arg11 : memref<!tpu.dma_semaphore, #tpu.memory_space<semaphore_mem>>) src(%dma_wait3A_44 : memref<64x256xf32, #tpu.memory_space<hbm>>) dst(%dma_wait3A_42 : memref<64x256xf32, #tpu.memory_space<vmem_shared>>)
    %dma_wait3A_45 = arith.constant 0 : i32
    %dma_wait3A_46 = tpu.memref_slice %arg2[%mul3A_2, %dma_wait3A_45] : memref<8192x256xf32, #tpu.memory_space<hbm>> -> memref<256x256xf32, #tpu.memory_space<hbm>>
    %dma_wait3A_47 = arith.constant 0 : i32
    %dma_wait3A_48 = tpu.memref_slice %arg2[%mul3A_2, %dma_wait3A_47] : memref<8192x256xf32, #tpu.memory_space<hbm>> -> memref<256x256xf32, #tpu.memory_space<hbm>>
    tpu.wait_dma2 semaphore(%arg12 : memref<!tpu.dma_semaphore, #tpu.memory_space<semaphore_mem>>) src(%dma_wait3A_48 : memref<256x256xf32, #tpu.memory_space<hbm>>) dst(%arg9 : memref<256x256xf32, #tpu.memory_space<vmem>>)
    %barrier3A = arith.constant 0 : index
    tpu.barrier barrier_id(%barrier3A)
    %dma_start3A_49 = arith.constant 0 : i32
    %dma_start3A_50 = arith.constant 0 : i32
    %dma_start3A_51 = tpu.memref_slice %arg9[%dma_start3A_49, %dma_start3A_50] : memref<256x256xf32, #tpu.memory_space<vmem>> -> memref<128x256xf32, #tpu.memory_space<vmem>>
    %dma_start3A_52 = arith.constant 0 : i32
    %dma_start3A_53 = arith.constant 0 : i32
    %dma_start3A_54 = tpu.memref_slice %arg10[%dma_start3A_52, %dma_start3A_53] : memref<1024x256xf32, #tpu.memory_space<vmem_shared>> -> memref<1024x256xf32, #tpu.memory_space<vmem_shared>>
    tpu.enqueue_indirect_dma source(%dma_start3A_51 : memref<128x256xf32, #tpu.memory_space<vmem>>) target(%dma_start3A_54 : memref<1024x256xf32, #tpu.memory_space<vmem_shared>>) offsets(%arg7 : memref<128xi32, #tpu.memory_space<vmem>>) semaphore(%arg12 : memref<!tpu.dma_semaphore, #tpu.memory_space<semaphore_mem>>) {add = true}
    %dma_start3A_55 = arith.constant 128 : i32
    %dma_start3A_56 = arith.constant 0 : i32
    %dma_start3A_57 = tpu.memref_slice %arg9[%dma_start3A_55, %dma_start3A_56] : memref<256x256xf32, #tpu.memory_space<vmem>> -> memref<128x256xf32, #tpu.memory_space<vmem>>
    %dma_start3A_58 = arith.constant 0 : i32
    %dma_start3A_59 = arith.constant 0 : i32
    %dma_start3A_60 = tpu.memref_slice %arg10[%dma_start3A_58, %dma_start3A_59] : memref<1024x256xf32, #tpu.memory_space<vmem_shared>> -> memref<1024x256xf32, #tpu.memory_space<vmem_shared>>
    tpu.enqueue_indirect_dma source(%dma_start3A_57 : memref<128x256xf32, #tpu.memory_space<vmem>>) target(%dma_start3A_60 : memref<1024x256xf32, #tpu.memory_space<vmem_shared>>) offsets(%arg8 : memref<128xi32, #tpu.memory_space<vmem>>) semaphore(%arg12 : memref<!tpu.dma_semaphore, #tpu.memory_space<semaphore_mem>>) {add = true}
    %dma_wait3A_61 = arith.constant 0 : i32
    %dma_wait3A_62 = arith.constant 0 : i32
    %dma_wait3A_63 = tpu.memref_slice %arg9[%dma_wait3A_61, %dma_wait3A_62] : memref<256x256xf32, #tpu.memory_space<vmem>> -> memref<128x256xf32, #tpu.memory_space<vmem>>
    %dma_wait3A_64 = arith.constant 0 : i32
    %dma_wait3A_65 = arith.constant 0 : i32
    %dma_wait3A_66 = tpu.memref_slice %arg10[%dma_wait3A_64, %dma_wait3A_65] : memref<1024x256xf32, #tpu.memory_space<vmem_shared>> -> memref<1024x256xf32, #tpu.memory_space<vmem_shared>>
    tpu.wait_indirect_dma semaphore(%arg12 : memref<!tpu.dma_semaphore, #tpu.memory_space<semaphore_mem>>) src(%dma_wait3A_63 : memref<128x256xf32, #tpu.memory_space<vmem>>) dst(%dma_wait3A_66 : memref<1024x256xf32, #tpu.memory_space<vmem_shared>>)
    %dma_wait3A_67 = arith.constant 128 : i32
    %dma_wait3A_68 = arith.constant 0 : i32
    %dma_wait3A_69 = tpu.memref_slice %arg9[%dma_wait3A_67, %dma_wait3A_68] : memref<256x256xf32, #tpu.memory_space<vmem>> -> memref<128x256xf32, #tpu.memory_space<vmem>>
    %dma_wait3A_70 = arith.constant 0 : i32
    %dma_wait3A_71 = arith.constant 0 : i32
    %dma_wait3A_72 = tpu.memref_slice %arg10[%dma_wait3A_70, %dma_wait3A_71] : memref<1024x256xf32, #tpu.memory_space<vmem_shared>> -> memref<1024x256xf32, #tpu.memory_space<vmem_shared>>
    tpu.wait_indirect_dma semaphore(%arg12 : memref<!tpu.dma_semaphore, #tpu.memory_space<semaphore_mem>>) src(%dma_wait3A_69 : memref<128x256xf32, #tpu.memory_space<vmem>>) dst(%dma_wait3A_72 : memref<1024x256xf32, #tpu.memory_space<vmem_shared>>)
    %barrier3A_73 = arith.constant 0 : index
    tpu.barrier barrier_id(%barrier3A_73)
    %dma_start3A_74 = arith.constant 0 : i32
    %dma_start3A_75 = arith.constant 0 : i32
    %dma_start3A_76 = tpu.memref_slice %arg5[%arg0, %dma_start3A_74, %dma_start3A_75] : memref<2x1024x128xf32, #tpu.memory_space<hbm>> -> memref<1x1024x128xf32, #tpu.memory_space<hbm>>
    %dma_start3A_77 = tpu.memref_squeeze %dma_start3A_76 : memref<1x1024x128xf32, #tpu.memory_space<hbm>> -> memref<1024x128xf32, #tpu.memory_space<hbm>>
    %dma_start3A_78 = arith.constant 0 : i32
    %dma_start3A_79 = tpu.memref_slice %dma_start3A_77[%mul3A_4, %dma_start3A_78] : memref<1024x128xf32, #tpu.memory_space<hbm>> -> memref<64x128xf32, #tpu.memory_space<hbm>>
    %dma_start3A_80 = arith.constant 0 : i32
    %dma_start3A_81 = tpu.memref_slice %arg10[%mul3A_4, %dma_start3A_80] : memref<1024x256xf32, #tpu.memory_space<vmem_shared>> -> memref<64x128xf32, #tpu.memory_space<vmem_shared>>
    tpu.enqueue_dma source(%dma_start3A_81 : memref<64x128xf32, #tpu.memory_space<vmem_shared>>) target(%dma_start3A_79 : memref<64x128xf32, #tpu.memory_space<hbm>>) target_semaphore(%arg11 : memref<!tpu.dma_semaphore, #tpu.memory_space<semaphore_mem>>)
    %dma_start3A_82 = arith.constant 0 : i32
    %dma_start3A_83 = arith.constant 0 : i32
    %dma_start3A_84 = tpu.memref_slice %arg6[%arg0, %dma_start3A_82, %dma_start3A_83] : memref<2x1024x128xf32, #tpu.memory_space<hbm>> -> memref<1x1024x128xf32, #tpu.memory_space<hbm>>
    %dma_start3A_85 = tpu.memref_squeeze %dma_start3A_84 : memref<1x1024x128xf32, #tpu.memory_space<hbm>> -> memref<1024x128xf32, #tpu.memory_space<hbm>>
    %dma_start3A_86 = arith.constant 0 : i32
    %dma_start3A_87 = tpu.memref_slice %dma_start3A_85[%mul3A_4, %dma_start3A_86] : memref<1024x128xf32, #tpu.memory_space<hbm>> -> memref<64x128xf32, #tpu.memory_space<hbm>>
    %dma_start3A_88 = arith.constant 128 : i32
    %dma_start3A_89 = tpu.memref_slice %arg10[%mul3A_4, %dma_start3A_88] : memref<1024x256xf32, #tpu.memory_space<vmem_shared>> -> memref<64x128xf32, #tpu.memory_space<vmem_shared>>
    tpu.enqueue_dma source(%dma_start3A_89 : memref<64x128xf32, #tpu.memory_space<vmem_shared>>) target(%dma_start3A_87 : memref<64x128xf32, #tpu.memory_space<hbm>>) target_semaphore(%arg12 : memref<!tpu.dma_semaphore, #tpu.memory_space<semaphore_mem>>)
    %dma_wait3A_90 = arith.constant 0 : i32
    %dma_wait3A_91 = arith.constant 0 : i32
    %dma_wait3A_92 = tpu.memref_slice %arg5[%arg0, %dma_wait3A_90, %dma_wait3A_91] : memref<2x1024x128xf32, #tpu.memory_space<hbm>> -> memref<1x1024x128xf32, #tpu.memory_space<hbm>>
    %dma_wait3A_93 = tpu.memref_squeeze %dma_wait3A_92 : memref<1x1024x128xf32, #tpu.memory_space<hbm>> -> memref<1024x128xf32, #tpu.memory_space<hbm>>
    %dma_wait3A_94 = arith.constant 0 : i32
    %dma_wait3A_95 = tpu.memref_slice %dma_wait3A_93[%mul3A_4, %dma_wait3A_94] : memref<1024x128xf32, #tpu.memory_space<hbm>> -> memref<64x128xf32, #tpu.memory_space<hbm>>
    %dma_wait3A_96 = arith.constant 0 : i32
    %dma_wait3A_97 = tpu.memref_slice %arg10[%mul3A_4, %dma_wait3A_96] : memref<1024x256xf32, #tpu.memory_space<vmem_shared>> -> memref<64x128xf32, #tpu.memory_space<vmem_shared>>
    tpu.wait_dma2 semaphore(%arg11 : memref<!tpu.dma_semaphore, #tpu.memory_space<semaphore_mem>>) src(%dma_wait3A_97 : memref<64x128xf32, #tpu.memory_space<vmem_shared>>) dst(%dma_wait3A_95 : memref<64x128xf32, #tpu.memory_space<hbm>>)
    %dma_wait3A_98 = arith.constant 0 : i32
    %dma_wait3A_99 = arith.constant 0 : i32
    %dma_wait3A_100 = tpu.memref_slice %arg6[%arg0, %dma_wait3A_98, %dma_wait3A_99] : memref<2x1024x128xf32, #tpu.memory_space<hbm>> -> memref<1x1024x128xf32, #tpu.memory_space<hbm>>
    %dma_wait3A_101 = tpu.memref_squeeze %dma_wait3A_100 : memref<1x1024x128xf32, #tpu.memory_space<hbm>> -> memref<1024x128xf32, #tpu.memory_space<hbm>>
    %dma_wait3A_102 = arith.constant 0 : i32
    %dma_wait3A_103 = tpu.memref_slice %dma_wait3A_101[%mul3A_4, %dma_wait3A_102] : memref<1024x128xf32, #tpu.memory_space<hbm>> -> memref<64x128xf32, #tpu.memory_space<hbm>>
    %dma_wait3A_104 = arith.constant 128 : i32
    %dma_wait3A_105 = tpu.memref_slice %arg10[%mul3A_4, %dma_wait3A_104] : memref<1024x256xf32, #tpu.memory_space<vmem_shared>> -> memref<64x128xf32, #tpu.memory_space<vmem_shared>>
    tpu.wait_dma2 semaphore(%arg12 : memref<!tpu.dma_semaphore, #tpu.memory_space<semaphore_mem>>) src(%dma_wait3A_105 : memref<64x128xf32, #tpu.memory_space<vmem_shared>>) dst(%dma_wait3A_103 : memref<64x128xf32, #tpu.memory_space<hbm>>)
    return
  }
}

#map = affine_map<(d0, d1) -> (0, 0)>
#map1 = affine_map<(d0, d1) -> (0, 0, 0)>
module attributes {stable_mosaic.version = 14 : i64} {
  func.func @_sc_segsum_body(%arg0: i32, %arg1: i32, %arg2: memref<8192x256xf32, #tpu.memory_space<hbm>>, %arg3: memref<64x128xi32, #tpu.memory_space<hbm>>, %arg4: memref<1024x256xf32, #tpu.memory_space<hbm>>, %arg5: memref<2x1024x128xf32, #tpu.memory_space<hbm>>, %arg6: memref<2x1024x128xf32, #tpu.memory_space<hbm>>, %arg7: memref<128xi32, #tpu.memory_space<vmem>>, %arg8: memref<128xi32, #tpu.memory_space<vmem>>, %arg9: memref<256x256xf32, #tpu.memory_space<vmem>>, %arg10: memref<1024x256xf32, #tpu.memory_space<vmem_shared>>, %arg11: memref<!tpu.dma_semaphore, #tpu.memory_space<semaphore_mem>>, %arg12: memref<!tpu.dma_semaphore, #tpu.memory_space<semaphore_mem>>, %arg13: memref<!tpu.dma_semaphore, #tpu.memory_space<semaphore_mem>>) attributes {dimension_semantics = [#tpu.dimension_semantics<core_parallel>, #tpu.dimension_semantics<subcore_parallel>], iteration_bounds = array<i64: 2, 16>, scalar_prefetch = 0 : i64, scratch_operands = 7 : i64, tpu.core_type = #tpu.core_type<sc_vector_subcore>, window_params = [{transform_indices = #map}, {transform_indices = #map}, {transform_indices = #map}, {transform_indices = #map1}, {transform_indices = #map1}]} {
    %mul3A = arith.constant 16 : i32
    %mul3A_0 = arith.muli %arg0, %mul3A : i32
    %add3A = arith.addi %mul3A_0, %arg1 : i32
    %mul3A_1 = arith.constant 256 : i32
    %mul3A_2 = arith.muli %add3A, %mul3A_1 : i32
    %mul3A_3 = arith.constant 64 : i32
    %mul3A_4 = arith.muli %arg1, %mul3A_3 : i32
    %dma_start3A = arith.constant 0 : i32
    %dma_start3A_5 = tpu.memref_slice %arg10[%mul3A_4, %dma_start3A] : memref<1024x256xf32, #tpu.memory_space<vmem_shared>> -> memref<64x256xf32, #tpu.memory_space<vmem_shared>>
    %dma_start3A_6 = arith.constant 0 : i32
    %dma_start3A_7 = tpu.memref_slice %arg4[%mul3A_4, %dma_start3A_6] : memref<1024x256xf32, #tpu.memory_space<hbm>> -> memref<64x256xf32, #tpu.memory_space<hbm>>
    tpu.enqueue_dma source(%dma_start3A_7 : memref<64x256xf32, #tpu.memory_space<hbm>>) target(%dma_start3A_5 : memref<64x256xf32, #tpu.memory_space<vmem_shared>>) target_semaphore(%arg11 : memref<!tpu.dma_semaphore, #tpu.memory_space<semaphore_mem>>)
    %dma_start3A_8 = arith.constant 0 : i32
    %dma_start3A_9 = tpu.memref_slice %arg2[%mul3A_2, %dma_start3A_8] : memref<8192x256xf32, #tpu.memory_space<hbm>> -> memref<256x256xf32, #tpu.memory_space<hbm>>
    %dma_start3A_10 = arith.constant 0 : i32
    %dma_start3A_11 = tpu.memref_slice %arg2[%mul3A_2, %dma_start3A_10] : memref<8192x256xf32, #tpu.memory_space<hbm>> -> memref<256x256xf32, #tpu.memory_space<hbm>>
    tpu.enqueue_dma source(%dma_start3A_11 : memref<256x256xf32, #tpu.memory_space<hbm>>) target(%arg9 : memref<256x256xf32, #tpu.memory_space<vmem>>) target_semaphore(%arg12 : memref<!tpu.dma_semaphore, #tpu.memory_space<semaphore_mem>>)
    %mul3A_12 = arith.constant 2 : i32
    %mul3A_13 = arith.muli %add3A, %mul3A_12 : i32
    %dma_start3A_14 = arith.constant 0 : i32
    %dma_start3A_15 = tpu.memref_slice %arg3[%mul3A_13, %dma_start3A_14] : memref<64x128xi32, #tpu.memory_space<hbm>> -> memref<1x128xi32, #tpu.memory_space<hbm>>
    %dma_start3A_16 = tpu.memref_squeeze %dma_start3A_15 : memref<1x128xi32, #tpu.memory_space<hbm>> -> memref<128xi32, #tpu.memory_space<hbm>>
    %dma_start3A_17 = arith.constant 0 : i32
    %dma_start3A_18 = tpu.memref_slice %arg3[%mul3A_13, %dma_start3A_17] : memref<64x128xi32, #tpu.memory_space<hbm>> -> memref<1x128xi32, #tpu.memory_space<hbm>>
    %dma_start3A_19 = tpu.memref_squeeze %dma_start3A_18 : memref<1x128xi32, #tpu.memory_space<hbm>> -> memref<128xi32, #tpu.memory_space<hbm>>
    tpu.enqueue_dma source(%dma_start3A_19 : memref<128xi32, #tpu.memory_space<hbm>>) target(%arg7 : memref<128xi32, #tpu.memory_space<vmem>>) target_semaphore(%arg13 : memref<!tpu.dma_semaphore, #tpu.memory_space<semaphore_mem>>)
    %mul3A_20 = arith.constant 2 : i32
    %mul3A_21 = arith.muli %add3A, %mul3A_20 : i32
    %add3A_22 = arith.constant 1 : i32
    %add3A_23 = arith.addi %mul3A_21, %add3A_22 : i32
    %dma_start3A_24 = arith.constant 0 : i32
    %dma_start3A_25 = tpu.memref_slice %arg3[%add3A_23, %dma_start3A_24] : memref<64x128xi32, #tpu.memory_space<hbm>> -> memref<1x128xi32, #tpu.memory_space<hbm>>
    %dma_start3A_26 = tpu.memref_squeeze %dma_start3A_25 : memref<1x128xi32, #tpu.memory_space<hbm>> -> memref<128xi32, #tpu.memory_space<hbm>>
    %dma_start3A_27 = arith.constant 0 : i32
    %dma_start3A_28 = tpu.memref_slice %arg3[%add3A_23, %dma_start3A_27] : memref<64x128xi32, #tpu.memory_space<hbm>> -> memref<1x128xi32, #tpu.memory_space<hbm>>
    %dma_start3A_29 = tpu.memref_squeeze %dma_start3A_28 : memref<1x128xi32, #tpu.memory_space<hbm>> -> memref<128xi32, #tpu.memory_space<hbm>>
    tpu.enqueue_dma source(%dma_start3A_29 : memref<128xi32, #tpu.memory_space<hbm>>) target(%arg8 : memref<128xi32, #tpu.memory_space<vmem>>) target_semaphore(%arg13 : memref<!tpu.dma_semaphore, #tpu.memory_space<semaphore_mem>>)
    %dma_wait3A = arith.constant 0 : i32
    %dma_wait3A_30 = tpu.memref_slice %arg3[%mul3A_13, %dma_wait3A] : memref<64x128xi32, #tpu.memory_space<hbm>> -> memref<1x128xi32, #tpu.memory_space<hbm>>
    %dma_wait3A_31 = tpu.memref_squeeze %dma_wait3A_30 : memref<1x128xi32, #tpu.memory_space<hbm>> -> memref<128xi32, #tpu.memory_space<hbm>>
    %dma_wait3A_32 = arith.constant 0 : i32
    %dma_wait3A_33 = tpu.memref_slice %arg3[%mul3A_13, %dma_wait3A_32] : memref<64x128xi32, #tpu.memory_space<hbm>> -> memref<1x128xi32, #tpu.memory_space<hbm>>
    %dma_wait3A_34 = tpu.memref_squeeze %dma_wait3A_33 : memref<1x128xi32, #tpu.memory_space<hbm>> -> memref<128xi32, #tpu.memory_space<hbm>>
    tpu.wait_dma2 semaphore(%arg13 : memref<!tpu.dma_semaphore, #tpu.memory_space<semaphore_mem>>) src(%dma_wait3A_34 : memref<128xi32, #tpu.memory_space<hbm>>) dst(%arg7 : memref<128xi32, #tpu.memory_space<vmem>>)
    %dma_wait3A_35 = arith.constant 0 : i32
    %dma_wait3A_36 = tpu.memref_slice %arg3[%add3A_23, %dma_wait3A_35] : memref<64x128xi32, #tpu.memory_space<hbm>> -> memref<1x128xi32, #tpu.memory_space<hbm>>
    %dma_wait3A_37 = tpu.memref_squeeze %dma_wait3A_36 : memref<1x128xi32, #tpu.memory_space<hbm>> -> memref<128xi32, #tpu.memory_space<hbm>>
    %dma_wait3A_38 = arith.constant 0 : i32
    %dma_wait3A_39 = tpu.memref_slice %arg3[%add3A_23, %dma_wait3A_38] : memref<64x128xi32, #tpu.memory_space<hbm>> -> memref<1x128xi32, #tpu.memory_space<hbm>>
    %dma_wait3A_40 = tpu.memref_squeeze %dma_wait3A_39 : memref<1x128xi32, #tpu.memory_space<hbm>> -> memref<128xi32, #tpu.memory_space<hbm>>
    tpu.wait_dma2 semaphore(%arg13 : memref<!tpu.dma_semaphore, #tpu.memory_space<semaphore_mem>>) src(%dma_wait3A_40 : memref<128xi32, #tpu.memory_space<hbm>>) dst(%arg8 : memref<128xi32, #tpu.memory_space<vmem>>)
    %dma_wait3A_41 = arith.constant 0 : i32
    %dma_wait3A_42 = tpu.memref_slice %arg10[%mul3A_4, %dma_wait3A_41] : memref<1024x256xf32, #tpu.memory_space<vmem_shared>> -> memref<64x256xf32, #tpu.memory_space<vmem_shared>>
    %dma_wait3A_43 = arith.constant 0 : i32
    %dma_wait3A_44 = tpu.memref_slice %arg4[%mul3A_4, %dma_wait3A_43] : memref<1024x256xf32, #tpu.memory_space<hbm>> -> memref<64x256xf32, #tpu.memory_space<hbm>>
    tpu.wait_dma2 semaphore(%arg11 : memref<!tpu.dma_semaphore, #tpu.memory_space<semaphore_mem>>) src(%dma_wait3A_44 : memref<64x256xf32, #tpu.memory_space<hbm>>) dst(%dma_wait3A_42 : memref<64x256xf32, #tpu.memory_space<vmem_shared>>)
    %dma_wait3A_45 = arith.constant 0 : i32
    %dma_wait3A_46 = tpu.memref_slice %arg2[%mul3A_2, %dma_wait3A_45] : memref<8192x256xf32, #tpu.memory_space<hbm>> -> memref<256x256xf32, #tpu.memory_space<hbm>>
    %dma_wait3A_47 = arith.constant 0 : i32
    %dma_wait3A_48 = tpu.memref_slice %arg2[%mul3A_2, %dma_wait3A_47] : memref<8192x256xf32, #tpu.memory_space<hbm>> -> memref<256x256xf32, #tpu.memory_space<hbm>>
    tpu.wait_dma2 semaphore(%arg12 : memref<!tpu.dma_semaphore, #tpu.memory_space<semaphore_mem>>) src(%dma_wait3A_48 : memref<256x256xf32, #tpu.memory_space<hbm>>) dst(%arg9 : memref<256x256xf32, #tpu.memory_space<vmem>>)
    %barrier3A = arith.constant 0 : index
    tpu.barrier barrier_id(%barrier3A)
    %dma_start3A_49 = arith.constant 0 : i32
    %dma_start3A_50 = arith.constant 0 : i32
    %dma_start3A_51 = tpu.memref_slice %arg9[%dma_start3A_49, %dma_start3A_50] : memref<256x256xf32, #tpu.memory_space<vmem>> -> memref<128x256xf32, #tpu.memory_space<vmem>>
    %dma_start3A_52 = arith.constant 0 : i32
    %dma_start3A_53 = arith.constant 0 : i32
    %dma_start3A_54 = tpu.memref_slice %arg10[%dma_start3A_52, %dma_start3A_53] : memref<1024x256xf32, #tpu.memory_space<vmem_shared>> -> memref<1024x256xf32, #tpu.memory_space<vmem_shared>>
    tpu.enqueue_indirect_dma source(%dma_start3A_51 : memref<128x256xf32, #tpu.memory_space<vmem>>) target(%dma_start3A_54 : memref<1024x256xf32, #tpu.memory_space<vmem_shared>>) offsets(%arg7 : memref<128xi32, #tpu.memory_space<vmem>>) semaphore(%arg12 : memref<!tpu.dma_semaphore, #tpu.memory_space<semaphore_mem>>) {add = true}
    %dma_start3A_55 = arith.constant 128 : i32
    %dma_start3A_56 = arith.constant 0 : i32
    %dma_start3A_57 = tpu.memref_slice %arg9[%dma_start3A_55, %dma_start3A_56] : memref<256x256xf32, #tpu.memory_space<vmem>> -> memref<128x256xf32, #tpu.memory_space<vmem>>
    %dma_start3A_58 = arith.constant 0 : i32
    %dma_start3A_59 = arith.constant 0 : i32
    %dma_start3A_60 = tpu.memref_slice %arg10[%dma_start3A_58, %dma_start3A_59] : memref<1024x256xf32, #tpu.memory_space<vmem_shared>> -> memref<1024x256xf32, #tpu.memory_space<vmem_shared>>
    tpu.enqueue_indirect_dma source(%dma_start3A_57 : memref<128x256xf32, #tpu.memory_space<vmem>>) target(%dma_start3A_60 : memref<1024x256xf32, #tpu.memory_space<vmem_shared>>) offsets(%arg8 : memref<128xi32, #tpu.memory_space<vmem>>) semaphore(%arg12 : memref<!tpu.dma_semaphore, #tpu.memory_space<semaphore_mem>>) {add = true}
    %dma_wait3A_61 = arith.constant 0 : i32
    %dma_wait3A_62 = arith.constant 0 : i32
    %dma_wait3A_63 = tpu.memref_slice %arg9[%dma_wait3A_61, %dma_wait3A_62] : memref<256x256xf32, #tpu.memory_space<vmem>> -> memref<128x256xf32, #tpu.memory_space<vmem>>
    %dma_wait3A_64 = arith.constant 0 : i32
    %dma_wait3A_65 = arith.constant 0 : i32
    %dma_wait3A_66 = tpu.memref_slice %arg10[%dma_wait3A_64, %dma_wait3A_65] : memref<1024x256xf32, #tpu.memory_space<vmem_shared>> -> memref<1024x256xf32, #tpu.memory_space<vmem_shared>>
    tpu.wait_indirect_dma semaphore(%arg12 : memref<!tpu.dma_semaphore, #tpu.memory_space<semaphore_mem>>) src(%dma_wait3A_63 : memref<128x256xf32, #tpu.memory_space<vmem>>) dst(%dma_wait3A_66 : memref<1024x256xf32, #tpu.memory_space<vmem_shared>>)
    %dma_wait3A_67 = arith.constant 128 : i32
    %dma_wait3A_68 = arith.constant 0 : i32
    %dma_wait3A_69 = tpu.memref_slice %arg9[%dma_wait3A_67, %dma_wait3A_68] : memref<256x256xf32, #tpu.memory_space<vmem>> -> memref<128x256xf32, #tpu.memory_space<vmem>>
    %dma_wait3A_70 = arith.constant 0 : i32
    %dma_wait3A_71 = arith.constant 0 : i32
    %dma_wait3A_72 = tpu.memref_slice %arg10[%dma_wait3A_70, %dma_wait3A_71] : memref<1024x256xf32, #tpu.memory_space<vmem_shared>> -> memref<1024x256xf32, #tpu.memory_space<vmem_shared>>
    tpu.wait_indirect_dma semaphore(%arg12 : memref<!tpu.dma_semaphore, #tpu.memory_space<semaphore_mem>>) src(%dma_wait3A_69 : memref<128x256xf32, #tpu.memory_space<vmem>>) dst(%dma_wait3A_72 : memref<1024x256xf32, #tpu.memory_space<vmem_shared>>)
    %barrier3A_73 = arith.constant 0 : index
    tpu.barrier barrier_id(%barrier3A_73)
    %dma_start3A_74 = arith.constant 0 : i32
    %dma_start3A_75 = arith.constant 0 : i32
    %dma_start3A_76 = tpu.memref_slice %arg5[%arg0, %dma_start3A_74, %dma_start3A_75] : memref<2x1024x128xf32, #tpu.memory_space<hbm>> -> memref<1x1024x128xf32, #tpu.memory_space<hbm>>
    %dma_start3A_77 = tpu.memref_squeeze %dma_start3A_76 : memref<1x1024x128xf32, #tpu.memory_space<hbm>> -> memref<1024x128xf32, #tpu.memory_space<hbm>>
    %dma_start3A_78 = arith.constant 0 : i32
    %dma_start3A_79 = tpu.memref_slice %dma_start3A_77[%mul3A_4, %dma_start3A_78] : memref<1024x128xf32, #tpu.memory_space<hbm>> -> memref<64x128xf32, #tpu.memory_space<hbm>>
    %dma_start3A_80 = arith.constant 0 : i32
    %dma_start3A_81 = tpu.memref_slice %arg10[%mul3A_4, %dma_start3A_80] : memref<1024x256xf32, #tpu.memory_space<vmem_shared>> -> memref<64x128xf32, #tpu.memory_space<vmem_shared>>
    tpu.enqueue_dma source(%dma_start3A_81 : memref<64x128xf32, #tpu.memory_space<vmem_shared>>) target(%dma_start3A_79 : memref<64x128xf32, #tpu.memory_space<hbm>>) target_semaphore(%arg11 : memref<!tpu.dma_semaphore, #tpu.memory_space<semaphore_mem>>)
    %dma_start3A_82 = arith.constant 0 : i32
    %dma_start3A_83 = arith.constant 0 : i32
    %dma_start3A_84 = tpu.memref_slice %arg6[%arg0, %dma_start3A_82, %dma_start3A_83] : memref<2x1024x128xf32, #tpu.memory_space<hbm>> -> memref<1x1024x128xf32, #tpu.memory_space<hbm>>
    %dma_start3A_85 = tpu.memref_squeeze %dma_start3A_84 : memref<1x1024x128xf32, #tpu.memory_space<hbm>> -> memref<1024x128xf32, #tpu.memory_space<hbm>>
    %dma_start3A_86 = arith.constant 0 : i32
    %dma_start3A_87 = tpu.memref_slice %dma_start3A_85[%mul3A_4, %dma_start3A_86] : memref<1024x128xf32, #tpu.memory_space<hbm>> -> memref<64x128xf32, #tpu.memory_space<hbm>>
    %dma_start3A_88 = arith.constant 128 : i32
    %dma_start3A_89 = tpu.memref_slice %arg10[%mul3A_4, %dma_start3A_88] : memref<1024x256xf32, #tpu.memory_space<vmem_shared>> -> memref<64x128xf32, #tpu.memory_space<vmem_shared>>
    tpu.enqueue_dma source(%dma_start3A_89 : memref<64x128xf32, #tpu.memory_space<vmem_shared>>) target(%dma_start3A_87 : memref<64x128xf32, #tpu.memory_space<hbm>>) target_semaphore(%arg12 : memref<!tpu.dma_semaphore, #tpu.memory_space<semaphore_mem>>)
    %dma_wait3A_90 = arith.constant 0 : i32
    %dma_wait3A_91 = arith.constant 0 : i32
    %dma_wait3A_92 = tpu.memref_slice %arg5[%arg0, %dma_wait3A_90, %dma_wait3A_91] : memref<2x1024x128xf32, #tpu.memory_space<hbm>> -> memref<1x1024x128xf32, #tpu.memory_space<hbm>>
    %dma_wait3A_93 = tpu.memref_squeeze %dma_wait3A_92 : memref<1x1024x128xf32, #tpu.memory_space<hbm>> -> memref<1024x128xf32, #tpu.memory_space<hbm>>
    %dma_wait3A_94 = arith.constant 0 : i32
    %dma_wait3A_95 = tpu.memref_slice %dma_wait3A_93[%mul3A_4, %dma_wait3A_94] : memref<1024x128xf32, #tpu.memory_space<hbm>> -> memref<64x128xf32, #tpu.memory_space<hbm>>
    %dma_wait3A_96 = arith.constant 0 : i32
    %dma_wait3A_97 = tpu.memref_slice %arg10[%mul3A_4, %dma_wait3A_96] : memref<1024x256xf32, #tpu.memory_space<vmem_shared>> -> memref<64x128xf32, #tpu.memory_space<vmem_shared>>
    tpu.wait_dma2 semaphore(%arg11 : memref<!tpu.dma_semaphore, #tpu.memory_space<semaphore_mem>>) src(%dma_wait3A_97 : memref<64x128xf32, #tpu.memory_space<vmem_shared>>) dst(%dma_wait3A_95 : memref<64x128xf32, #tpu.memory_space<hbm>>)
    %dma_wait3A_98 = arith.constant 0 : i32
    %dma_wait3A_99 = arith.constant 0 : i32
    %dma_wait3A_100 = tpu.memref_slice %arg6[%arg0, %dma_wait3A_98, %dma_wait3A_99] : memref<2x1024x128xf32, #tpu.memory_space<hbm>> -> memref<1x1024x128xf32, #tpu.memory_space<hbm>>
    %dma_wait3A_101 = tpu.memref_squeeze %dma_wait3A_100 : memref<1x1024x128xf32, #tpu.memory_space<hbm>> -> memref<1024x128xf32, #tpu.memory_space<hbm>>
    %dma_wait3A_102 = arith.constant 0 : i32
    %dma_wait3A_103 = tpu.memref_slice %dma_wait3A_101[%mul3A_4, %dma_wait3A_102] : memref<1024x128xf32, #tpu.memory_space<hbm>> -> memref<64x128xf32, #tpu.memory_space<hbm>>
    %dma_wait3A_104 = arith.constant 128 : i32
    %dma_wait3A_105 = tpu.memref_slice %arg10[%mul3A_4, %dma_wait3A_104] : memref<1024x256xf32, #tpu.memory_space<vmem_shared>> -> memref<64x128xf32, #tpu.memory_space<vmem_shared>>
    tpu.wait_dma2 semaphore(%arg12 : memref<!tpu.dma_semaphore, #tpu.memory_space<semaphore_mem>>) src(%dma_wait3A_105 : memref<64x128xf32, #tpu.memory_space<vmem_shared>>) dst(%dma_wait3A_103 : memref<64x128xf32, #tpu.memory_space<hbm>>)
    return
  }
}

module attributes {stable_mosaic.version = 14 : i64} {
  func.func @_assign_body(%arg0: i32, %arg1: memref<1024x256xf32, #tpu.memory_space<vmem>>, %arg2: memref<256x1024xf32, #tpu.memory_space<vmem>>, %arg3: memref<8x128xi32, #tpu.memory_space<vmem>>, %arg4: memref<1x1x1024xf32, #tpu.memory_space<vmem>>, %arg5: memref<1x1024xf32, #tpu.memory_space<vmem>>, %arg6: memref<1024x1024xf32, #tpu.memory_space<vmem>>) attributes {dimension_semantics = [#tpu.dimension_semantics<arbitrary>], iteration_bounds = array<i64: 8>, scalar_prefetch = 0 : i64, scratch_operands = 2 : i64, tpu.core_type = #tpu.core_type<tc>, window_params = [{transform_indices = @transform_0, window_bounds = array<i64: 1024, 256>}, {pipeline_mode = #tpu.pipeline_mode<synchronous>, transform_indices = @transform_1, window_bounds = array<i64: 256, 1024>}, {transform_indices = @transform_2, window_bounds = array<i64: 8, 128>}, {pipeline_mode = #tpu.pipeline_mode<synchronous>, transform_indices = @transform_3, window_bounds = array<i64: 1, 1, 1024>}]} {
    %eq3A = arith.constant 0 : i32
    %eq3A_0 = arith.cmpi eq, %arg0, %eq3A : i32
    %convert_element_type3A = arith.extui %eq3A_0 : i1 to i32
    %cond3A = arith.constant 0 : i32
    %cond3A_1 = arith.cmpi ne, %convert_element_type3A, %cond3A : i32
    scf.if %cond3A_1 {
      %get3A_47 = arith.constant 0 : index
      %get3A_48 = arith.constant 0 : index
      %get3A_49 = vector.load %arg2[%get3A_47, %get3A_48] : memref<256x1024xf32, #tpu.memory_space<vmem>>, vector<256x1024xf32>
      %mul3A_50 = arith.mulf %get3A_49, %get3A_49 : vector<256x1024xf32>
      %reduce_sum3A_51 = arith.constant dense<0.000000e+00> : vector<1024xf32>
      %reduce_sum3A_52 = vector.multi_reduction <add>, %mul3A_50, %reduce_sum3A_51 [0] : vector<256x1024xf32> to vector<1024xf32>
      %broadcast_in_dim3A_53 = vector.shape_cast %reduce_sum3A_52 : vector<1024xf32> to vector<1x1024xf32>
      %swap3A_54 = arith.constant 0 : index
      %swap3A_55 = arith.constant 0 : index
      %swap3A_56 = vector.load %arg5[%swap3A_54, %swap3A_55] : memref<1x1024xf32, #tpu.memory_space<vmem>>, vector<1x1024xf32>
      tpu.vector_store %arg5[%swap3A_54, %swap3A_55], %broadcast_in_dim3A_53 {strides = array<i32>} : memref<1x1024xf32, #tpu.memory_space<vmem>>, vector<1x1024xf32>,
      %iota3A = tpu.iota {dimensions = array<i32: 1>} : vector<1024x1024xi32>
      %convert_element_type3A_57 = arith.sitofp %iota3A : vector<1024x1024xi32> to vector<1024x1024xf32>
      %swap3A_58 = arith.constant 0 : index
      %swap3A_59 = arith.constant 0 : index
      %swap3A_60 = vector.load %arg6[%swap3A_58, %swap3A_59] : memref<1024x1024xf32, #tpu.memory_space<vmem>>, vector<1024x1024xf32>
      tpu.vector_store %arg6[%swap3A_58, %swap3A_59], %convert_element_type3A_57 {strides = array<i32>} : memref<1024x1024xf32, #tpu.memory_space<vmem>>, vector<1024x1024xf32>,
      %broadcast_in_dim3A_61 = arith.constant 0.000000e+00 : f32
      %broadcast_in_dim3A_62 = vector.broadcast %broadcast_in_dim3A_61 : f32 to vector<1x1024xf32>
      %swap3A_63 = arith.constant 0 : index
      %swap3A_64 = arith.constant 0 : index
      %swap3A_65 = arith.constant 0 : index
      %swap3A_66 = vector.load %arg4[%swap3A_63, %swap3A_64, %swap3A_65] : memref<1x1x1024xf32, #tpu.memory_space<vmem>>, vector<1x1x1024xf32>
      %swap3A_67 = vector.shape_cast %swap3A_66 : vector<1x1x1024xf32> to vector<1x1024xf32>
      %swap3A_68 = vector.shape_cast %broadcast_in_dim3A_62 : vector<1x1024xf32> to vector<1x1x1024xf32>
      tpu.vector_store %arg4[%swap3A_63, %swap3A_64, %swap3A_65], %swap3A_68 {strides = array<i32>} : memref<1x1x1024xf32, #tpu.memory_space<vmem>>, vector<1x1x1024xf32>,
    } else {
    }
    %get3A = arith.constant 0 : index
    %get3A_2 = arith.constant 0 : index
    %get3A_3 = vector.load %arg1[%get3A, %get3A_2] : memref<1024x256xf32, #tpu.memory_space<vmem>>, vector<1024x256xf32>
    %get3A_4 = arith.constant 0 : index
    %get3A_5 = arith.constant 0 : index
    %get3A_6 = vector.load %arg2[%get3A_4, %get3A_5] : memref<256x1024xf32, #tpu.memory_space<vmem>>, vector<256x1024xf32>
    %dot_general3A = arith.constant dense<0.000000e+00> : vector<1024x1024xf32>
    %dot_general3A_7 = tpu.matmul %get3A_3, %get3A_6, %dot_general3A {dimension_numbers = #tpu.dot_dimension_numbers<[1], [0], [0], [1], [0, 0, 1, 1], [], []>, transpose_lhs_hint = false} : vector<1024x256xf32>, vector<256x1024xf32>, vector<1024x1024xf32> -> vector<1024x1024xf32>
    %get3A_8 = arith.constant 0 : index
    %get3A_9 = arith.constant 0 : index
    %get3A_10 = vector.load %arg5[%get3A_8, %get3A_9] : memref<1x1024xf32, #tpu.memory_space<vmem>>, vector<1x1024xf32>
    %mul3A = arith.constant 2.000000e+00 : f32
    %mul3A_11 = vector.broadcast %mul3A : f32 to vector<1024x1024xf32>
    %mul3A_12 = arith.mulf %mul3A_11, %dot_general3A_7 : vector<1024x1024xf32>
    %sub3A = vector.broadcast %get3A_10 : vector<1x1024xf32> to vector<1024x1024xf32>
    %sub3A_13 = arith.subf %sub3A, %mul3A_12 : vector<1024x1024xf32>
    %reduce_min3A = arith.constant dense<0x7F800000> : vector<1024xf32>
    %reduce_min3A_14 = vector.multi_reduction <minimumf>, %sub3A_13, %reduce_min3A [1] : vector<1024x1024xf32> to vector<1024xf32>
    %broadcast_in_dim3A = vector.shape_cast %reduce_min3A_14 : vector<1024xf32> to vector<1024x1xf32>
    %eq3A_15 = vector.broadcast %broadcast_in_dim3A : vector<1024x1xf32> to vector<1024x1024xf32>
    %eq3A_16 = arith.cmpf oeq, %sub3A_13, %eq3A_15 : vector<1024x1024xf32>
    %get3A_17 = arith.constant 0 : index
    %get3A_18 = arith.constant 0 : index
    %get3A_19 = vector.load %arg6[%get3A_17, %get3A_18] : memref<1024x1024xf32, #tpu.memory_space<vmem>>, vector<1024x1024xf32>
    %jit3A = arith.constant 1.024000e+03 : f32
    %broadcast_in_dim3A_20 = vector.broadcast %jit3A : f32 to vector<1024x1024xf32>
    %select_n3A = arith.select %eq3A_16, %get3A_19, %broadcast_in_dim3A_20 : vector<1024x1024xi1>, vector<1024x1024xf32>
    %reduce_min3A_21 = arith.constant dense<0x7F800000> : vector<1024xf32>
    %reduce_min3A_22 = vector.multi_reduction <minimumf>, %select_n3A, %reduce_min3A_21 [1] : vector<1024x1024xf32> to vector<1024xf32>
    %broadcast_in_dim3A_23 = vector.shape_cast %reduce_min3A_22 : vector<1024xf32> to vector<1024x1xf32>
    %convert_element_type3A_24 = arith.fptosi %broadcast_in_dim3A_23 : vector<1024x1xf32> to vector<1024x1xi32>
    %reshape3A = vector.shape_cast %convert_element_type3A_24 : vector<1024x1xi32> to vector<8x128xi32>
    %swap3A = arith.constant 0 : index
    %swap3A_25 = arith.constant 0 : index
    %swap3A_26 = vector.load %arg3[%swap3A, %swap3A_25] : memref<8x128xi32, #tpu.memory_space<vmem>>, vector<8x128xi32>
    tpu.vector_store %arg3[%swap3A, %swap3A_25], %reshape3A {strides = array<i32>} : memref<8x128xi32, #tpu.memory_space<vmem>>, vector<8x128xi32>,
    %get3A_27 = arith.constant 0 : index
    %get3A_28 = arith.constant 0 : index
    %get3A_29 = vector.load %arg6[%get3A_27, %get3A_28] : memref<1024x1024xf32, #tpu.memory_space<vmem>>, vector<1024x1024xf32>
    %eq3A_30 = vector.broadcast %broadcast_in_dim3A_23 : vector<1024x1xf32> to vector<1024x1024xf32>
    %eq3A_31 = arith.cmpf oeq, %eq3A_30, %get3A_29 : vector<1024x1024xf32>
    %get3A_32 = arith.constant 0 : index
    %get3A_33 = arith.constant 0 : index
    %get3A_34 = arith.constant 0 : index
    %get3A_35 = vector.load %arg4[%get3A_32, %get3A_33, %get3A_34] : memref<1x1x1024xf32, #tpu.memory_space<vmem>>, vector<1x1x1024xf32>
    %get3A_36 = vector.shape_cast %get3A_35 : vector<1x1x1024xf32> to vector<1x1024xf32>
    %convert_element_type3A_37 = arith.extui %eq3A_31 : vector<1024x1024xi1> to vector<1024x1024xi32>
    %convert_element_type3A_38 = arith.sitofp %convert_element_type3A_37 : vector<1024x1024xi32> to vector<1024x1024xf32>
    %reduce_sum3A = arith.constant dense<0.000000e+00> : vector<1024xf32>
    %reduce_sum3A_39 = vector.multi_reduction <add>, %convert_element_type3A_38, %reduce_sum3A [0] : vector<1024x1024xf32> to vector<1024xf32>
    %broadcast_in_dim3A_40 = vector.shape_cast %reduce_sum3A_39 : vector<1024xf32> to vector<1x1024xf32>
    %add3A = arith.addf %get3A_36, %broadcast_in_dim3A_40 : vector<1x1024xf32>
    %swap3A_41 = arith.constant 0 : index
    %swap3A_42 = arith.constant 0 : index
    %swap3A_43 = arith.constant 0 : index
    %swap3A_44 = vector.load %arg4[%swap3A_41, %swap3A_42, %swap3A_43] : memref<1x1x1024xf32, #tpu.memory_space<vmem>>, vector<1x1x1024xf32>
    %swap3A_45 = vector.shape_cast %swap3A_44 : vector<1x1x1024xf32> to vector<1x1024xf32>
    %swap3A_46 = vector.shape_cast %add3A : vector<1x1024xf32> to vector<1x1x1024xf32>
    tpu.vector_store %arg4[%swap3A_41, %swap3A_42, %swap3A_43], %swap3A_46 {strides = array<i32>} : memref<1x1x1024xf32, #tpu.memory_space<vmem>>, vector<1x1x1024xf32>,
    return
  }
  func.func @transform_0(%arg0: i32) -> (i32, i32) {
    %c0_i32 = arith.constant 0 : i32
    %c0_i32_0 = arith.constant 0 : i32
    return %arg0, %c0_i32 : i32, i32
  }
  func.func @transform_1(%arg0: i32) -> (i32, i32) {
    %c0_i32 = arith.constant 0 : i32
    %c0_i32_0 = arith.constant 0 : i32
    %c0_i32_1 = arith.constant 0 : i32
    return %c0_i32, %c0_i32_0 : i32, i32
  }
  func.func @transform_2(%arg0: i32) -> (i32, i32) {
    %c0_i32 = arith.constant 0 : i32
    %c0_i32_0 = arith.constant 0 : i32
    return %arg0, %c0_i32 : i32, i32
  }
  func.func @transform_3(%arg0: i32) -> (i32, i32, i32) {
    %c0_i32 = arith.constant 0 : i32
    %c0_i32_0 = arith.constant 0 : i32
    %c0_i32_1 = arith.constant 0 : i32
    %c0_i32_2 = arith.constant 0 : i32
    return %c0_i32, %c0_i32_0, %c0_i32_1 : i32, i32, i32
  }
}

module attributes {stable_mosaic.version = 14 : i64} {
  func.func @_update_assign_body(%arg0: i32, %arg1: memref<1024x256xf32, #tpu.memory_space<vmem>>, %arg2: memref<2x1024x128xf32, #tpu.memory_space<vmem>>, %arg3: memref<2x1024x128xf32, #tpu.memory_space<vmem>>, %arg4: memref<1x1x1024xf32, #tpu.memory_space<vmem>>, %arg5: memref<256x1024xf32, #tpu.memory_space<vmem>>, %arg6: memref<8x128xi32, #tpu.memory_space<vmem>>, %arg7: memref<1x1x1024xf32, #tpu.memory_space<vmem>>, %arg8: memref<256x1024xf32, #tpu.memory_space<vmem>>, %arg9: memref<1x1024xf32, #tpu.memory_space<vmem>>, %arg10: memref<1024x1024xf32, #tpu.memory_space<vmem>>) attributes {dimension_semantics = [#tpu.dimension_semantics<arbitrary>], iteration_bounds = array<i64: 8>, scalar_prefetch = 0 : i64, scratch_operands = 2 : i64, tpu.core_type = #tpu.core_type<tc>, window_params = [{transform_indices = @transform_0, window_bounds = array<i64: 1024, 256>}, {pipeline_mode = #tpu.pipeline_mode<synchronous>, transform_indices = @transform_1, window_bounds = array<i64: 2, 1024, 128>}, {pipeline_mode = #tpu.pipeline_mode<synchronous>, transform_indices = @transform_2, window_bounds = array<i64: 2, 1024, 128>}, {pipeline_mode = #tpu.pipeline_mode<synchronous>, transform_indices = @transform_3, window_bounds = array<i64: 1, 1, 1024>}, {pipeline_mode = #tpu.pipeline_mode<synchronous>, transform_indices = @transform_4, window_bounds = array<i64: 256, 1024>}, {transform_indices = @transform_5, window_bounds = array<i64: 8, 128>}, {pipeline_mode = #tpu.pipeline_mode<synchronous>, transform_indices = @transform_6, window_bounds = array<i64: 1, 1, 1024>}, {pipeline_mode = #tpu.pipeline_mode<synchronous>, transform_indices = @transform_7, window_bounds = array<i64: 256, 1024>}]} {
    %eq3A = arith.constant 0 : i32
    %eq3A_0 = arith.cmpi eq, %arg0, %eq3A : i32
    %convert_element_type3A = arith.extui %eq3A_0 : i1 to i32
    %cond3A = arith.constant 0 : i32
    %cond3A_1 = arith.cmpi ne, %convert_element_type3A, %cond3A : i32
    scf.if %cond3A_1 {
      %get3A_47 = arith.constant 0 : index
      %get3A_48 = arith.constant 0 : index
      %get3A_49 = arith.constant 0 : index
      %get3A_50 = vector.load %arg2[%get3A_47, %get3A_48, %get3A_49] : memref<2x1024x128xf32, #tpu.memory_space<vmem>>, vector<1x1024x128xf32>
      %get3A_51 = vector.shape_cast %get3A_50 : vector<1x1024x128xf32> to vector<1024x128xf32>
      %get3A_52 = arith.constant 1 : index
      %get3A_53 = arith.constant 0 : index
      %get3A_54 = arith.constant 0 : index
      %get3A_55 = vector.load %arg2[%get3A_52, %get3A_53, %get3A_54] : memref<2x1024x128xf32, #tpu.memory_space<vmem>>, vector<1x1024x128xf32>
      %get3A_56 = vector.shape_cast %get3A_55 : vector<1x1024x128xf32> to vector<1024x128xf32>
      %add3A_57 = arith.addf %get3A_51, %get3A_56 : vector<1024x128xf32>
      %transpose3A = tpu.transpose %add3A_57, [1, 0] : vector<1024x128xf32> -> vector<128x1024xf32>
      %get3A_58 = arith.constant 0 : index
      %get3A_59 = arith.constant 0 : index
      %get3A_60 = arith.constant 0 : index
      %get3A_61 = vector.load %arg3[%get3A_58, %get3A_59, %get3A_60] : memref<2x1024x128xf32, #tpu.memory_space<vmem>>, vector<1x1024x128xf32>
      %get3A_62 = vector.shape_cast %get3A_61 : vector<1x1024x128xf32> to vector<1024x128xf32>
      %get3A_63 = arith.constant 1 : index
      %get3A_64 = arith.constant 0 : index
      %get3A_65 = arith.constant 0 : index
      %get3A_66 = vector.load %arg3[%get3A_63, %get3A_64, %get3A_65] : memref<2x1024x128xf32, #tpu.memory_space<vmem>>, vector<1x1024x128xf32>
      %get3A_67 = vector.shape_cast %get3A_66 : vector<1x1024x128xf32> to vector<1024x128xf32>
      %add3A_68 = arith.addf %get3A_62, %get3A_67 : vector<1024x128xf32>
      %transpose3A_69 = tpu.transpose %add3A_68, [1, 0] : vector<1024x128xf32> -> vector<128x1024xf32>
      %concatenate3A = tpu.concatenate %transpose3A, %transpose3A_69 in 0 : vector<128x1024xf32>, vector<128x1024xf32> -> vector<256x1024xf32>
      %get3A_70 = arith.constant 0 : index
      %get3A_71 = arith.constant 0 : index
      %get3A_72 = arith.constant 0 : index
      %get3A_73 = vector.load %arg4[%get3A_70, %get3A_71, %get3A_72] : memref<1x1x1024xf32, #tpu.memory_space<vmem>>, vector<1x1x1024xf32>
      %get3A_74 = vector.shape_cast %get3A_73 : vector<1x1x1024xf32> to vector<1x1024xf32>
      %max3A = arith.constant 1.000000e+00 : f32
      %max3A_75 = vector.broadcast %max3A : f32 to vector<1x1024xf32>
      %max3A_76 = arith.maximumf %get3A_74, %max3A_75 : vector<1x1024xf32>
      %div3A = vector.broadcast %max3A_76 : vector<1x1024xf32> to vector<256x1024xf32>
      %div3A_77 = arith.divf %concatenate3A, %div3A : vector<256x1024xf32>
      %gt3A = arith.constant 0.000000e+00 : f32
      %gt3A_78 = vector.broadcast %gt3A : f32 to vector<1x1024xf32>
      %gt3A_79 = arith.cmpf ogt, %get3A_74, %gt3A_78 : vector<1x1024xf32>
      %get3A_80 = arith.constant 0 : index
      %get3A_81 = arith.constant 0 : index
      %get3A_82 = vector.load %arg5[%get3A_80, %get3A_81] : memref<256x1024xf32, #tpu.memory_space<vmem>>, vector<256x1024xf32>
      %broadcast_in_dim3A_83 = vector.shape_cast %gt3A_79 : vector<1x1024xi1> to vector<1x1024xi1>
      %broadcast_in_dim3A_84 = vector.broadcast %broadcast_in_dim3A_83 : vector<1x1024xi1> to vector<256x1024xi1>
      %select_n3A_85 = arith.select %broadcast_in_dim3A_84, %div3A_77, %get3A_82 : vector<256x1024xi1>, vector<256x1024xf32>
      %swap3A_86 = arith.constant 0 : index
      %swap3A_87 = arith.constant 0 : index
      %swap3A_88 = vector.load %arg8[%swap3A_86, %swap3A_87] : memref<256x1024xf32, #tpu.memory_space<vmem>>, vector<256x1024xf32>
      tpu.vector_store %arg8[%swap3A_86, %swap3A_87], %select_n3A_85 {strides = array<i32>} : memref<256x1024xf32, #tpu.memory_space<vmem>>, vector<256x1024xf32>,
      %get3A_89 = arith.constant 0 : index
      %get3A_90 = arith.constant 0 : index
      %get3A_91 = vector.load %arg8[%get3A_89, %get3A_90] : memref<256x1024xf32, #tpu.memory_space<vmem>>, vector<256x1024xf32>
      %mul3A_92 = arith.mulf %get3A_91, %get3A_91 : vector<256x1024xf32>
      %reduce_sum3A_93 = arith.constant dense<0.000000e+00> : vector<1024xf32>
      %reduce_sum3A_94 = vector.multi_reduction <add>, %mul3A_92, %reduce_sum3A_93 [0] : vector<256x1024xf32> to vector<1024xf32>
      %broadcast_in_dim3A_95 = vector.shape_cast %reduce_sum3A_94 : vector<1024xf32> to vector<1x1024xf32>
      %swap3A_96 = arith.constant 0 : index
      %swap3A_97 = arith.constant 0 : index
      %swap3A_98 = vector.load %arg9[%swap3A_96, %swap3A_97] : memref<1x1024xf32, #tpu.memory_space<vmem>>, vector<1x1024xf32>
      tpu.vector_store %arg9[%swap3A_96, %swap3A_97], %broadcast_in_dim3A_95 {strides = array<i32>} : memref<1x1024xf32, #tpu.memory_space<vmem>>, vector<1x1024xf32>,
      %iota3A = tpu.iota {dimensions = array<i32: 1>} : vector<1024x1024xi32>
      %convert_element_type3A_99 = arith.sitofp %iota3A : vector<1024x1024xi32> to vector<1024x1024xf32>
      %swap3A_100 = arith.constant 0 : index
      %swap3A_101 = arith.constant 0 : index
      %swap3A_102 = vector.load %arg10[%swap3A_100, %swap3A_101] : memref<1024x1024xf32, #tpu.memory_space<vmem>>, vector<1024x1024xf32>
      tpu.vector_store %arg10[%swap3A_100, %swap3A_101], %convert_element_type3A_99 {strides = array<i32>} : memref<1024x1024xf32, #tpu.memory_space<vmem>>, vector<1024x1024xf32>,
      %broadcast_in_dim3A_103 = arith.constant 0.000000e+00 : f32
      %broadcast_in_dim3A_104 = vector.broadcast %broadcast_in_dim3A_103 : f32 to vector<1x1024xf32>
      %swap3A_105 = arith.constant 0 : index
      %swap3A_106 = arith.constant 0 : index
      %swap3A_107 = arith.constant 0 : index
      %swap3A_108 = vector.load %arg7[%swap3A_105, %swap3A_106, %swap3A_107] : memref<1x1x1024xf32, #tpu.memory_space<vmem>>, vector<1x1x1024xf32>
      %swap3A_109 = vector.shape_cast %swap3A_108 : vector<1x1x1024xf32> to vector<1x1024xf32>
      %swap3A_110 = vector.shape_cast %broadcast_in_dim3A_104 : vector<1x1024xf32> to vector<1x1x1024xf32>
      tpu.vector_store %arg7[%swap3A_105, %swap3A_106, %swap3A_107], %swap3A_110 {strides = array<i32>} : memref<1x1x1024xf32, #tpu.memory_space<vmem>>, vector<1x1x1024xf32>,
    } else {
    }
    %get3A = arith.constant 0 : index
    %get3A_2 = arith.constant 0 : index
    %get3A_3 = vector.load %arg1[%get3A, %get3A_2] : memref<1024x256xf32, #tpu.memory_space<vmem>>, vector<1024x256xf32>
    %get3A_4 = arith.constant 0 : index
    %get3A_5 = arith.constant 0 : index
    %get3A_6 = vector.load %arg8[%get3A_4, %get3A_5] : memref<256x1024xf32, #tpu.memory_space<vmem>>, vector<256x1024xf32>
    %dot_general3A = arith.constant dense<0.000000e+00> : vector<1024x1024xf32>
    %dot_general3A_7 = tpu.matmul %get3A_3, %get3A_6, %dot_general3A {dimension_numbers = #tpu.dot_dimension_numbers<[1], [0], [0], [1], [0, 0, 1, 1], [], []>, transpose_lhs_hint = false} : vector<1024x256xf32>, vector<256x1024xf32>, vector<1024x1024xf32> -> vector<1024x1024xf32>
    %get3A_8 = arith.constant 0 : index
    %get3A_9 = arith.constant 0 : index
    %get3A_10 = vector.load %arg9[%get3A_8, %get3A_9] : memref<1x1024xf32, #tpu.memory_space<vmem>>, vector<1x1024xf32>
    %mul3A = arith.constant 2.000000e+00 : f32
    %mul3A_11 = vector.broadcast %mul3A : f32 to vector<1024x1024xf32>
    %mul3A_12 = arith.mulf %mul3A_11, %dot_general3A_7 : vector<1024x1024xf32>
    %sub3A = vector.broadcast %get3A_10 : vector<1x1024xf32> to vector<1024x1024xf32>
    %sub3A_13 = arith.subf %sub3A, %mul3A_12 : vector<1024x1024xf32>
    %reduce_min3A = arith.constant dense<0x7F800000> : vector<1024xf32>
    %reduce_min3A_14 = vector.multi_reduction <minimumf>, %sub3A_13, %reduce_min3A [1] : vector<1024x1024xf32> to vector<1024xf32>
    %broadcast_in_dim3A = vector.shape_cast %reduce_min3A_14 : vector<1024xf32> to vector<1024x1xf32>
    %eq3A_15 = vector.broadcast %broadcast_in_dim3A : vector<1024x1xf32> to vector<1024x1024xf32>
    %eq3A_16 = arith.cmpf oeq, %sub3A_13, %eq3A_15 : vector<1024x1024xf32>
    %get3A_17 = arith.constant 0 : index
    %get3A_18 = arith.constant 0 : index
    %get3A_19 = vector.load %arg10[%get3A_17, %get3A_18] : memref<1024x1024xf32, #tpu.memory_space<vmem>>, vector<1024x1024xf32>
    %jit3A = arith.constant 1.024000e+03 : f32
    %broadcast_in_dim3A_20 = vector.broadcast %jit3A : f32 to vector<1024x1024xf32>
    %select_n3A = arith.select %eq3A_16, %get3A_19, %broadcast_in_dim3A_20 : vector<1024x1024xi1>, vector<1024x1024xf32>
    %reduce_min3A_21 = arith.constant dense<0x7F800000> : vector<1024xf32>
    %reduce_min3A_22 = vector.multi_reduction <minimumf>, %select_n3A, %reduce_min3A_21 [1] : vector<1024x1024xf32> to vector<1024xf32>
    %broadcast_in_dim3A_23 = vector.shape_cast %reduce_min3A_22 : vector<1024xf32> to vector<1024x1xf32>
    %convert_element_type3A_24 = arith.fptosi %broadcast_in_dim3A_23 : vector<1024x1xf32> to vector<1024x1xi32>
    %reshape3A = vector.shape_cast %convert_element_type3A_24 : vector<1024x1xi32> to vector<8x128xi32>
    %swap3A = arith.constant 0 : index
    %swap3A_25 = arith.constant 0 : index
    %swap3A_26 = vector.load %arg6[%swap3A, %swap3A_25] : memref<8x128xi32, #tpu.memory_space<vmem>>, vector<8x128xi32>
    tpu.vector_store %arg6[%swap3A, %swap3A_25], %reshape3A {strides = array<i32>} : memref<8x128xi32, #tpu.memory_space<vmem>>, vector<8x128xi32>,
    %get3A_27 = arith.constant 0 : index
    %get3A_28 = arith.constant 0 : index
    %get3A_29 = vector.load %arg10[%get3A_27, %get3A_28] : memref<1024x1024xf32, #tpu.memory_space<vmem>>, vector<1024x1024xf32>
    %eq3A_30 = vector.broadcast %broadcast_in_dim3A_23 : vector<1024x1xf32> to vector<1024x1024xf32>
    %eq3A_31 = arith.cmpf oeq, %eq3A_30, %get3A_29 : vector<1024x1024xf32>
    %get3A_32 = arith.constant 0 : index
    %get3A_33 = arith.constant 0 : index
    %get3A_34 = arith.constant 0 : index
    %get3A_35 = vector.load %arg7[%get3A_32, %get3A_33, %get3A_34] : memref<1x1x1024xf32, #tpu.memory_space<vmem>>, vector<1x1x1024xf32>
    %get3A_36 = vector.shape_cast %get3A_35 : vector<1x1x1024xf32> to vector<1x1024xf32>
    %convert_element_type3A_37 = arith.extui %eq3A_31 : vector<1024x1024xi1> to vector<1024x1024xi32>
    %convert_element_type3A_38 = arith.sitofp %convert_element_type3A_37 : vector<1024x1024xi32> to vector<1024x1024xf32>
    %reduce_sum3A = arith.constant dense<0.000000e+00> : vector<1024xf32>
    %reduce_sum3A_39 = vector.multi_reduction <add>, %convert_element_type3A_38, %reduce_sum3A [0] : vector<1024x1024xf32> to vector<1024xf32>
    %broadcast_in_dim3A_40 = vector.shape_cast %reduce_sum3A_39 : vector<1024xf32> to vector<1x1024xf32>
    %add3A = arith.addf %get3A_36, %broadcast_in_dim3A_40 : vector<1x1024xf32>
    %swap3A_41 = arith.constant 0 : index
    %swap3A_42 = arith.constant 0 : index
    %swap3A_43 = arith.constant 0 : index
    %swap3A_44 = vector.load %arg7[%swap3A_41, %swap3A_42, %swap3A_43] : memref<1x1x1024xf32, #tpu.memory_space<vmem>>, vector<1x1x1024xf32>
    %swap3A_45 = vector.shape_cast %swap3A_44 : vector<1x1x1024xf32> to vector<1x1024xf32>
    %swap3A_46 = vector.shape_cast %add3A : vector<1x1024xf32> to vector<1x1x1024xf32>
    tpu.vector_store %arg7[%swap3A_41, %swap3A_42, %swap3A_43], %swap3A_46 {strides = array<i32>} : memref<1x1x1024xf32, #tpu.memory_space<vmem>>, vector<1x1x1024xf32>,
    return
  }
  func.func @transform_0(%arg0: i32) -> (i32, i32) {
    %c0_i32 = arith.constant 0 : i32
    %c0_i32_0 = arith.constant 0 : i32
    return %arg0, %c0_i32 : i32, i32
  }
  func.func @transform_1(%arg0: i32) -> (i32, i32, i32) {
    %c0_i32 = arith.constant 0 : i32
    %c0_i32_0 = arith.constant 0 : i32
    %c0_i32_1 = arith.constant 0 : i32
    %c0_i32_2 = arith.constant 0 : i32
    return %c0_i32, %c0_i32_0, %c0_i32_1 : i32, i32, i32
  }
  func.func @transform_2(%arg0: i32) -> (i32, i32, i32) {
    %c0_i32 = arith.constant 0 : i32
    %c0_i32_0 = arith.constant 0 : i32
    %c0_i32_1 = arith.constant 0 : i32
    %c0_i32_2 = arith.constant 0 : i32
    return %c0_i32, %c0_i32_0, %c0_i32_1 : i32, i32, i32
  }
  func.func @transform_3(%arg0: i32) -> (i32, i32, i32) {
    %c0_i32 = arith.constant 0 : i32
    %c0_i32_0 = arith.constant 0 : i32
    %c0_i32_1 = arith.constant 0 : i32
    %c0_i32_2 = arith.constant 0 : i32
    return %c0_i32, %c0_i32_0, %c0_i32_1 : i32, i32, i32
  }
  func.func @transform_4(%arg0: i32) -> (i32, i32) {
    %c0_i32 = arith.constant 0 : i32
    %c0_i32_0 = arith.constant 0 : i32
    %c0_i32_1 = arith.constant 0 : i32
    return %c0_i32, %c0_i32_0 : i32, i32
  }
  func.func @transform_5(%arg0: i32) -> (i32, i32) {
    %c0_i32 = arith.constant 0 : i32
    %c0_i32_0 = arith.constant 0 : i32
    return %arg0, %c0_i32 : i32, i32
  }
  func.func @transform_6(%arg0: i32) -> (i32, i32, i32) {
    %c0_i32 = arith.constant 0 : i32
    %c0_i32_0 = arith.constant 0 : i32
    %c0_i32_1 = arith.constant 0 : i32
    %c0_i32_2 = arith.constant 0 : i32
    return %c0_i32, %c0_i32_0, %c0_i32_1 : i32, i32, i32
  }
  func.func @transform_7(%arg0: i32) -> (i32, i32) {
    %c0_i32 = arith.constant 0 : i32
    %c0_i32_0 = arith.constant 0 : i32
    %c0_i32_1 = arith.constant 0 : i32
    return %c0_i32, %c0_i32_0 : i32, i32
  }
}

module attributes {stable_mosaic.version = 14 : i64} {
  func.func @_update_assign_body(%arg0: i32, %arg1: memref<1024x256xf32, #tpu.memory_space<vmem>>, %arg2: memref<2x1024x128xf32, #tpu.memory_space<vmem>>, %arg3: memref<2x1024x128xf32, #tpu.memory_space<vmem>>, %arg4: memref<1x1x1024xf32, #tpu.memory_space<vmem>>, %arg5: memref<256x1024xf32, #tpu.memory_space<vmem>>, %arg6: memref<8x128xi32, #tpu.memory_space<vmem>>, %arg7: memref<1x1x1024xf32, #tpu.memory_space<vmem>>, %arg8: memref<256x1024xf32, #tpu.memory_space<vmem>>, %arg9: memref<1x1024xf32, #tpu.memory_space<vmem>>, %arg10: memref<1024x1024xf32, #tpu.memory_space<vmem>>) attributes {dimension_semantics = [#tpu.dimension_semantics<arbitrary>], iteration_bounds = array<i64: 8>, scalar_prefetch = 0 : i64, scratch_operands = 2 : i64, tpu.core_type = #tpu.core_type<tc>, window_params = [{transform_indices = @transform_0, window_bounds = array<i64: 1024, 256>}, {pipeline_mode = #tpu.pipeline_mode<synchronous>, transform_indices = @transform_1, window_bounds = array<i64: 2, 1024, 128>}, {pipeline_mode = #tpu.pipeline_mode<synchronous>, transform_indices = @transform_2, window_bounds = array<i64: 2, 1024, 128>}, {pipeline_mode = #tpu.pipeline_mode<synchronous>, transform_indices = @transform_3, window_bounds = array<i64: 1, 1, 1024>}, {pipeline_mode = #tpu.pipeline_mode<synchronous>, transform_indices = @transform_4, window_bounds = array<i64: 256, 1024>}, {transform_indices = @transform_5, window_bounds = array<i64: 8, 128>}, {pipeline_mode = #tpu.pipeline_mode<synchronous>, transform_indices = @transform_6, window_bounds = array<i64: 1, 1, 1024>}, {pipeline_mode = #tpu.pipeline_mode<synchronous>, transform_indices = @transform_7, window_bounds = array<i64: 256, 1024>}]} {
    %eq3A = arith.constant 0 : i32
    %eq3A_0 = arith.cmpi eq, %arg0, %eq3A : i32
    %convert_element_type3A = arith.extui %eq3A_0 : i1 to i32
    %cond3A = arith.constant 0 : i32
    %cond3A_1 = arith.cmpi ne, %convert_element_type3A, %cond3A : i32
    scf.if %cond3A_1 {
      %get3A_47 = arith.constant 0 : index
      %get3A_48 = arith.constant 0 : index
      %get3A_49 = arith.constant 0 : index
      %get3A_50 = vector.load %arg2[%get3A_47, %get3A_48, %get3A_49] : memref<2x1024x128xf32, #tpu.memory_space<vmem>>, vector<1x1024x128xf32>
      %get3A_51 = vector.shape_cast %get3A_50 : vector<1x1024x128xf32> to vector<1024x128xf32>
      %get3A_52 = arith.constant 1 : index
      %get3A_53 = arith.constant 0 : index
      %get3A_54 = arith.constant 0 : index
      %get3A_55 = vector.load %arg2[%get3A_52, %get3A_53, %get3A_54] : memref<2x1024x128xf32, #tpu.memory_space<vmem>>, vector<1x1024x128xf32>
      %get3A_56 = vector.shape_cast %get3A_55 : vector<1x1024x128xf32> to vector<1024x128xf32>
      %add3A_57 = arith.addf %get3A_51, %get3A_56 : vector<1024x128xf32>
      %transpose3A = tpu.transpose %add3A_57, [1, 0] : vector<1024x128xf32> -> vector<128x1024xf32>
      %get3A_58 = arith.constant 0 : index
      %get3A_59 = arith.constant 0 : index
      %get3A_60 = arith.constant 0 : index
      %get3A_61 = vector.load %arg3[%get3A_58, %get3A_59, %get3A_60] : memref<2x1024x128xf32, #tpu.memory_space<vmem>>, vector<1x1024x128xf32>
      %get3A_62 = vector.shape_cast %get3A_61 : vector<1x1024x128xf32> to vector<1024x128xf32>
      %get3A_63 = arith.constant 1 : index
      %get3A_64 = arith.constant 0 : index
      %get3A_65 = arith.constant 0 : index
      %get3A_66 = vector.load %arg3[%get3A_63, %get3A_64, %get3A_65] : memref<2x1024x128xf32, #tpu.memory_space<vmem>>, vector<1x1024x128xf32>
      %get3A_67 = vector.shape_cast %get3A_66 : vector<1x1024x128xf32> to vector<1024x128xf32>
      %add3A_68 = arith.addf %get3A_62, %get3A_67 : vector<1024x128xf32>
      %transpose3A_69 = tpu.transpose %add3A_68, [1, 0] : vector<1024x128xf32> -> vector<128x1024xf32>
      %concatenate3A = tpu.concatenate %transpose3A, %transpose3A_69 in 0 : vector<128x1024xf32>, vector<128x1024xf32> -> vector<256x1024xf32>
      %get3A_70 = arith.constant 0 : index
      %get3A_71 = arith.constant 0 : index
      %get3A_72 = arith.constant 0 : index
      %get3A_73 = vector.load %arg4[%get3A_70, %get3A_71, %get3A_72] : memref<1x1x1024xf32, #tpu.memory_space<vmem>>, vector<1x1x1024xf32>
      %get3A_74 = vector.shape_cast %get3A_73 : vector<1x1x1024xf32> to vector<1x1024xf32>
      %max3A = arith.constant 1.000000e+00 : f32
      %max3A_75 = vector.broadcast %max3A : f32 to vector<1x1024xf32>
      %max3A_76 = arith.maximumf %get3A_74, %max3A_75 : vector<1x1024xf32>
      %div3A = vector.broadcast %max3A_76 : vector<1x1024xf32> to vector<256x1024xf32>
      %div3A_77 = arith.divf %concatenate3A, %div3A : vector<256x1024xf32>
      %gt3A = arith.constant 0.000000e+00 : f32
      %gt3A_78 = vector.broadcast %gt3A : f32 to vector<1x1024xf32>
      %gt3A_79 = arith.cmpf ogt, %get3A_74, %gt3A_78 : vector<1x1024xf32>
      %get3A_80 = arith.constant 0 : index
      %get3A_81 = arith.constant 0 : index
      %get3A_82 = vector.load %arg5[%get3A_80, %get3A_81] : memref<256x1024xf32, #tpu.memory_space<vmem>>, vector<256x1024xf32>
      %broadcast_in_dim3A_83 = vector.shape_cast %gt3A_79 : vector<1x1024xi1> to vector<1x1024xi1>
      %broadcast_in_dim3A_84 = vector.broadcast %broadcast_in_dim3A_83 : vector<1x1024xi1> to vector<256x1024xi1>
      %select_n3A_85 = arith.select %broadcast_in_dim3A_84, %div3A_77, %get3A_82 : vector<256x1024xi1>, vector<256x1024xf32>
      %swap3A_86 = arith.constant 0 : index
      %swap3A_87 = arith.constant 0 : index
      %swap3A_88 = vector.load %arg8[%swap3A_86, %swap3A_87] : memref<256x1024xf32, #tpu.memory_space<vmem>>, vector<256x1024xf32>
      tpu.vector_store %arg8[%swap3A_86, %swap3A_87], %select_n3A_85 {strides = array<i32>} : memref<256x1024xf32, #tpu.memory_space<vmem>>, vector<256x1024xf32>,
      %get3A_89 = arith.constant 0 : index
      %get3A_90 = arith.constant 0 : index
      %get3A_91 = vector.load %arg8[%get3A_89, %get3A_90] : memref<256x1024xf32, #tpu.memory_space<vmem>>, vector<256x1024xf32>
      %mul3A_92 = arith.mulf %get3A_91, %get3A_91 : vector<256x1024xf32>
      %reduce_sum3A_93 = arith.constant dense<0.000000e+00> : vector<1024xf32>
      %reduce_sum3A_94 = vector.multi_reduction <add>, %mul3A_92, %reduce_sum3A_93 [0] : vector<256x1024xf32> to vector<1024xf32>
      %broadcast_in_dim3A_95 = vector.shape_cast %reduce_sum3A_94 : vector<1024xf32> to vector<1x1024xf32>
      %swap3A_96 = arith.constant 0 : index
      %swap3A_97 = arith.constant 0 : index
      %swap3A_98 = vector.load %arg9[%swap3A_96, %swap3A_97] : memref<1x1024xf32, #tpu.memory_space<vmem>>, vector<1x1024xf32>
      tpu.vector_store %arg9[%swap3A_96, %swap3A_97], %broadcast_in_dim3A_95 {strides = array<i32>} : memref<1x1024xf32, #tpu.memory_space<vmem>>, vector<1x1024xf32>,
      %iota3A = tpu.iota {dimensions = array<i32: 1>} : vector<1024x1024xi32>
      %convert_element_type3A_99 = arith.sitofp %iota3A : vector<1024x1024xi32> to vector<1024x1024xf32>
      %swap3A_100 = arith.constant 0 : index
      %swap3A_101 = arith.constant 0 : index
      %swap3A_102 = vector.load %arg10[%swap3A_100, %swap3A_101] : memref<1024x1024xf32, #tpu.memory_space<vmem>>, vector<1024x1024xf32>
      tpu.vector_store %arg10[%swap3A_100, %swap3A_101], %convert_element_type3A_99 {strides = array<i32>} : memref<1024x1024xf32, #tpu.memory_space<vmem>>, vector<1024x1024xf32>,
      %broadcast_in_dim3A_103 = arith.constant 0.000000e+00 : f32
      %broadcast_in_dim3A_104 = vector.broadcast %broadcast_in_dim3A_103 : f32 to vector<1x1024xf32>
      %swap3A_105 = arith.constant 0 : index
      %swap3A_106 = arith.constant 0 : index
      %swap3A_107 = arith.constant 0 : index
      %swap3A_108 = vector.load %arg7[%swap3A_105, %swap3A_106, %swap3A_107] : memref<1x1x1024xf32, #tpu.memory_space<vmem>>, vector<1x1x1024xf32>
      %swap3A_109 = vector.shape_cast %swap3A_108 : vector<1x1x1024xf32> to vector<1x1024xf32>
      %swap3A_110 = vector.shape_cast %broadcast_in_dim3A_104 : vector<1x1024xf32> to vector<1x1x1024xf32>
      tpu.vector_store %arg7[%swap3A_105, %swap3A_106, %swap3A_107], %swap3A_110 {strides = array<i32>} : memref<1x1x1024xf32, #tpu.memory_space<vmem>>, vector<1x1x1024xf32>,
    } else {
    }
    %get3A = arith.constant 0 : index
    %get3A_2 = arith.constant 0 : index
    %get3A_3 = vector.load %arg1[%get3A, %get3A_2] : memref<1024x256xf32, #tpu.memory_space<vmem>>, vector<1024x256xf32>
    %get3A_4 = arith.constant 0 : index
    %get3A_5 = arith.constant 0 : index
    %get3A_6 = vector.load %arg8[%get3A_4, %get3A_5] : memref<256x1024xf32, #tpu.memory_space<vmem>>, vector<256x1024xf32>
    %dot_general3A = arith.constant dense<0.000000e+00> : vector<1024x1024xf32>
    %dot_general3A_7 = tpu.matmul %get3A_3, %get3A_6, %dot_general3A {dimension_numbers = #tpu.dot_dimension_numbers<[1], [0], [0], [1], [0, 0, 1, 1], [], []>, transpose_lhs_hint = false} : vector<1024x256xf32>, vector<256x1024xf32>, vector<1024x1024xf32> -> vector<1024x1024xf32>
    %get3A_8 = arith.constant 0 : index
    %get3A_9 = arith.constant 0 : index
    %get3A_10 = vector.load %arg9[%get3A_8, %get3A_9] : memref<1x1024xf32, #tpu.memory_space<vmem>>, vector<1x1024xf32>
    %mul3A = arith.constant 2.000000e+00 : f32
    %mul3A_11 = vector.broadcast %mul3A : f32 to vector<1024x1024xf32>
    %mul3A_12 = arith.mulf %mul3A_11, %dot_general3A_7 : vector<1024x1024xf32>
    %sub3A = vector.broadcast %get3A_10 : vector<1x1024xf32> to vector<1024x1024xf32>
    %sub3A_13 = arith.subf %sub3A, %mul3A_12 : vector<1024x1024xf32>
    %reduce_min3A = arith.constant dense<0x7F800000> : vector<1024xf32>
    %reduce_min3A_14 = vector.multi_reduction <minimumf>, %sub3A_13, %reduce_min3A [1] : vector<1024x1024xf32> to vector<1024xf32>
    %broadcast_in_dim3A = vector.shape_cast %reduce_min3A_14 : vector<1024xf32> to vector<1024x1xf32>
    %eq3A_15 = vector.broadcast %broadcast_in_dim3A : vector<1024x1xf32> to vector<1024x1024xf32>
    %eq3A_16 = arith.cmpf oeq, %sub3A_13, %eq3A_15 : vector<1024x1024xf32>
    %get3A_17 = arith.constant 0 : index
    %get3A_18 = arith.constant 0 : index
    %get3A_19 = vector.load %arg10[%get3A_17, %get3A_18] : memref<1024x1024xf32, #tpu.memory_space<vmem>>, vector<1024x1024xf32>
    %jit3A = arith.constant 1.024000e+03 : f32
    %broadcast_in_dim3A_20 = vector.broadcast %jit3A : f32 to vector<1024x1024xf32>
    %select_n3A = arith.select %eq3A_16, %get3A_19, %broadcast_in_dim3A_20 : vector<1024x1024xi1>, vector<1024x1024xf32>
    %reduce_min3A_21 = arith.constant dense<0x7F800000> : vector<1024xf32>
    %reduce_min3A_22 = vector.multi_reduction <minimumf>, %select_n3A, %reduce_min3A_21 [1] : vector<1024x1024xf32> to vector<1024xf32>
    %broadcast_in_dim3A_23 = vector.shape_cast %reduce_min3A_22 : vector<1024xf32> to vector<1024x1xf32>
    %convert_element_type3A_24 = arith.fptosi %broadcast_in_dim3A_23 : vector<1024x1xf32> to vector<1024x1xi32>
    %reshape3A = vector.shape_cast %convert_element_type3A_24 : vector<1024x1xi32> to vector<8x128xi32>
    %swap3A = arith.constant 0 : index
    %swap3A_25 = arith.constant 0 : index
    %swap3A_26 = vector.load %arg6[%swap3A, %swap3A_25] : memref<8x128xi32, #tpu.memory_space<vmem>>, vector<8x128xi32>
    tpu.vector_store %arg6[%swap3A, %swap3A_25], %reshape3A {strides = array<i32>} : memref<8x128xi32, #tpu.memory_space<vmem>>, vector<8x128xi32>,
    %get3A_27 = arith.constant 0 : index
    %get3A_28 = arith.constant 0 : index
    %get3A_29 = vector.load %arg10[%get3A_27, %get3A_28] : memref<1024x1024xf32, #tpu.memory_space<vmem>>, vector<1024x1024xf32>
    %eq3A_30 = vector.broadcast %broadcast_in_dim3A_23 : vector<1024x1xf32> to vector<1024x1024xf32>
    %eq3A_31 = arith.cmpf oeq, %eq3A_30, %get3A_29 : vector<1024x1024xf32>
    %get3A_32 = arith.constant 0 : index
    %get3A_33 = arith.constant 0 : index
    %get3A_34 = arith.constant 0 : index
    %get3A_35 = vector.load %arg7[%get3A_32, %get3A_33, %get3A_34] : memref<1x1x1024xf32, #tpu.memory_space<vmem>>, vector<1x1x1024xf32>
    %get3A_36 = vector.shape_cast %get3A_35 : vector<1x1x1024xf32> to vector<1x1024xf32>
    %convert_element_type3A_37 = arith.extui %eq3A_31 : vector<1024x1024xi1> to vector<1024x1024xi32>
    %convert_element_type3A_38 = arith.sitofp %convert_element_type3A_37 : vector<1024x1024xi32> to vector<1024x1024xf32>
    %reduce_sum3A = arith.constant dense<0.000000e+00> : vector<1024xf32>
    %reduce_sum3A_39 = vector.multi_reduction <add>, %convert_element_type3A_38, %reduce_sum3A [0] : vector<1024x1024xf32> to vector<1024xf32>
    %broadcast_in_dim3A_40 = vector.shape_cast %reduce_sum3A_39 : vector<1024xf32> to vector<1x1024xf32>
    %add3A = arith.addf %get3A_36, %broadcast_in_dim3A_40 : vector<1x1024xf32>
    %swap3A_41 = arith.constant 0 : index
    %swap3A_42 = arith.constant 0 : index
    %swap3A_43 = arith.constant 0 : index
    %swap3A_44 = vector.load %arg7[%swap3A_41, %swap3A_42, %swap3A_43] : memref<1x1x1024xf32, #tpu.memory_space<vmem>>, vector<1x1x1024xf32>
    %swap3A_45 = vector.shape_cast %swap3A_44 : vector<1x1x1024xf32> to vector<1x1024xf32>
    %swap3A_46 = vector.shape_cast %add3A : vector<1x1024xf32> to vector<1x1x1024xf32>
    tpu.vector_store %arg7[%swap3A_41, %swap3A_42, %swap3A_43], %swap3A_46 {strides = array<i32>} : memref<1x1x1024xf32, #tpu.memory_space<vmem>>, vector<1x1x1024xf32>,
    return
  }
  func.func @transform_0(%arg0: i32) -> (i32, i32) {
    %c0_i32 = arith.constant 0 : i32
    %c0_i32_0 = arith.constant 0 : i32
    return %arg0, %c0_i32 : i32, i32
  }
  func.func @transform_1(%arg0: i32) -> (i32, i32, i32) {
    %c0_i32 = arith.constant 0 : i32
    %c0_i32_0 = arith.constant 0 : i32
    %c0_i32_1 = arith.constant 0 : i32
    %c0_i32_2 = arith.constant 0 : i32
    return %c0_i32, %c0_i32_0, %c0_i32_1 : i32, i32, i32
  }
  func.func @transform_2(%arg0: i32) -> (i32, i32, i32) {
    %c0_i32 = arith.constant 0 : i32
    %c0_i32_0 = arith.constant 0 : i32
    %c0_i32_1 = arith.constant 0 : i32
    %c0_i32_2 = arith.constant 0 : i32
    return %c0_i32, %c0_i32_0, %c0_i32_1 : i32, i32, i32
  }
  func.func @transform_3(%arg0: i32) -> (i32, i32, i32) {
    %c0_i32 = arith.constant 0 : i32
    %c0_i32_0 = arith.constant 0 : i32
    %c0_i32_1 = arith.constant 0 : i32
    %c0_i32_2 = arith.constant 0 : i32
    return %c0_i32, %c0_i32_0, %c0_i32_1 : i32, i32, i32
  }
  func.func @transform_4(%arg0: i32) -> (i32, i32) {
    %c0_i32 = arith.constant 0 : i32
    %c0_i32_0 = arith.constant 0 : i32
    %c0_i32_1 = arith.constant 0 : i32
    return %c0_i32, %c0_i32_0 : i32, i32
  }
  func.func @transform_5(%arg0: i32) -> (i32, i32) {
    %c0_i32 = arith.constant 0 : i32
    %c0_i32_0 = arith.constant 0 : i32
    return %arg0, %c0_i32 : i32, i32
  }
  func.func @transform_6(%arg0: i32) -> (i32, i32, i32) {
    %c0_i32 = arith.constant 0 : i32
    %c0_i32_0 = arith.constant 0 : i32
    %c0_i32_1 = arith.constant 0 : i32
    %c0_i32_2 = arith.constant 0 : i32
    return %c0_i32, %c0_i32_0, %c0_i32_1 : i32, i32, i32
  }
  func.func @transform_7(%arg0: i32) -> (i32, i32) {
    %c0_i32 = arith.constant 0 : i32
    %c0_i32_0 = arith.constant 0 : i32
    %c0_i32_1 = arith.constant 0 : i32
    return %c0_i32, %c0_i32_0 : i32, i32
  }
}

</mosaic_0001>

<sc_bundles>
// kernel: kernel.13.cloned.1.call-start
scs
__scs_entry_jumppad:
0x0: {  	(pc) =	sbr.rel $0x88, $3  }
0x1: {  	(tag) =	ssettag $0x0;
	lr =	simm.s32 $0x1  }
0x2: {  	[smem:$0x3FA0] =	sst lr;
	_ =	strace $0xD0000000  }
0x3: {  	_ = 	snop  }
0x4: {  	_ = 	snop  }
0x5: {  	_ = 	snop  }
0x6: {  	_ = 	snop  }
0x7: {  	_ = 	snop  }
__scs_overlays_trampoline_lowered:
0x8: {  	[smem:$0x3FAF] =	sst s0  }
0x9: {  	[smem:$0x3FB0] =	sst s1  }
0xa: {  	[smem:$0x3FB1] =	sst s2  }
0xb: {  	[smem:$0x3FB2] =	sst s3  }
0xc: {  	[smem:$0x3FB3] =	sst s4  }
0xd: {  	[smem:$0x3FB4] =	sst s5  }
0xe: {  	[smem:$0x3FB5] =	sst s6  }
0xf: {  	[smem:$0x3FB6] =	sst s7  }
0x10: {  	[smem:$0x3FB7] =	sst s8  }
0x11: {  	[smem:$0x3FB8] =	sst s9;
	s0 =	simm.s32 @!p0 $0x0  }
0x12: {  	s1 =	sld [smem:$0x3F9E];
	s0 =	simm.s32 @p0 $0x1  }
0x13: {  	[smem:$0x3FB9] =	sst s0;
	s0 =	simm.s32 @!p1 $0x0  }
0x14: {  	s2 =	sld [smem:$0x3F9D];
	s0 =	simm.s32 @p1 $0x1  }
0x15: {  	[smem:$0x3FBA] =	sst s0;
	s0 =	simm.s32 @!p2 $0x0  }
0x16: {  	s3 =	sld [smem:$0x3FDB];
	s0 =	simm.s32 @p2 $0x1  }
0x17: {  	s4 =	simm.s32 $0x1BF5;
	[smem:$0x3FBC] =	sst s0  }
0x18: {  	s0 =	sld [smem:$0x3F9F];
	_ =	swait.ge [sflag:s4], $0x0  }
0x19: {  	s7 =	sld [smem:$0x3FA0]  }
0x1a: {  	s8 =	sadd.s32 $0xFFFFE003, lr  }
0x1b: {  	s9 =	sadd.s32 $0xFFFFFEF7, lr;
	s5 =	simm.s32 $0xFFFFFFFF;
	p2 =	slt.u32 s8, $0xFFFFF086  }
0x1c: {  	p1 =	slt.u32 s9, $0xF7A;
	s5 =	simm.s32 @!p2 $0x0  }
0x1d: {  	s5 =	simm.s32 @p1 $0x1;
	p0 =	seq.s32 s7, s2  }
0x1e: {  	s7 =	smul.u32 @!p0 $0xF7A, s2;
	p2 =	seq.s32 @!p0 s5, $0x0  }
0x1f: {  	s9 =	smul.u32 $0xF7A, s1;
	s8 =	simm.s32 @!p0 $0x1BF5;
	p2 =	por !p2, p0  }
0x20: {  	[sflag:s8] =	ssyncset.s32 @!p0 $0xFFFFF086;
	s6 =	sadd.s32 @!p0 s3, s7;
	s7 =	simm.s32 @!p0 $0x108  }
0x21: {  	s3 =	sadd.s32 s3, s9;
	s6 =	sadd.s32 @!p0 $0x88, s6;
	s7 =	simm.s32 @p2 $0x1082  }
0x22: {  	[simem:s7], [sflag:s8] =	dma.local @!p0 [hbm:s6], $0xF7A  }
0x23: {  	s9 =	sor.u32 $0xD0000000, s2;
	s6 =	simm.s32 $0x108;
	_ =	swait.ge @!p0 [sflag:s8], $0x0  }
0x24: {  	s3 =	sadd.s32 $0x88, s3;
	s6 =	simm.s32 @!p1 $0x1082;
	[sflag:s4] =	ssyncset.s32 $0xFFFFF086  }
0x25: {  	[simem:s6], [sflag:s4] =	dma.local [hbm:s3], $0xF7A  }
0x26: {  	[smem:$0x3FA0] =	sst s1;
	(tag) =	ssettag s2;
	_ =	strace s9  }
0x27: {  	s1 =	sld [smem:$0x3FB0]  }
0x28: {  	s2 =	sld [smem:$0x3FB1]  }
0x29: {  	s4 =	sld [smem:$0x3FB3]  }
0x2a: {  	p0 =	seq.s32 s5, $0x0;
	s5 =	sld [smem:$0x3FB4]  }
0x2b: {  	s6 =	sld [smem:$0x3FB5]  }
0x2c: {  	s7 =	sld [smem:$0x3FB6]  }
0x2d: {  	s3 =	simm.s32 $0x108;
	s8 =	sld [smem:$0x3FB7]  }
0x2e: {  	s3 =	simm.s32 @!p0 $0x1082;
	s9 =	sld [smem:$0x3FB8]  }
0x2f: {  	lr =	sadd.s32 s0, s3;
	s0 =	sld [smem:$0x3FAF]  }
0x30: {  	s3 =	sld [smem:$0x3FB2]  }
0x31: {  	[smem:$0x3FBB] =	sst s10  }
0x32: {  	s10 =	sld [smem:$0x3FB9];
	_ =	sdelay $0x3  }
0x33: {  	p0 =	seq.s32 s10, $0x1;
	s10 =	sld [smem:$0x3FBB];
	_ =	sdelay $0x3  }
0x34: {  	[smem:$0x3FBB] =	sst s10  }
0x35: {  	s10 =	sld [smem:$0x3FBA];
	_ =	sdelay $0x3  }
0x36: {  	p1 =	seq.s32 s10, $0x1;
	s10 =	sld [smem:$0x3FBB];
	_ =	sdelay $0x3  }
0x37: {  	[smem:$0x3FBB] =	sst s10  }
0x38: {  	s10 =	sld [smem:$0x3FBC]  }
0x39: {  	_ = 	snop;
	(pc) =	sbr.ind lr, $3  }
0x3a: {  	_ = 	snop  }
0x3b: {  	_ = 	snop  }
0x3c: {  	p2 =	seq.s32 s10, $0x1;
	s10 =	sld [smem:$0x3FBB]  }
0x3d: {  	_ =	shalt  }
0x3e: {  	_ =	shalt  }
0x3f: {  	_ =	shalt  }
0x40: {  	_ =	shalt  }
0x41: {  	_ =	shalt  }
0x42: {  	_ =	shalt  }
0x43: {  	_ =	shalt  }
0x44: {  	_ =	shalt  }
0x45: {  	_ =	shalt  }
0x46: {  	_ =	shalt  }
0x47: {  	_ =	shalt  }
0x48: {  	_ =	shalt  }
0x49: {  	_ =	shalt  }
0x4a: {  	_ =	shalt  }
0x4b: {  	_ =	shalt  }
0x4c: {  	_ =	shalt  }
0x4d: {  	_ =	shalt  }
0x4e: {  	_ =	shalt  }
0x4f: {  	_ =	shalt  }
0x50: {  	_ =	shalt  }
0x51: {  	_ =	shalt  }
0x52: {  	_ =	shalt  }
0x53: {  	_ =	shalt  }
0x54: {  	_ =	shalt  }
0x55: {  	_ =	shalt  }
0x56: {  	_ =	shalt  }
0x57: {  	_ =	shalt  }
0x58: {  	_ =	shalt  }
0x59: {  	_ =	shalt  }
0x5a: {  	_ =	shalt  }
0x5b: {  	_ =	shalt  }
0x5c: {  	_ =	shalt  }
0x5d: {  	_ =	shalt  }
0x5e: {  	_ =	shalt  }
0x5f: {  	_ =	shalt  }
0x60: {  	_ =	shalt  }
0x61: {  	_ =	shalt  }
0x62: {  	_ =	shalt  }
0x63: {  	_ =	shalt  }
0x64: {  	_ =	shalt  }
0x65: {  	_ =	shalt  }
0x66: {  	_ =	shalt  }
0x67: {  	_ =	shalt  }
0x68: {  	_ =	shalt  }
0x69: {  	_ =	shalt  }
0x6a: {  	_ =	shalt  }
0x6b: {  	_ =	shalt  }
0x6c: {  	_ =	shalt  }
0x6d: {  	_ =	shalt  }
0x6e: {  	_ =	shalt  }
0x6f: {  	_ =	shalt  }
0x70: {  	_ =	shalt  }
0x71: {  	_ =	shalt  }
0x72: {  	_ =	shalt  }
0x73: {  	_ =	shalt  }
0x74: {  	_ =	shalt  }
0x75: {  	_ =	shalt  }
0x76: {  	_ =	shalt  }
0x77: {  	_ =	shalt  }
0x78: {  	_ =	shalt  }
0x79: {  	_ =	shalt  }
0x7a: {  	_ =	shalt  }
0x7b: {  	_ =	shalt  }
0x7c: {  	_ =	shalt  }
0x7d: {  	_ =	shalt  }
0x7e: {  	_ =	shalt  }
0x7f: {  	_ =	shalt  }
0x80: {  	_ =	shalt  }
0x81: {  	_ =	shalt  }
0x82: {  	_ =	shalt  }
0x83: {  	_ =	shalt  }
0x84: {  	_ =	shalt  }
0x85: {  	_ =	shalt  }
0x86: {  	_ =	shalt  }
0x87: {  	_ =	shalt  }
.Lfunc_end0:
.L_simem_size_0:
called_computation_lowered:
.L_overlay_start_0:
0x88: {  	s2 =	sld [smem:$0x3FD9]  }
0x89: {  	s3 =	sld [smem:$0x3FFE];
	_ =	sdelay $0x1  }
0x8a: {  	s1 =	srdreg.scid  }
0x8b: {  	s0 =	sand.u32 $0x1, s1  }
0x8c: {  	s17 =	sshll.u32 s0, $0xA;
	s2 =	sadd.s32 s3, s2  }
0x8d: {  	s2 =	sadd.s32 s2, s17  }
0x8e: {  	[smem:$0x3FC7] =	sst s2  }
0x8f: {  	_ = 	snop  }
0x90: {  	s2 =	sld [smem:$0x3FD0];
	(tm) =	ssettm $0x1  }
0x91: {  	s18 =	sld [smem:$0x3FFB];
	_ =	sdelay $0x3  }
0x92: {  	_ =	strace s18  }
0x93: {  	s3 =	sld [smem:$0x3FFC];
	_ =	sdelay $0x3  }
0x94: {  	_ =	strace s3  }
0x95: {  	s3 =	sld [smem:$0x3FFD];
	_ =	sdelay $0x3  }
0x96: {  	_ =	strace s3  }
0x97: {  	_ =	strace $0x8FFFFFFF  }
0x98: {  	s19 =	sld [smem:$0x3FDB];
	_ =	sdelay $0x1  }
0x99: {  	s4 =	simm.s32 $_scs_section_size  }
0x9a: {  	s5 =	simm.s32 $_size__tile_overlayer_lowered;
	s6 =	simm.s32 $_tile_overlayer_lowered  }
0x9b: {  	s22 =	simm.s32 $0x1BFF;
	s21 =	sshll.u32 s6, $0x1;
	s3 =	sadd.s32 s4, s19  }
0x9c: {  	s7 =	simm.s32 $0x0;
	s20 =	sshll.u32 s5, $0x1;
	s5 =	sadd.s32 s21, s3  }
0x9d: {  	[timem:s7], [sflag:s22] =	dma.local [hbm:s5], s20  }
0x9e: {  	_ =	swait.ge [sflag:s22], s20  }
0x9f: {  	s4 =	ssub.s32 $0x0, s20;
	[sflag:s22] =	ssyncset.done $0x0  }
0xa0: {  	[sflag:s22] =	ssyncadd.s32 s4;
	_ =	sdelay $0x1  }
0xa1: {  	s23 =	simm.s32 $0x1B8B  }
0xa2: {  	_ =	swait.ge [sflag:s23], $0x1  }
0xa3: {  	[sflag:s23] =	ssyncset.done $0x0  }
0xa4: {  	s25 =	simm.s32 $0x1B8E;
	s24 =	sld [smem:$0x3FFE];
	[sflag:s23] =	ssyncadd.s32 $0xFFFFFFFF  }
0xa5: {  	s26 =	simm.s32 $execute0_lowered;
	[smem:$0x3FD2] =	sst s25  }
0xa6: {  	s5 =	sshll.u32 s26, $0x1;
	_ =	strace $0x80000046;
	[dreg:$0x1] =	wrdreg $0xFFFFFFFF  }
0xa7: {  	s28 =	simm.s32 $_size_execute0_lowered;
	s3 =	sadd.s32 s3, s5;
	[dreg:$0x0] =	wrdreg $0x0  }
0xa8: {  	s5 =	sshll.u32 s28, $0x1;
	[dreg:$0x2] =	wrdreg s3  }
0xa9: {  	[dreg:$0x3] =	wrdreg s5  }
0xaa: {  	[dreg:$0x4] =	wrdreg $0xC0  }
0xab: {  	_ =	task [dreg:s7], $0x5FFFF  }
0xac: {  	[dreg:$0x1] =	wrdreg $0xFFFFFFFF  }
0xad: {  	[dreg:$0x0] =	wrdreg $0x60  }
0xae: {  	[dreg:$0x2] =	wrdreg s24  }
0xaf: {  	[dreg:$0x3] =	wrdreg s2  }
0xb0: {  	[dreg:$0x4] =	wrdreg $0x101000  }
0xb1: {  	[dreg:$0x5] =	wrdreg $0x9  }
0xb2: {  	_ =	task.clear_ibuf [dreg:s7], $0x6FFFF;
	_ =	strace $0x90000046  }
0xb3: {  	s29 =	simm.s32 $0x9;
	_ =	strace $0x80000048  }
0xb4: {  	_ =	swait.ge [sflag:s29], $0x1  }
0xb5: {  	[sflag:s29] =	ssyncadd.s32 $0xFFFFFFFF  }
0xb6: {  	_ =	strace $0x90000048  }
0xb7: {  	_ =	sfence  }
0xb8: {  	s30 =	sld [smem:$0x0];
	_ =	sdelay $0x2  }
0xb9: {  	s31 =	sshll.u32 s1, $0xD;
	s1 =	sshrl.u32 s1, $0x2  }
0xba: {  	s3 =	sand.u32 $0x4000, s31;
	s1 =	sadd.s32 s1, s30  }
0xbb: {  	s0 =	sor.u32 s3, s0;
	s1 =	sshll.u32 s1, $0x11  }
0xbc: {  	s0 =	sor.u32 s1, s0  }
0xbd: {  	s0 =	sadd.s32 $0x8F2B, s0  }
0xbe: {  	[sflag:s0] =	ssyncadd.remote.s32 $0x1  }
0xbf: {  	_ =	sfence.sel $0xFFFF  }
0xc0: {  	[dreg:$0x0] =	wrdreg $0xFFFFFFFF;
	(pc) =	sbr.abs _section_cstart, $3  }
0xc1: {  	[dreg:$0x1] =	wrdreg $0xFFFFFFFF  }
0xc2: {  	_ =	task.clear_ibuf [dreg:s7], $0x2FFFF;
	_ =	strace $0x9FFFFFFF  }
0xc3: {  	(tm) =	ssettm $0x7FFFFFFF  }
tec
execute0_lowered:
.L_overlay_start_1:
0x0: {  	(tag) =	ssettag $0x1  }
0x1: {  	s16 =	rddreg [dreg:$0x0]  }
0x2: {  	s9 =	rddreg [dreg:$0x1]  }
0x3: {  	s2 =	rddreg [dreg:$0x2];
	s1 =	srdreg.scid  }
0x4: {  	s0 =	rddreg [dreg:$0x3];
	s3 =	simm.s32 $0x0;
	s8 =	simm.s32 $0x100  }
0x5: {  	s17 =	sand.u32 $0x1, s1;
	s1 =	stileid.u32;
	[smem:$0x7FF] =	sst s3  }
0x6: {  	s4 =	sshll.u32 s17, $0x4;
	_ =	strace $0x80000047;
	s28 =	sshll.u32 s1, $0xB  }
0x7: {  	s5 =	sshll.u32 s1, $0xE;
	s20 =	sshll.u32 s1, $0x6;
	s7 =	sor.u32 s1, s4  }
0x8: {  	s18 =	sadd.s32 s5, s2;
	s5 =	sor.u32 $0x1C01, s20;
	s4 =	sshll.u32 s7, $0xD  }
0x9: {  	s10 =	sshll.u32 s7, $0x5;
	s6 =	sadd.s32 s4, s16;
	s4 =	sadd.s32 s28, s16  }
0xa: {  	s7 =	sshrl.u32 s18, $0x3;
	s4 =	sadd.s32 $0x45C00, s4;
	s6 =	sadd.s32 $0x5C00, s6  }
0xb: {  	[spmem:s7], [sflag:s5] =	dma.local [hbm:s4], $0x800  }
0xc: {  	[tilespmem:s8], [sflag:$0x2] =	stream.linear.gather [hbm4b:s6+s3], $0x10000, $0x38;
	[tilespmem:$0x14100] =	vst v63  }
0xd: {  	s9 =	sadd.s32 s9, s10  }
0xe: {  	[tilespmem:s3], [sflag:$0x3] =	stream.linear.gather [hbm4b:s9+s3], $0x80, $0x38;
	[tilespmem:$0x14100] =	vst v63  }
0xf: {  	s11 =	simm.s32 $0x80;
	s12 =	simm.s32 $0x3;
	s10 =	sadd.s32 $0x10, s9  }
0x10: {  	[tilespmem:s11], [sflag:$0x3] =	stream.linear.gather [hbm4b:s10+s3], $0x80, $0x38;
	[tilespmem:$0x14100] =	vst v63  }
0x11: {  	_ =	swait.ge [sflag:s12], $0x80  }
0x12: {  	[sflag:s12] =	ssyncset.done $0x0  }
0x13: {  	[sflag:s12] =	ssyncadd.s32 $0xFFFFFF80  }
0x14: {  	_ =	swait.ge [sflag:s12], $0x80  }
0x15: {  	[sflag:s12] =	ssyncset.done $0x0  }
0x16: {  	s13 =	simm.s32 $0x1;
	[sflag:s12] =	ssyncadd.s32 $0xFFFFFF80  }
0x17: {  	_ =	swait.ge [sflag:s13], $0x800  }
0x18: {  	[sflag:s13] =	ssyncset.done $0x0  }
0x19: {  	s14 =	simm.s32 $0x2;
	[sflag:s13] =	ssyncadd.s32 $0xFFFFF800  }
0x1a: {  	_ =	swait.ge [sflag:s14], $0x10000  }
0x1b: {  	[sflag:s14] =	ssyncset.done $0x0  }
0x1c: {  	[sflag:s14] =	ssyncadd.s32 $0xFFFF0000  }
0x1d: {  	s15 =	simm.s32 $0x8100;
	[bflag:$0x0] =	sbarrier.arrive $0xFFFF  }
0x1e: {  	[spmem:s2] =	stream.indirect.scatter.add.f32 [tilespmem:s8], [sflag:$0x2], $0x100, s3, s11, $0xb8;
	[tilespmem:$0x14100] =	vst v63  }
0x1f: {  	s19 =	sshll.u32 s17, $0xE;
	s22 =	ssub.s32 $0x2, s17;
	s30 =	sshll.u32 s1, $0xA  }
0x20: {  	[spmem:s2] =	stream.indirect.scatter.add.f32 [tilespmem:s15], [sflag:$0x2], $0x100, s11, s11, $0xb8;
	[tilespmem:$0x14100] =	vst v63  }
0x21: {  	s17 =	simm.s32 $0x10;
	s20 =	sor.u32 $0x1C02, s20;
	_ =	swait.ge [sflag:s14], $0x8000  }
0x22: {  	s31 =	sshrl.u32 s22, $0x1;
	s23 =	sadd.s32 $0x80, s18;
	[sflag:s14] =	ssyncset.done $0x0  }
0x23: {  	s18 =	simm.s32 $0x20;
	s22 =	ssub.s32 s22, s31;
	[sflag:s14] =	ssyncadd.s32 $0xFFFF8000  }
0x24: {  	s16 =	sadd.s32 s19, s16;
	s22 =	smax.u32 s22, $0x1;
	_ =	swait.ge [sflag:s14], $0x8000  }
0x25: {  	s29 =	sadd.s32 $0x4DC00, s16;
	s21 =	sadd.s32 $0x55C00, s16;
	[sflag:s14] =	ssyncset.done $0x0  }
0x26: {  	p0 =	sne.s32 s22, $0x1;
	s16 =	sadd.s32 s30, s29;
	[sflag:s14] =	ssyncadd.s32 $0xFFFF8000  }
0x27: {  	s19 =	sadd.s32 s30, s21;
	s21 =	sshrl.u32 s23, $0x3;
	[bflag:$0x0] =	sbarrier.arrive $0xFFFF  }
0x28: {  	[hbm:s16@s17], [sflag:s5] =	dma.strided [spmem:s7@s18], $0x400, s13, $0x10   }
0x29: {  	[hbm:s19@s17], [sflag:s20] =	dma.strided [spmem:s21@s18], $0x400, s13, $0x10   }
.Ltmp0:
0x2a: {  	_ =	swait.ge [sflag:s13], $0x400;
	(pc) =	sbr.rel @!p0 .LBB2_2-.Ltmp0, $4  }
0x2b: {  	[sflag:s13] =	ssyncset.done $0x0  }
0x2c: {  	[sflag:s13] =	ssyncadd.s32 $0xFFFFFC00  }
0x2d: {  	_ =	swait.ge [sflag:s14], $0x400  }
0x2e: {  	s22 =	sadd.s32 $0xFFFFFFFF, s22;
	[sflag:s14] =	ssyncset.done $0x0  }
.LBB2_1:
0x2f: {  	p0 =	sne.s32 s22, $0x1;
	s22 =	sadd.s32 $0xFFFFFFFF, s22;
	[sflag:s14] =	ssyncadd.s32 $0xFFFFFC00  }
0x30: {  	[spmem:s7], [sflag:s5] =	dma.local [hbm:s4], $0x800  }
0x31: {  	[tilespmem:s8], [sflag:$0x2] =	stream.linear.gather [hbm4b:s6+s3], $0x10000, $0x38;
	[tilespmem:$0x14100] =	vst v63  }
0x32: {  	_ = 	snop  }
0x33: {  	[tilespmem:s3], [sflag:$0x3] =	stream.linear.gather [hbm4b:s9+s3], $0x80, $0x38;
	[tilespmem:$0x14100] =	vst v63  }
0x34: {  	_ = 	snop  }
0x35: {  	[tilespmem:s11], [sflag:$0x3] =	stream.linear.gather [hbm4b:s10+s3], $0x80, $0x38;
	[tilespmem:$0x14100] =	vst v63  }
0x36: {  	_ =	swait.ge [sflag:s12], $0x80  }
0x37: {  	[sflag:s12] =	ssyncset.done $0x0  }
0x38: {  	[sflag:s12] =	ssyncadd.s32 $0xFFFFFF80  }
0x39: {  	_ =	swait.ge [sflag:s12], $0x80  }
0x3a: {  	[sflag:s12] =	ssyncset.done $0x0  }
0x3b: {  	[sflag:s12] =	ssyncadd.s32 $0xFFFFFF80  }
0x3c: {  	_ =	swait.ge [sflag:s13], $0x800  }
0x3d: {  	[sflag:s13] =	ssyncset.done $0x0  }
0x3e: {  	[sflag:s13] =	ssyncadd.s32 $0xFFFFF800  }
0x3f: {  	_ =	swait.ge [sflag:s14], $0x10000  }
0x40: {  	[sflag:s14] =	ssyncset.done $0x0  }
0x41: {  	[sflag:s14] =	ssyncadd.s32 $0xFFFF0000  }
0x42: {  	[bflag:$0x0] =	sbarrier.arrive $0xFFFF  }
0x43: {  	[spmem:s2] =	stream.indirect.scatter.add.f32 [tilespmem:s8], [sflag:$0x2], $0x100, s3, s11, $0xb8;
	[tilespmem:$0x14100] =	vst v63  }
0x44: {  	_ = 	snop  }
0x45: {  	[spmem:s2] =	stream.indirect.scatter.add.f32 [tilespmem:s15], [sflag:$0x2], $0x100, s11, s11, $0xb8;
	[tilespmem:$0x14100] =	vst v63  }
0x46: {  	_ =	swait.ge [sflag:s14], $0x8000  }
0x47: {  	[sflag:s14] =	ssyncset.done $0x0  }
0x48: {  	[sflag:s14] =	ssyncadd.s32 $0xFFFF8000  }
0x49: {  	_ =	swait.ge [sflag:s14], $0x8000  }
0x4a: {  	[sflag:s14] =	ssyncset.done $0x0  }
0x4b: {  	[sflag:s14] =	ssyncadd.s32 $0xFFFF8000  }
0x4c: {  	[bflag:$0x0] =	sbarrier.arrive $0xFFFF  }
0x4d: {  	[hbm:s16@s17], [sflag:s5] =	dma.strided [spmem:s7@s18], $0x400, s13, $0x10   }
0x4e: {  	[hbm:s19@s17], [sflag:s20] =	dma.strided [spmem:s21@s18], $0x400, s13, $0x10   }
.Ltmp1:
0x4f: {  	_ =	swait.ge [sflag:s13], $0x400;
	(pc) =	sbr.rel @p0 .LBB2_1-.Ltmp1, $4  }
0x50: {  	[sflag:s13] =	ssyncset.done $0x0  }
0x51: {  	[sflag:s13] =	ssyncadd.s32 $0xFFFFFC00  }
0x52: {  	_ =	swait.ge [sflag:s14], $0x400  }
0x53: {  	[sflag:s14] =	ssyncset.done $0x0  }
.LBB2_2:
0x54: {  	[sflag:s14] =	ssyncadd.s32 $0xFFFFFC00  }
0x55: {  	_ =	sfence.sel $0x180000  }
0x56: {  	[bflag:$0x0] =	sbarrier.arrive $0xFFFF  }
0x57: {  	p0 =	sne.s32 s1, $0x0;
	_ =	strace $0x90000047  }
0x58: {  	s0 =	sadd.s32 @!p0 $0x100000, s0;
	[bflag:$0x2] =	sbarrier.arrive $0xFFFF  }
0x59: {  	[sflag:s0] =	ssyncadd.tile.s32 @!p0 $0x1;
	_ =	shalt  }
.Lfunc_end2:
_tile_overlayer_lowered:
.L_overlay_start_2:
0x5a: {  	(tag) =	ssettag $0x2  }
0x5b: {  	s0 =	rddreg [dreg:$0x0];
	s2 =	stileid.u32  }
0x5c: {  	s1 =	rddreg [dreg:$0x1];
	p0 =	sne.s32 s2, $0x0  }
0x5d: {  	s3 =	rddreg [dreg:$0x2];
	[bflag:$0x3] =	sbarrier.arrive $0xFFFF;
	s2 =	simm.s32 @!p0 $0x1C04  }
0x5e: {  	[timem:s3], [sflag:s2] =	dma.local @!p0 [hbm:s0], s1  }
0x5f: {  	s0 =	simm.s32 @!p0 $0x4  }
0x60: {  	_ =	swait.ge @!p0 [sflag:s0], s1  }
0x61: {  	s1 =	ssub.s32 @!p0 $0x0, s1;
	[sflag:s0] =	ssyncset.done @!p0 $0x0  }
0x62: {  	[sflag:s0] =	ssyncadd.s32 @!p0 s1  }
0x63: {  	[bflag:$0x3] =	sbarrier.arrive $0xFFFF  }
0x64: {  	_ =	shalt  }

// kernel: kernel.16.cloned.1.call-start
scs
__scs_entry_jumppad:
0x0: {  	(pc) =	sbr.rel $0x88, $3  }
0x1: {  	(tag) =	ssettag $0x0;
	lr =	simm.s32 $0x1  }
0x2: {  	[smem:$0x3FA0] =	sst lr;
	_ =	strace $0xD0000000  }
0x3: {  	_ = 	snop  }
0x4: {  	_ = 	snop  }
0x5: {  	_ = 	snop  }
0x6: {  	_ = 	snop  }
0x7: {  	_ = 	snop  }
__scs_overlays_trampoline_lowered:
0x8: {  	[smem:$0x3FAF] =	sst s0  }
0x9: {  	[smem:$0x3FB0] =	sst s1  }
0xa: {  	[smem:$0x3FB1] =	sst s2  }
0xb: {  	[smem:$0x3FB2] =	sst s3  }
0xc: {  	[smem:$0x3FB3] =	sst s4  }
0xd: {  	[smem:$0x3FB4] =	sst s5  }
0xe: {  	[smem:$0x3FB5] =	sst s6  }
0xf: {  	[smem:$0x3FB6] =	sst s7  }
0x10: {  	[smem:$0x3FB7] =	sst s8  }
0x11: {  	[smem:$0x3FB8] =	sst s9;
	s0 =	simm.s32 @!p0 $0x0  }
0x12: {  	s1 =	sld [smem:$0x3F9E];
	s0 =	simm.s32 @p0 $0x1  }
0x13: {  	[smem:$0x3FB9] =	sst s0;
	s0 =	simm.s32 @!p1 $0x0  }
0x14: {  	s2 =	sld [smem:$0x3F9D];
	s0 =	simm.s32 @p1 $0x1  }
0x15: {  	[smem:$0x3FBA] =	sst s0;
	s0 =	simm.s32 @!p2 $0x0  }
0x16: {  	s3 =	sld [smem:$0x3FDB];
	s0 =	simm.s32 @p2 $0x1  }
0x17: {  	s4 =	simm.s32 $0x1BF5;
	[smem:$0x3FBC] =	sst s0  }
0x18: {  	s0 =	sld [smem:$0x3F9F];
	_ =	swait.ge [sflag:s4], $0x0  }
0x19: {  	s7 =	sld [smem:$0x3FA0]  }
0x1a: {  	s8 =	sadd.s32 $0xFFFFE003, lr  }
0x1b: {  	s9 =	sadd.s32 $0xFFFFFEF7, lr;
	s5 =	simm.s32 $0xFFFFFFFF;
	p2 =	slt.u32 s8, $0xFFFFF086  }
0x1c: {  	p1 =	slt.u32 s9, $0xF7A;
	s5 =	simm.s32 @!p2 $0x0  }
0x1d: {  	s5 =	simm.s32 @p1 $0x1;
	p0 =	seq.s32 s7, s2  }
0x1e: {  	s7 =	smul.u32 @!p0 $0xF7A, s2;
	p2 =	seq.s32 @!p0 s5, $0x0  }
0x1f: {  	s9 =	smul.u32 $0xF7A, s1;
	s8 =	simm.s32 @!p0 $0x1BF5;
	p2 =	por !p2, p0  }
0x20: {  	[sflag:s8] =	ssyncset.s32 @!p0 $0xFFFFF086;
	s6 =	sadd.s32 @!p0 s3, s7;
	s7 =	simm.s32 @!p0 $0x108  }
0x21: {  	s3 =	sadd.s32 s3, s9;
	s6 =	sadd.s32 @!p0 $0x88, s6;
	s7 =	simm.s32 @p2 $0x1082  }
0x22: {  	[simem:s7], [sflag:s8] =	dma.local @!p0 [hbm:s6], $0xF7A  }
0x23: {  	s9 =	sor.u32 $0xD0000000, s2;
	s6 =	simm.s32 $0x108;
	_ =	swait.ge @!p0 [sflag:s8], $0x0  }
0x24: {  	s3 =	sadd.s32 $0x88, s3;
	s6 =	simm.s32 @!p1 $0x1082;
	[sflag:s4] =	ssyncset.s32 $0xFFFFF086  }
0x25: {  	[simem:s6], [sflag:s4] =	dma.local [hbm:s3], $0xF7A  }
0x26: {  	[smem:$0x3FA0] =	sst s1;
	(tag) =	ssettag s2;
	_ =	strace s9  }
0x27: {  	s1 =	sld [smem:$0x3FB0]  }
0x28: {  	s2 =	sld [smem:$0x3FB1]  }
0x29: {  	s4 =	sld [smem:$0x3FB3]  }
0x2a: {  	p0 =	seq.s32 s5, $0x0;
	s5 =	sld [smem:$0x3FB4]  }
0x2b: {  	s6 =	sld [smem:$0x3FB5]  }
0x2c: {  	s7 =	sld [smem:$0x3FB6]  }
0x2d: {  	s3 =	simm.s32 $0x108;
	s8 =	sld [smem:$0x3FB7]  }
0x2e: {  	s3 =	simm.s32 @!p0 $0x1082;
	s9 =	sld [smem:$0x3FB8]  }
0x2f: {  	lr =	sadd.s32 s0, s3;
	s0 =	sld [smem:$0x3FAF]  }
0x30: {  	s3 =	sld [smem:$0x3FB2]  }
0x31: {  	[smem:$0x3FBB] =	sst s10  }
0x32: {  	s10 =	sld [smem:$0x3FB9];
	_ =	sdelay $0x3  }
0x33: {  	p0 =	seq.s32 s10, $0x1;
	s10 =	sld [smem:$0x3FBB];
	_ =	sdelay $0x3  }
0x34: {  	[smem:$0x3FBB] =	sst s10  }
0x35: {  	s10 =	sld [smem:$0x3FBA];
	_ =	sdelay $0x3  }
0x36: {  	p1 =	seq.s32 s10, $0x1;
	s10 =	sld [smem:$0x3FBB];
	_ =	sdelay $0x3  }
0x37: {  	[smem:$0x3FBB] =	sst s10  }
0x38: {  	s10 =	sld [smem:$0x3FBC]  }
0x39: {  	_ = 	snop;
	(pc) =	sbr.ind lr, $3  }
0x3a: {  	_ = 	snop  }
0x3b: {  	_ = 	snop  }
0x3c: {  	p2 =	seq.s32 s10, $0x1;
	s10 =	sld [smem:$0x3FBB]  }
0x3d: {  	_ =	shalt  }
0x3e: {  	_ =	shalt  }
0x3f: {  	_ =	shalt  }
0x40: {  	_ =	shalt  }
0x41: {  	_ =	shalt  }
0x42: {  	_ =	shalt  }
0x43: {  	_ =	shalt  }
0x44: {  	_ =	shalt  }
0x45: {  	_ =	shalt  }
0x46: {  	_ =	shalt  }
0x47: {  	_ =	shalt  }
0x48: {  	_ =	shalt  }
0x49: {  	_ =	shalt  }
0x4a: {  	_ =	shalt  }
0x4b: {  	_ =	shalt  }
0x4c: {  	_ =	shalt  }
0x4d: {  	_ =	shalt  }
0x4e: {  	_ =	shalt  }
0x4f: {  	_ =	shalt  }
0x50: {  	_ =	shalt  }
0x51: {  	_ =	shalt  }
0x52: {  	_ =	shalt  }
0x53: {  	_ =	shalt  }
0x54: {  	_ =	shalt  }
0x55: {  	_ =	shalt  }
0x56: {  	_ =	shalt  }
0x57: {  	_ =	shalt  }
0x58: {  	_ =	shalt  }
0x59: {  	_ =	shalt  }
0x5a: {  	_ =	shalt  }
0x5b: {  	_ =	shalt  }
0x5c: {  	_ =	shalt  }
0x5d: {  	_ =	shalt  }
0x5e: {  	_ =	shalt  }
0x5f: {  	_ =	shalt  }
0x60: {  	_ =	shalt  }
0x61: {  	_ =	shalt  }
0x62: {  	_ =	shalt  }
0x63: {  	_ =	shalt  }
0x64: {  	_ =	shalt  }
0x65: {  	_ =	shalt  }
0x66: {  	_ =	shalt  }
0x67: {  	_ =	shalt  }
0x68: {  	_ =	shalt  }
0x69: {  	_ =	shalt  }
0x6a: {  	_ =	shalt  }
0x6b: {  	_ =	shalt  }
0x6c: {  	_ =	shalt  }
0x6d: {  	_ =	shalt  }
0x6e: {  	_ =	shalt  }
0x6f: {  	_ =	shalt  }
0x70: {  	_ =	shalt  }
0x71: {  	_ =	shalt  }
0x72: {  	_ =	shalt  }
0x73: {  	_ =	shalt  }
0x74: {  	_ =	shalt  }
0x75: {  	_ =	shalt  }
0x76: {  	_ =	shalt  }
0x77: {  	_ =	shalt  }
0x78: {  	_ =	shalt  }
0x79: {  	_ =	shalt  }
0x7a: {  	_ =	shalt  }
0x7b: {  	_ =	shalt  }
0x7c: {  	_ =	shalt  }
0x7d: {  	_ =	shalt  }
0x7e: {  	_ =	shalt  }
0x7f: {  	_ =	shalt  }
0x80: {  	_ =	shalt  }
0x81: {  	_ =	shalt  }
0x82: {  	_ =	shalt  }
0x83: {  	_ =	shalt  }
0x84: {  	_ =	shalt  }
0x85: {  	_ =	shalt  }
0x86: {  	_ =	shalt  }
0x87: {  	_ =	shalt  }
.Lfunc_end0:
.L_simem_size_0:
called_computation.1_lowered:
.L_overlay_start_0:
0x88: {  	s2 =	sld [smem:$0x3FD9]  }
0x89: {  	s3 =	sld [smem:$0x3FFE];
	_ =	sdelay $0x1  }
0x8a: {  	s1 =	srdreg.scid  }
0x8b: {  	s0 =	sand.u32 $0x1, s1  }
0x8c: {  	s17 =	sshll.u32 s0, $0xA;
	s2 =	sadd.s32 s3, s2  }
0x8d: {  	s2 =	sadd.s32 s2, s17  }
0x8e: {  	[smem:$0x3FC7] =	sst s2  }
0x8f: {  	_ = 	snop  }
0x90: {  	s2 =	sld [smem:$0x3FD0];
	(tm) =	ssettm $0x1  }
0x91: {  	s18 =	sld [smem:$0x3FFB];
	_ =	sdelay $0x3  }
0x92: {  	_ =	strace s18  }
0x93: {  	s3 =	sld [smem:$0x3FFC];
	_ =	sdelay $0x3  }
0x94: {  	_ =	strace s3  }
0x95: {  	s3 =	sld [smem:$0x3FFD];
	_ =	sdelay $0x3  }
0x96: {  	_ =	strace s3  }
0x97: {  	_ =	strace $0x8FFFFFFF  }
0x98: {  	s19 =	sld [smem:$0x3FDB];
	_ =	sdelay $0x1  }
0x99: {  	s4 =	simm.s32 $_scs_section_size  }
0x9a: {  	s5 =	simm.s32 $_size__tile_overlayer_lowered;
	s6 =	simm.s32 $_tile_overlayer_lowered  }
0x9b: {  	s22 =	simm.s32 $0x1BFF;
	s21 =	sshll.u32 s6, $0x1;
	s3 =	sadd.s32 s4, s19  }
0x9c: {  	s7 =	simm.s32 $0x0;
	s20 =	sshll.u32 s5, $0x1;
	s5 =	sadd.s32 s21, s3  }
0x9d: {  	[timem:s7], [sflag:s22] =	dma.local [hbm:s5], s20  }
0x9e: {  	_ =	swait.ge [sflag:s22], s20  }
0x9f: {  	s4 =	ssub.s32 $0x0, s20;
	[sflag:s22] =	ssyncset.done $0x0  }
0xa0: {  	[sflag:s22] =	ssyncadd.s32 s4;
	_ =	sdelay $0x1  }
0xa1: {  	s23 =	simm.s32 $0x1B8B  }
0xa2: {  	_ =	swait.ge [sflag:s23], $0x1  }
0xa3: {  	[sflag:s23] =	ssyncset.done $0x0  }
0xa4: {  	s25 =	simm.s32 $0x1B8E;
	s24 =	sld [smem:$0x3FFE];
	[sflag:s23] =	ssyncadd.s32 $0xFFFFFFFF  }
0xa5: {  	s26 =	simm.s32 $execute0_lowered;
	[smem:$0x3FD2] =	sst s25  }
0xa6: {  	s5 =	sshll.u32 s26, $0x1;
	_ =	strace $0x80000049;
	[dreg:$0x1] =	wrdreg $0xFFFFFFFF  }
0xa7: {  	s28 =	simm.s32 $_size_execute0_lowered;
	s3 =	sadd.s32 s3, s5;
	[dreg:$0x0] =	wrdreg $0x0  }
0xa8: {  	s5 =	sshll.u32 s28, $0x1;
	[dreg:$0x2] =	wrdreg s3  }
0xa9: {  	[dreg:$0x3] =	wrdreg s5  }
0xaa: {  	[dreg:$0x4] =	wrdreg $0xC0  }
0xab: {  	_ =	task [dreg:s7], $0x5FFFF  }
0xac: {  	[dreg:$0x1] =	wrdreg $0xFFFFFFFF  }
0xad: {  	[dreg:$0x0] =	wrdreg $0x60  }
0xae: {  	[dreg:$0x2] =	wrdreg s24  }
0xaf: {  	[dreg:$0x3] =	wrdreg s2  }
0xb0: {  	[dreg:$0x4] =	wrdreg $0x101000  }
0xb1: {  	[dreg:$0x5] =	wrdreg $0x9  }
0xb2: {  	_ =	task.clear_ibuf [dreg:s7], $0x6FFFF;
	_ =	strace $0x90000049  }
0xb3: {  	s29 =	simm.s32 $0x9;
	_ =	strace $0x8000004B  }
0xb4: {  	_ =	swait.ge [sflag:s29], $0x1  }
0xb5: {  	[sflag:s29] =	ssyncadd.s32 $0xFFFFFFFF  }
0xb6: {  	_ =	strace $0x9000004B  }
0xb7: {  	_ =	sfence  }
0xb8: {  	s30 =	sld [smem:$0x0];
	_ =	sdelay $0x2  }
0xb9: {  	s31 =	sshll.u32 s1, $0xD;
	s1 =	sshrl.u32 s1, $0x2  }
0xba: {  	s3 =	sand.u32 $0x4000, s31;
	s1 =	sadd.s32 s1, s30  }
0xbb: {  	s0 =	sor.u32 s3, s0;
	s1 =	sshll.u32 s1, $0x11  }
0xbc: {  	s0 =	sor.u32 s1, s0  }
0xbd: {  	s0 =	sadd.s32 $0x8F2B, s0  }
0xbe: {  	[sflag:s0] =	ssyncadd.remote.s32 $0x1  }
0xbf: {  	_ =	sfence.sel $0xFFFF  }
0xc0: {  	[dreg:$0x0] =	wrdreg $0xFFFFFFFF;
	(pc) =	sbr.abs _section_cstart, $3  }
0xc1: {  	[dreg:$0x1] =	wrdreg $0xFFFFFFFF  }
0xc2: {  	_ =	task.clear_ibuf [dreg:s7], $0x2FFFF;
	_ =	strace $0x9FFFFFFF  }
0xc3: {  	(tm) =	ssettm $0x7FFFFFFF  }
tec
execute0_lowered:
.L_overlay_start_1:
0x0: {  	(tag) =	ssettag $0x1  }
0x1: {  	s16 =	rddreg [dreg:$0x0]  }
0x2: {  	s9 =	rddreg [dreg:$0x1]  }
0x3: {  	s2 =	rddreg [dreg:$0x2];
	s1 =	srdreg.scid  }
0x4: {  	s0 =	rddreg [dreg:$0x3];
	s3 =	simm.s32 $0x0;
	s8 =	simm.s32 $0x100  }
0x5: {  	s17 =	sand.u32 $0x1, s1;
	s1 =	stileid.u32;
	[smem:$0x7FF] =	sst s3  }
0x6: {  	s4 =	sshll.u32 s17, $0x4;
	_ =	strace $0x8000004A;
	s28 =	sshll.u32 s1, $0xB  }
0x7: {  	s5 =	sshll.u32 s1, $0xE;
	s20 =	sshll.u32 s1, $0x6;
	s7 =	sor.u32 s1, s4  }
0x8: {  	s18 =	sadd.s32 s5, s2;
	s5 =	sor.u32 $0x1C01, s20;
	s4 =	sshll.u32 s7, $0xD  }
0x9: {  	s10 =	sshll.u32 s7, $0x5;
	s6 =	sadd.s32 s4, s16;
	s4 =	sadd.s32 s28, s16  }
0xa: {  	s7 =	sshrl.u32 s18, $0x3;
	s4 =	sadd.s32 $0x45C00, s4;
	s6 =	sadd.s32 $0x5C00, s6  }
0xb: {  	[spmem:s7], [sflag:s5] =	dma.local [hbm:s4], $0x800  }
0xc: {  	[tilespmem:s8], [sflag:$0x2] =	stream.linear.gather [hbm4b:s6+s3], $0x10000, $0x38;
	[tilespmem:$0x14100] =	vst v63  }
0xd: {  	s9 =	sadd.s32 s9, s10  }
0xe: {  	[tilespmem:s3], [sflag:$0x3] =	stream.linear.gather [hbm4b:s9+s3], $0x80, $0x38;
	[tilespmem:$0x14100] =	vst v63  }
0xf: {  	s11 =	simm.s32 $0x80;
	s12 =	simm.s32 $0x3;
	s10 =	sadd.s32 $0x10, s9  }
0x10: {  	[tilespmem:s11], [sflag:$0x3] =	stream.linear.gather [hbm4b:s10+s3], $0x80, $0x38;
	[tilespmem:$0x14100] =	vst v63  }
0x11: {  	_ =	swait.ge [sflag:s12], $0x80  }
0x12: {  	[sflag:s12] =	ssyncset.done $0x0  }
0x13: {  	[sflag:s12] =	ssyncadd.s32 $0xFFFFFF80  }
0x14: {  	_ =	swait.ge [sflag:s12], $0x80  }
0x15: {  	[sflag:s12] =	ssyncset.done $0x0  }
0x16: {  	s13 =	simm.s32 $0x1;
	[sflag:s12] =	ssyncadd.s32 $0xFFFFFF80  }
0x17: {  	_ =	swait.ge [sflag:s13], $0x800  }
0x18: {  	[sflag:s13] =	ssyncset.done $0x0  }
0x19: {  	s14 =	simm.s32 $0x2;
	[sflag:s13] =	ssyncadd.s32 $0xFFFFF800  }
0x1a: {  	_ =	swait.ge [sflag:s14], $0x10000  }
0x1b: {  	[sflag:s14] =	ssyncset.done $0x0  }
0x1c: {  	[sflag:s14] =	ssyncadd.s32 $0xFFFF0000  }
0x1d: {  	s15 =	simm.s32 $0x8100;
	[bflag:$0x0] =	sbarrier.arrive $0xFFFF  }
0x1e: {  	[spmem:s2] =	stream.indirect.scatter.add.f32 [tilespmem:s8], [sflag:$0x2], $0x100, s3, s11, $0xb8;
	[tilespmem:$0x14100] =	vst v63  }
0x1f: {  	s19 =	sshll.u32 s17, $0xE;
	s22 =	ssub.s32 $0x2, s17;
	s30 =	sshll.u32 s1, $0xA  }
0x20: {  	[spmem:s2] =	stream.indirect.scatter.add.f32 [tilespmem:s15], [sflag:$0x2], $0x100, s11, s11, $0xb8;
	[tilespmem:$0x14100] =	vst v63  }
0x21: {  	s17 =	simm.s32 $0x10;
	s20 =	sor.u32 $0x1C02, s20;
	_ =	swait.ge [sflag:s14], $0x8000  }
0x22: {  	s31 =	sshrl.u32 s22, $0x1;
	s23 =	sadd.s32 $0x80, s18;
	[sflag:s14] =	ssyncset.done $0x0  }
0x23: {  	s18 =	simm.s32 $0x20;
	s22 =	ssub.s32 s22, s31;
	[sflag:s14] =	ssyncadd.s32 $0xFFFF8000  }
0x24: {  	s16 =	sadd.s32 s19, s16;
	s22 =	smax.u32 s22, $0x1;
	_ =	swait.ge [sflag:s14], $0x8000  }
0x25: {  	s29 =	sadd.s32 $0x4DC00, s16;
	s21 =	sadd.s32 $0x55C00, s16;
	[sflag:s14] =	ssyncset.done $0x0  }
0x26: {  	p0 =	sne.s32 s22, $0x1;
	s16 =	sadd.s32 s30, s29;
	[sflag:s14] =	ssyncadd.s32 $0xFFFF8000  }
0x27: {  	s19 =	sadd.s32 s30, s21;
	s21 =	sshrl.u32 s23, $0x3;
	[bflag:$0x0] =	sbarrier.arrive $0xFFFF  }
0x28: {  	[hbm:s16@s17], [sflag:s5] =	dma.strided [spmem:s7@s18], $0x400, s13, $0x10   }
0x29: {  	[hbm:s19@s17], [sflag:s20] =	dma.strided [spmem:s21@s18], $0x400, s13, $0x10   }
.Ltmp0:
0x2a: {  	_ =	swait.ge [sflag:s13], $0x400;
	(pc) =	sbr.rel @!p0 .LBB2_2-.Ltmp0, $4  }
0x2b: {  	[sflag:s13] =	ssyncset.done $0x0  }
0x2c: {  	[sflag:s13] =	ssyncadd.s32 $0xFFFFFC00  }
0x2d: {  	_ =	swait.ge [sflag:s14], $0x400  }
0x2e: {  	s22 =	sadd.s32 $0xFFFFFFFF, s22;
	[sflag:s14] =	ssyncset.done $0x0  }
.LBB2_1:
0x2f: {  	p0 =	sne.s32 s22, $0x1;
	s22 =	sadd.s32 $0xFFFFFFFF, s22;
	[sflag:s14] =	ssyncadd.s32 $0xFFFFFC00  }
0x30: {  	[spmem:s7], [sflag:s5] =	dma.local [hbm:s4], $0x800  }
0x31: {  	[tilespmem:s8], [sflag:$0x2] =	stream.linear.gather [hbm4b:s6+s3], $0x10000, $0x38;
	[tilespmem:$0x14100] =	vst v63  }
0x32: {  	_ = 	snop  }
0x33: {  	[tilespmem:s3], [sflag:$0x3] =	stream.linear.gather [hbm4b:s9+s3], $0x80, $0x38;
	[tilespmem:$0x14100] =	vst v63  }
0x34: {  	_ = 	snop  }
0x35: {  	[tilespmem:s11], [sflag:$0x3] =	stream.linear.gather [hbm4b:s10+s3], $0x80, $0x38;
	[tilespmem:$0x14100] =	vst v63  }
0x36: {  	_ =	swait.ge [sflag:s12], $0x80  }
0x37: {  	[sflag:s12] =	ssyncset.done $0x0  }
0x38: {  	[sflag:s12] =	ssyncadd.s32 $0xFFFFFF80  }
0x39: {  	_ =	swait.ge [sflag:s12], $0x80  }
0x3a: {  	[sflag:s12] =	ssyncset.done $0x0  }
0x3b: {  	[sflag:s12] =	ssyncadd.s32 $0xFFFFFF80  }
0x3c: {  	_ =	swait.ge [sflag:s13], $0x800  }
0x3d: {  	[sflag:s13] =	ssyncset.done $0x0  }
0x3e: {  	[sflag:s13] =	ssyncadd.s32 $0xFFFFF800  }
0x3f: {  	_ =	swait.ge [sflag:s14], $0x10000  }
0x40: {  	[sflag:s14] =	ssyncset.done $0x0  }
0x41: {  	[sflag:s14] =	ssyncadd.s32 $0xFFFF0000  }
0x42: {  	[bflag:$0x0] =	sbarrier.arrive $0xFFFF  }
0x43: {  	[spmem:s2] =	stream.indirect.scatter.add.f32 [tilespmem:s8], [sflag:$0x2], $0x100, s3, s11, $0xb8;
	[tilespmem:$0x14100] =	vst v63  }
0x44: {  	_ = 	snop  }
0x45: {  	[spmem:s2] =	stream.indirect.scatter.add.f32 [tilespmem:s15], [sflag:$0x2], $0x100, s11, s11, $0xb8;
	[tilespmem:$0x14100] =	vst v63  }
0x46: {  	_ =	swait.ge [sflag:s14], $0x8000  }
0x47: {  	[sflag:s14] =	ssyncset.done $0x0  }
0x48: {  	[sflag:s14] =	ssyncadd.s32 $0xFFFF8000  }
0x49: {  	_ =	swait.ge [sflag:s14], $0x8000  }
0x4a: {  	[sflag:s14] =	ssyncset.done $0x0  }
0x4b: {  	[sflag:s14] =	ssyncadd.s32 $0xFFFF8000  }
0x4c: {  	[bflag:$0x0] =	sbarrier.arrive $0xFFFF  }
0x4d: {  	[hbm:s16@s17], [sflag:s5] =	dma.strided [spmem:s7@s18], $0x400, s13, $0x10   }
0x4e: {  	[hbm:s19@s17], [sflag:s20] =	dma.strided [spmem:s21@s18], $0x400, s13, $0x10   }
.Ltmp1:
0x4f: {  	_ =	swait.ge [sflag:s13], $0x400;
	(pc) =	sbr.rel @p0 .LBB2_1-.Ltmp1, $4  }
0x50: {  	[sflag:s13] =	ssyncset.done $0x0  }
0x51: {  	[sflag:s13] =	ssyncadd.s32 $0xFFFFFC00  }
0x52: {  	_ =	swait.ge [sflag:s14], $0x400  }
0x53: {  	[sflag:s14] =	ssyncset.done $0x0  }
.LBB2_2:
0x54: {  	[sflag:s14] =	ssyncadd.s32 $0xFFFFFC00  }
0x55: {  	_ =	sfence.sel $0x180000  }
0x56: {  	[bflag:$0x0] =	sbarrier.arrive $0xFFFF  }
0x57: {  	p0 =	sne.s32 s1, $0x0;
	_ =	strace $0x9000004A  }
0x58: {  	s0 =	sadd.s32 @!p0 $0x100000, s0;
	[bflag:$0x2] =	sbarrier.arrive $0xFFFF  }
0x59: {  	[sflag:s0] =	ssyncadd.tile.s32 @!p0 $0x1;
	_ =	shalt  }
.Lfunc_end2:
_tile_overlayer_lowered:
.L_overlay_start_2:
0x5a: {  	(tag) =	ssettag $0x2  }
0x5b: {  	s0 =	rddreg [dreg:$0x0];
	s2 =	stileid.u32  }
0x5c: {  	s1 =	rddreg [dreg:$0x1];
	p0 =	sne.s32 s2, $0x0  }
0x5d: {  	s3 =	rddreg [dreg:$0x2];
	[bflag:$0x3] =	sbarrier.arrive $0xFFFF;
	s2 =	simm.s32 @!p0 $0x1C04  }
0x5e: {  	[timem:s3], [sflag:s2] =	dma.local @!p0 [hbm:s0], s1  }
0x5f: {  	s0 =	simm.s32 @!p0 $0x4  }
0x60: {  	_ =	swait.ge @!p0 [sflag:s0], s1  }
0x61: {  	s1 =	ssub.s32 @!p0 $0x0, s1;
	[sflag:s0] =	ssyncset.done @!p0 $0x0  }
0x62: {  	[sflag:s0] =	ssyncadd.s32 @!p0 s1  }
0x63: {  	[bflag:$0x3] =	sbarrier.arrive $0xFFFF  }
0x64: {  	_ =	shalt  }

// kernel: kernel.19.cloned.1.call-start
scs
__scs_entry_jumppad:
0x0: {  	(pc) =	sbr.rel $0x88, $3  }
0x1: {  	(tag) =	ssettag $0x0;
	lr =	simm.s32 $0x1  }
0x2: {  	[smem:$0x3FA0] =	sst lr;
	_ =	strace $0xD0000000  }
0x3: {  	_ = 	snop  }
0x4: {  	_ = 	snop  }
0x5: {  	_ = 	snop  }
0x6: {  	_ = 	snop  }
0x7: {  	_ = 	snop  }
__scs_overlays_trampoline_lowered:
0x8: {  	[smem:$0x3FAF] =	sst s0  }
0x9: {  	[smem:$0x3FB0] =	sst s1  }
0xa: {  	[smem:$0x3FB1] =	sst s2  }
0xb: {  	[smem:$0x3FB2] =	sst s3  }
0xc: {  	[smem:$0x3FB3] =	sst s4  }
0xd: {  	[smem:$0x3FB4] =	sst s5  }
0xe: {  	[smem:$0x3FB5] =	sst s6  }
0xf: {  	[smem:$0x3FB6] =	sst s7  }
0x10: {  	[smem:$0x3FB7] =	sst s8  }
0x11: {  	[smem:$0x3FB8] =	sst s9;
	s0 =	simm.s32 @!p0 $0x0  }
0x12: {  	s1 =	sld [smem:$0x3F9E];
	s0 =	simm.s32 @p0 $0x1  }
0x13: {  	[smem:$0x3FB9] =	sst s0;
	s0 =	simm.s32 @!p1 $0x0  }
0x14: {  	s2 =	sld [smem:$0x3F9D];
	s0 =	simm.s32 @p1 $0x1  }
0x15: {  	[smem:$0x3FBA] =	sst s0;
	s0 =	simm.s32 @!p2 $0x0  }
0x16: {  	s3 =	sld [smem:$0x3FDB];
	s0 =	simm.s32 @p2 $0x1  }
0x17: {  	s4 =	simm.s32 $0x1BF5;
	[smem:$0x3FBC] =	sst s0  }
0x18: {  	s0 =	sld [smem:$0x3F9F];
	_ =	swait.ge [sflag:s4], $0x0  }
0x19: {  	s7 =	sld [smem:$0x3FA0]  }
0x1a: {  	s8 =	sadd.s32 $0xFFFFE003, lr  }
0x1b: {  	s9 =	sadd.s32 $0xFFFFFEF7, lr;
	s5 =	simm.s32 $0xFFFFFFFF;
	p2 =	slt.u32 s8, $0xFFFFF086  }
0x1c: {  	p1 =	slt.u32 s9, $0xF7A;
	s5 =	simm.s32 @!p2 $0x0  }
0x1d: {  	s5 =	simm.s32 @p1 $0x1;
	p0 =	seq.s32 s7, s2  }
0x1e: {  	s7 =	smul.u32 @!p0 $0xF7A, s2;
	p2 =	seq.s32 @!p0 s5, $0x0  }
0x1f: {  	s9 =	smul.u32 $0xF7A, s1;
	s8 =	simm.s32 @!p0 $0x1BF5;
	p2 =	por !p2, p0  }
0x20: {  	[sflag:s8] =	ssyncset.s32 @!p0 $0xFFFFF086;
	s6 =	sadd.s32 @!p0 s3, s7;
	s7 =	simm.s32 @!p0 $0x108  }
0x21: {  	s3 =	sadd.s32 s3, s9;
	s6 =	sadd.s32 @!p0 $0x88, s6;
	s7 =	simm.s32 @p2 $0x1082  }
0x22: {  	[simem:s7], [sflag:s8] =	dma.local @!p0 [hbm:s6], $0xF7A  }
0x23: {  	s9 =	sor.u32 $0xD0000000, s2;
	s6 =	simm.s32 $0x108;
	_ =	swait.ge @!p0 [sflag:s8], $0x0  }
0x24: {  	s3 =	sadd.s32 $0x88, s3;
	s6 =	simm.s32 @!p1 $0x1082;
	[sflag:s4] =	ssyncset.s32 $0xFFFFF086  }
0x25: {  	[simem:s6], [sflag:s4] =	dma.local [hbm:s3], $0xF7A  }
0x26: {  	[smem:$0x3FA0] =	sst s1;
	(tag) =	ssettag s2;
	_ =	strace s9  }
0x27: {  	s1 =	sld [smem:$0x3FB0]  }
0x28: {  	s2 =	sld [smem:$0x3FB1]  }
0x29: {  	s4 =	sld [smem:$0x3FB3]  }
0x2a: {  	p0 =	seq.s32 s5, $0x0;
	s5 =	sld [smem:$0x3FB4]  }
0x2b: {  	s6 =	sld [smem:$0x3FB5]  }
0x2c: {  	s7 =	sld [smem:$0x3FB6]  }
0x2d: {  	s3 =	simm.s32 $0x108;
	s8 =	sld [smem:$0x3FB7]  }
0x2e: {  	s3 =	simm.s32 @!p0 $0x1082;
	s9 =	sld [smem:$0x3FB8]  }
0x2f: {  	lr =	sadd.s32 s0, s3;
	s0 =	sld [smem:$0x3FAF]  }
0x30: {  	s3 =	sld [smem:$0x3FB2]  }
0x31: {  	[smem:$0x3FBB] =	sst s10  }
0x32: {  	s10 =	sld [smem:$0x3FB9];
	_ =	sdelay $0x3  }
0x33: {  	p0 =	seq.s32 s10, $0x1;
	s10 =	sld [smem:$0x3FBB];
	_ =	sdelay $0x3  }
0x34: {  	[smem:$0x3FBB] =	sst s10  }
0x35: {  	s10 =	sld [smem:$0x3FBA];
	_ =	sdelay $0x3  }
0x36: {  	p1 =	seq.s32 s10, $0x1;
	s10 =	sld [smem:$0x3FBB];
	_ =	sdelay $0x3  }
0x37: {  	[smem:$0x3FBB] =	sst s10  }
0x38: {  	s10 =	sld [smem:$0x3FBC]  }
0x39: {  	_ = 	snop;
	(pc) =	sbr.ind lr, $3  }
0x3a: {  	_ = 	snop  }
0x3b: {  	_ = 	snop  }
0x3c: {  	p2 =	seq.s32 s10, $0x1;
	s10 =	sld [smem:$0x3FBB]  }
0x3d: {  	_ =	shalt  }
0x3e: {  	_ =	shalt  }
0x3f: {  	_ =	shalt  }
0x40: {  	_ =	shalt  }
0x41: {  	_ =	shalt  }
0x42: {  	_ =	shalt  }
0x43: {  	_ =	shalt  }
0x44: {  	_ =	shalt  }
0x45: {  	_ =	shalt  }
0x46: {  	_ =	shalt  }
0x47: {  	_ =	shalt  }
0x48: {  	_ =	shalt  }
0x49: {  	_ =	shalt  }
0x4a: {  	_ =	shalt  }
0x4b: {  	_ =	shalt  }
0x4c: {  	_ =	shalt  }
0x4d: {  	_ =	shalt  }
0x4e: {  	_ =	shalt  }
0x4f: {  	_ =	shalt  }
0x50: {  	_ =	shalt  }
0x51: {  	_ =	shalt  }
0x52: {  	_ =	shalt  }
0x53: {  	_ =	shalt  }
0x54: {  	_ =	shalt  }
0x55: {  	_ =	shalt  }
0x56: {  	_ =	shalt  }
0x57: {  	_ =	shalt  }
0x58: {  	_ =	shalt  }
0x59: {  	_ =	shalt  }
0x5a: {  	_ =	shalt  }
0x5b: {  	_ =	shalt  }
0x5c: {  	_ =	shalt  }
0x5d: {  	_ =	shalt  }
0x5e: {  	_ =	shalt  }
0x5f: {  	_ =	shalt  }
0x60: {  	_ =	shalt  }
0x61: {  	_ =	shalt  }
0x62: {  	_ =	shalt  }
0x63: {  	_ =	shalt  }
0x64: {  	_ =	shalt  }
0x65: {  	_ =	shalt  }
0x66: {  	_ =	shalt  }
0x67: {  	_ =	shalt  }
0x68: {  	_ =	shalt  }
0x69: {  	_ =	shalt  }
0x6a: {  	_ =	shalt  }
0x6b: {  	_ =	shalt  }
0x6c: {  	_ =	shalt  }
0x6d: {  	_ =	shalt  }
0x6e: {  	_ =	shalt  }
0x6f: {  	_ =	shalt  }
0x70: {  	_ =	shalt  }
0x71: {  	_ =	shalt  }
0x72: {  	_ =	shalt  }
0x73: {  	_ =	shalt  }
0x74: {  	_ =	shalt  }
0x75: {  	_ =	shalt  }
0x76: {  	_ =	shalt  }
0x77: {  	_ =	shalt  }
0x78: {  	_ =	shalt  }
0x79: {  	_ =	shalt  }
0x7a: {  	_ =	shalt  }
0x7b: {  	_ =	shalt  }
0x7c: {  	_ =	shalt  }
0x7d: {  	_ =	shalt  }
0x7e: {  	_ =	shalt  }
0x7f: {  	_ =	shalt  }
0x80: {  	_ =	shalt  }
0x81: {  	_ =	shalt  }
0x82: {  	_ =	shalt  }
0x83: {  	_ =	shalt  }
0x84: {  	_ =	shalt  }
0x85: {  	_ =	shalt  }
0x86: {  	_ =	shalt  }
0x87: {  	_ =	shalt  }
.Lfunc_end0:
.L_simem_size_0:
called_computation.2_lowered:
.L_overlay_start_0:
0x88: {  	s2 =	sld [smem:$0x3FD9]  }
0x89: {  	s3 =	sld [smem:$0x3FFE];
	_ =	sdelay $0x1  }
0x8a: {  	s1 =	srdreg.scid  }
0x8b: {  	s0 =	sand.u32 $0x1, s1  }
0x8c: {  	s17 =	sshll.u32 s0, $0xA;
	s2 =	sadd.s32 s3, s2  }
0x8d: {  	s2 =	sadd.s32 s2, s17  }
0x8e: {  	[smem:$0x3FC7] =	sst s2  }
0x8f: {  	_ = 	snop  }
0x90: {  	s2 =	sld [smem:$0x3FD0];
	(tm) =	ssettm $0x1  }
0x91: {  	s18 =	sld [smem:$0x3FFB];
	_ =	sdelay $0x3  }
0x92: {  	_ =	strace s18  }
0x93: {  	s3 =	sld [smem:$0x3FFC];
	_ =	sdelay $0x3  }
0x94: {  	_ =	strace s3  }
0x95: {  	s3 =	sld [smem:$0x3FFD];
	_ =	sdelay $0x3  }
0x96: {  	_ =	strace s3  }
0x97: {  	_ =	strace $0x8FFFFFFF  }
0x98: {  	s19 =	sld [smem:$0x3FDB];
	_ =	sdelay $0x1  }
0x99: {  	s4 =	simm.s32 $_scs_section_size  }
0x9a: {  	s5 =	simm.s32 $_size__tile_overlayer_lowered;
	s6 =	simm.s32 $_tile_overlayer_lowered  }
0x9b: {  	s22 =	simm.s32 $0x1BFF;
	s21 =	sshll.u32 s6, $0x1;
	s3 =	sadd.s32 s4, s19  }
0x9c: {  	s7 =	simm.s32 $0x0;
	s20 =	sshll.u32 s5, $0x1;
	s5 =	sadd.s32 s21, s3  }
0x9d: {  	[timem:s7], [sflag:s22] =	dma.local [hbm:s5], s20  }
0x9e: {  	_ =	swait.ge [sflag:s22], s20  }
0x9f: {  	s4 =	ssub.s32 $0x0, s20;
	[sflag:s22] =	ssyncset.done $0x0  }
0xa0: {  	[sflag:s22] =	ssyncadd.s32 s4;
	_ =	sdelay $0x1  }
0xa1: {  	s23 =	simm.s32 $0x1B8B  }
0xa2: {  	_ =	swait.ge [sflag:s23], $0x1  }
0xa3: {  	[sflag:s23] =	ssyncset.done $0x0  }
0xa4: {  	s25 =	simm.s32 $0x1B8E;
	s24 =	sld [smem:$0x3FFE];
	[sflag:s23] =	ssyncadd.s32 $0xFFFFFFFF  }
0xa5: {  	s26 =	simm.s32 $execute0_lowered;
	[smem:$0x3FD2] =	sst s25  }
0xa6: {  	s5 =	sshll.u32 s26, $0x1;
	_ =	strace $0x8000004C;
	[dreg:$0x1] =	wrdreg $0xFFFFFFFF  }
0xa7: {  	s28 =	simm.s32 $_size_execute0_lowered;
	s3 =	sadd.s32 s3, s5;
	[dreg:$0x0] =	wrdreg $0x0  }
0xa8: {  	s5 =	sshll.u32 s28, $0x1;
	[dreg:$0x2] =	wrdreg s3  }
0xa9: {  	[dreg:$0x3] =	wrdreg s5  }
0xaa: {  	[dreg:$0x4] =	wrdreg $0xC0  }
0xab: {  	_ =	task [dreg:s7], $0x5FFFF  }
0xac: {  	[dreg:$0x1] =	wrdreg $0xFFFFFFFF  }
0xad: {  	[dreg:$0x0] =	wrdreg $0x60  }
0xae: {  	[dreg:$0x2] =	wrdreg s24  }
0xaf: {  	[dreg:$0x3] =	wrdreg s2  }
0xb0: {  	[dreg:$0x4] =	wrdreg $0x101000  }
0xb1: {  	[dreg:$0x5] =	wrdreg $0x9  }
0xb2: {  	_ =	task.clear_ibuf [dreg:s7], $0x6FFFF;
	_ =	strace $0x9000004C  }
0xb3: {  	s29 =	simm.s32 $0x9;
	_ =	strace $0x8000004E  }
0xb4: {  	_ =	swait.ge [sflag:s29], $0x1  }
0xb5: {  	[sflag:s29] =	ssyncadd.s32 $0xFFFFFFFF  }
0xb6: {  	_ =	strace $0x9000004E  }
0xb7: {  	_ =	sfence  }
0xb8: {  	s30 =	sld [smem:$0x0];
	_ =	sdelay $0x2  }
0xb9: {  	s31 =	sshll.u32 s1, $0xD;
	s1 =	sshrl.u32 s1, $0x2  }
0xba: {  	s3 =	sand.u32 $0x4000, s31;
	s1 =	sadd.s32 s1, s30  }
0xbb: {  	s0 =	sor.u32 s3, s0;
	s1 =	sshll.u32 s1, $0x11  }
0xbc: {  	s0 =	sor.u32 s1, s0  }
0xbd: {  	s0 =	sadd.s32 $0x8F2B, s0  }
0xbe: {  	[sflag:s0] =	ssyncadd.remote.s32 $0x1  }
0xbf: {  	_ =	sfence.sel $0xFFFF  }
0xc0: {  	[dreg:$0x0] =	wrdreg $0xFFFFFFFF;
	(pc) =	sbr.abs _section_cstart, $3  }
0xc1: {  	[dreg:$0x1] =	wrdreg $0xFFFFFFFF  }
0xc2: {  	_ =	task.clear_ibuf [dreg:s7], $0x2FFFF;
	_ =	strace $0x9FFFFFFF  }
0xc3: {  	(tm) =	ssettm $0x7FFFFFFF  }
tec
execute0_lowered:
.L_overlay_start_1:
0x0: {  	(tag) =	ssettag $0x1  }
0x1: {  	s16 =	rddreg [dreg:$0x0]  }
0x2: {  	s9 =	rddreg [dreg:$0x1]  }
0x3: {  	s2 =	rddreg [dreg:$0x2];
	s1 =	srdreg.scid  }
0x4: {  	s0 =	rddreg [dreg:$0x3];
	s3 =	simm.s32 $0x0;
	s8 =	simm.s32 $0x100  }
0x5: {  	s17 =	sand.u32 $0x1, s1;
	s1 =	stileid.u32;
	[smem:$0x7FF] =	sst s3  }
0x6: {  	s4 =	sshll.u32 s17, $0x4;
	_ =	strace $0x8000004D;
	s28 =	sshll.u32 s1, $0xB  }
0x7: {  	s5 =	sshll.u32 s1, $0xE;
	s20 =	sshll.u32 s1, $0x6;
	s7 =	sor.u32 s1, s4  }
0x8: {  	s18 =	sadd.s32 s5, s2;
	s5 =	sor.u32 $0x1C01, s20;
	s4 =	sshll.u32 s7, $0xD  }
0x9: {  	s10 =	sshll.u32 s7, $0x5;
	s6 =	sadd.s32 s4, s16;
	s4 =	sadd.s32 s28, s16  }
0xa: {  	s7 =	sshrl.u32 s18, $0x3;
	s4 =	sadd.s32 $0x45C00, s4;
	s6 =	sadd.s32 $0x5C00, s6  }
0xb: {  	[spmem:s7], [sflag:s5] =	dma.local [hbm:s4], $0x800  }
0xc: {  	[tilespmem:s8], [sflag:$0x2] =	stream.linear.gather [hbm4b:s6+s3], $0x10000, $0x38;
	[tilespmem:$0x14100] =	vst v63  }
0xd: {  	s9 =	sadd.s32 s9, s10  }
0xe: {  	[tilespmem:s3], [sflag:$0x3] =	stream.linear.gather [hbm4b:s9+s3], $0x80, $0x38;
	[tilespmem:$0x14100] =	vst v63  }
0xf: {  	s11 =	simm.s32 $0x80;
	s12 =	simm.s32 $0x3;
	s10 =	sadd.s32 $0x10, s9  }
0x10: {  	[tilespmem:s11], [sflag:$0x3] =	stream.linear.gather [hbm4b:s10+s3], $0x80, $0x38;
	[tilespmem:$0x14100] =	vst v63  }
0x11: {  	_ =	swait.ge [sflag:s12], $0x80  }
0x12: {  	[sflag:s12] =	ssyncset.done $0x0  }
0x13: {  	[sflag:s12] =	ssyncadd.s32 $0xFFFFFF80  }
0x14: {  	_ =	swait.ge [sflag:s12], $0x80  }
0x15: {  	[sflag:s12] =	ssyncset.done $0x0  }
0x16: {  	s13 =	simm.s32 $0x1;
	[sflag:s12] =	ssyncadd.s32 $0xFFFFFF80  }
0x17: {  	_ =	swait.ge [sflag:s13], $0x800  }
0x18: {  	[sflag:s13] =	ssyncset.done $0x0  }
0x19: {  	s14 =	simm.s32 $0x2;
	[sflag:s13] =	ssyncadd.s32 $0xFFFFF800  }
0x1a: {  	_ =	swait.ge [sflag:s14], $0x10000  }
0x1b: {  	[sflag:s14] =	ssyncset.done $0x0  }
0x1c: {  	[sflag:s14] =	ssyncadd.s32 $0xFFFF0000  }
0x1d: {  	s15 =	simm.s32 $0x8100;
	[bflag:$0x0] =	sbarrier.arrive $0xFFFF  }
0x1e: {  	[spmem:s2] =	stream.indirect.scatter.add.f32 [tilespmem:s8], [sflag:$0x2], $0x100, s3, s11, $0xb8;
	[tilespmem:$0x14100] =	vst v63  }
0x1f: {  	s19 =	sshll.u32 s17, $0xE;
	s22 =	ssub.s32 $0x2, s17;
	s30 =	sshll.u32 s1, $0xA  }
0x20: {  	[spmem:s2] =	stream.indirect.scatter.add.f32 [tilespmem:s15], [sflag:$0x2], $0x100, s11, s11, $0xb8;
	[tilespmem:$0x14100] =	vst v63  }
0x21: {  	s17 =	simm.s32 $0x10;
	s20 =	sor.u32 $0x1C02, s20;
	_ =	swait.ge [sflag:s14], $0x8000  }
0x22: {  	s31 =	sshrl.u32 s22, $0x1;
	s23 =	sadd.s32 $0x80, s18;
	[sflag:s14] =	ssyncset.done $0x0  }
0x23: {  	s18 =	simm.s32 $0x20;
	s22 =	ssub.s32 s22, s31;
	[sflag:s14] =	ssyncadd.s32 $0xFFFF8000  }
0x24: {  	s16 =	sadd.s32 s19, s16;
	s22 =	smax.u32 s22, $0x1;
	_ =	swait.ge [sflag:s14], $0x8000  }
0x25: {  	s29 =	sadd.s32 $0x4DC00, s16;
	s21 =	sadd.s32 $0x55C00, s16;
	[sflag:s14] =	ssyncset.done $0x0  }
0x26: {  	p0 =	sne.s32 s22, $0x1;
	s16 =	sadd.s32 s30, s29;
	[sflag:s14] =	ssyncadd.s32 $0xFFFF8000  }
0x27: {  	s19 =	sadd.s32 s30, s21;
	s21 =	sshrl.u32 s23, $0x3;
	[bflag:$0x0] =	sbarrier.arrive $0xFFFF  }
0x28: {  	[hbm:s16@s17], [sflag:s5] =	dma.strided [spmem:s7@s18], $0x400, s13, $0x10   }
0x29: {  	[hbm:s19@s17], [sflag:s20] =	dma.strided [spmem:s21@s18], $0x400, s13, $0x10   }
.Ltmp0:
0x2a: {  	_ =	swait.ge [sflag:s13], $0x400;
	(pc) =	sbr.rel @!p0 .LBB2_2-.Ltmp0, $4  }
0x2b: {  	[sflag:s13] =	ssyncset.done $0x0  }
0x2c: {  	[sflag:s13] =	ssyncadd.s32 $0xFFFFFC00  }
0x2d: {  	_ =	swait.ge [sflag:s14], $0x400  }
0x2e: {  	s22 =	sadd.s32 $0xFFFFFFFF, s22;
	[sflag:s14] =	ssyncset.done $0x0  }
.LBB2_1:
0x2f: {  	p0 =	sne.s32 s22, $0x1;
	s22 =	sadd.s32 $0xFFFFFFFF, s22;
	[sflag:s14] =	ssyncadd.s32 $0xFFFFFC00  }
0x30: {  	[spmem:s7], [sflag:s5] =	dma.local [hbm:s4], $0x800  }
0x31: {  	[tilespmem:s8], [sflag:$0x2] =	stream.linear.gather [hbm4b:s6+s3], $0x10000, $0x38;
	[tilespmem:$0x14100] =	vst v63  }
0x32: {  	_ = 	snop  }
0x33: {  	[tilespmem:s3], [sflag:$0x3] =	stream.linear.gather [hbm4b:s9+s3], $0x80, $0x38;
	[tilespmem:$0x14100] =	vst v63  }
0x34: {  	_ = 	snop  }
0x35: {  	[tilespmem:s11], [sflag:$0x3] =	stream.linear.gather [hbm4b:s10+s3], $0x80, $0x38;
	[tilespmem:$0x14100] =	vst v63  }
0x36: {  	_ =	swait.ge [sflag:s12], $0x80  }
0x37: {  	[sflag:s12] =	ssyncset.done $0x0  }
0x38: {  	[sflag:s12] =	ssyncadd.s32 $0xFFFFFF80  }
0x39: {  	_ =	swait.ge [sflag:s12], $0x80  }
0x3a: {  	[sflag:s12] =	ssyncset.done $0x0  }
0x3b: {  	[sflag:s12] =	ssyncadd.s32 $0xFFFFFF80  }
0x3c: {  	_ =	swait.ge [sflag:s13], $0x800  }
0x3d: {  	[sflag:s13] =	ssyncset.done $0x0  }
0x3e: {  	[sflag:s13] =	ssyncadd.s32 $0xFFFFF800  }
0x3f: {  	_ =	swait.ge [sflag:s14], $0x10000  }
0x40: {  	[sflag:s14] =	ssyncset.done $0x0  }
0x41: {  	[sflag:s14] =	ssyncadd.s32 $0xFFFF0000  }
0x42: {  	[bflag:$0x0] =	sbarrier.arrive $0xFFFF  }
0x43: {  	[spmem:s2] =	stream.indirect.scatter.add.f32 [tilespmem:s8], [sflag:$0x2], $0x100, s3, s11, $0xb8;
	[tilespmem:$0x14100] =	vst v63  }
0x44: {  	_ = 	snop  }
0x45: {  	[spmem:s2] =	stream.indirect.scatter.add.f32 [tilespmem:s15], [sflag:$0x2], $0x100, s11, s11, $0xb8;
	[tilespmem:$0x14100] =	vst v63  }
0x46: {  	_ =	swait.ge [sflag:s14], $0x8000  }
0x47: {  	[sflag:s14] =	ssyncset.done $0x0  }
0x48: {  	[sflag:s14] =	ssyncadd.s32 $0xFFFF8000  }
0x49: {  	_ =	swait.ge [sflag:s14], $0x8000  }
0x4a: {  	[sflag:s14] =	ssyncset.done $0x0  }
0x4b: {  	[sflag:s14] =	ssyncadd.s32 $0xFFFF8000  }
0x4c: {  	[bflag:$0x0] =	sbarrier.arrive $0xFFFF  }
0x4d: {  	[hbm:s16@s17], [sflag:s5] =	dma.strided [spmem:s7@s18], $0x400, s13, $0x10   }
0x4e: {  	[hbm:s19@s17], [sflag:s20] =	dma.strided [spmem:s21@s18], $0x400, s13, $0x10   }
.Ltmp1:
0x4f: {  	_ =	swait.ge [sflag:s13], $0x400;
	(pc) =	sbr.rel @p0 .LBB2_1-.Ltmp1, $4  }
0x50: {  	[sflag:s13] =	ssyncset.done $0x0  }
0x51: {  	[sflag:s13] =	ssyncadd.s32 $0xFFFFFC00  }
0x52: {  	_ =	swait.ge [sflag:s14], $0x400  }
0x53: {  	[sflag:s14] =	ssyncset.done $0x0  }
.LBB2_2:
0x54: {  	[sflag:s14] =	ssyncadd.s32 $0xFFFFFC00  }
0x55: {  	_ =	sfence.sel $0x180000  }
0x56: {  	[bflag:$0x0] =	sbarrier.arrive $0xFFFF  }
0x57: {  	p0 =	sne.s32 s1, $0x0;
	_ =	strace $0x9000004D  }
0x58: {  	s0 =	sadd.s32 @!p0 $0x100000, s0;
	[bflag:$0x2] =	sbarrier.arrive $0xFFFF  }
0x59: {  	[sflag:s0] =	ssyncadd.tile.s32 @!p0 $0x1;
	_ =	shalt  }
.Lfunc_end2:
_tile_overlayer_lowered:
.L_overlay_start_2:
0x5a: {  	(tag) =	ssettag $0x2  }
0x5b: {  	s0 =	rddreg [dreg:$0x0];
	s2 =	stileid.u32  }
0x5c: {  	s1 =	rddreg [dreg:$0x1];
	p0 =	sne.s32 s2, $0x0  }
0x5d: {  	s3 =	rddreg [dreg:$0x2];
	[bflag:$0x3] =	sbarrier.arrive $0xFFFF;
	s2 =	simm.s32 @!p0 $0x1C04  }
0x5e: {  	[timem:s3], [sflag:s2] =	dma.local @!p0 [hbm:s0], s1  }
0x5f: {  	s0 =	simm.s32 @!p0 $0x4  }
0x60: {  	_ =	swait.ge @!p0 [sflag:s0], s1  }
0x61: {  	s1 =	ssub.s32 @!p0 $0x0, s1;
	[sflag:s0] =	ssyncset.done @!p0 $0x0  }
0x62: {  	[sflag:s0] =	ssyncadd.s32 @!p0 s1  }
0x63: {  	[bflag:$0x3] =	sbarrier.arrive $0xFFFF  }
0x64: {  	_ =	shalt  }

// kernel: kernel.22.cloned.1.call-start
scs
__scs_entry_jumppad:
0x0: {  	(pc) =	sbr.rel $0x88, $3  }
0x1: {  	(tag) =	ssettag $0x0;
	lr =	simm.s32 $0x1  }
0x2: {  	[smem:$0x3FA0] =	sst lr;
	_ =	strace $0xD0000000  }
0x3: {  	_ = 	snop  }
0x4: {  	_ = 	snop  }
0x5: {  	_ = 	snop  }
0x6: {  	_ = 	snop  }
0x7: {  	_ = 	snop  }
__scs_overlays_trampoline_lowered:
0x8: {  	[smem:$0x3FAF] =	sst s0  }
0x9: {  	[smem:$0x3FB0] =	sst s1  }
0xa: {  	[smem:$0x3FB1] =	sst s2  }
0xb: {  	[smem:$0x3FB2] =	sst s3  }
0xc: {  	[smem:$0x3FB3] =	sst s4  }
0xd: {  	[smem:$0x3FB4] =	sst s5  }
0xe: {  	[smem:$0x3FB5] =	sst s6  }
0xf: {  	[smem:$0x3FB6] =	sst s7  }
0x10: {  	[smem:$0x3FB7] =	sst s8  }
0x11: {  	[smem:$0x3FB8] =	sst s9;
	s0 =	simm.s32 @!p0 $0x0  }
0x12: {  	s1 =	sld [smem:$0x3F9E];
	s0 =	simm.s32 @p0 $0x1  }
0x13: {  	[smem:$0x3FB9] =	sst s0;
	s0 =	simm.s32 @!p1 $0x0  }
0x14: {  	s2 =	sld [smem:$0x3F9D];
	s0 =	simm.s32 @p1 $0x1  }
0x15: {  	[smem:$0x3FBA] =	sst s0;
	s0 =	simm.s32 @!p2 $0x0  }
0x16: {  	s3 =	sld [smem:$0x3FDB];
	s0 =	simm.s32 @p2 $0x1  }
0x17: {  	s4 =	simm.s32 $0x1BF5;
	[smem:$0x3FBC] =	sst s0  }
0x18: {  	s0 =	sld [smem:$0x3F9F];
	_ =	swait.ge [sflag:s4], $0x0  }
0x19: {  	s7 =	sld [smem:$0x3FA0]  }
0x1a: {  	s8 =	sadd.s32 $0xFFFFE003, lr  }
0x1b: {  	s9 =	sadd.s32 $0xFFFFFEF7, lr;
	s5 =	simm.s32 $0xFFFFFFFF;
	p2 =	slt.u32 s8, $0xFFFFF086  }
0x1c: {  	p1 =	slt.u32 s9, $0xF7A;
	s5 =	simm.s32 @!p2 $0x0  }
0x1d: {  	s5 =	simm.s32 @p1 $0x1;
	p0 =	seq.s32 s7, s2  }
0x1e: {  	s7 =	smul.u32 @!p0 $0xF7A, s2;
	p2 =	seq.s32 @!p0 s5, $0x0  }
0x1f: {  	s9 =	smul.u32 $0xF7A, s1;
	s8 =	simm.s32 @!p0 $0x1BF5;
	p2 =	por !p2, p0  }
0x20: {  	[sflag:s8] =	ssyncset.s32 @!p0 $0xFFFFF086;
	s6 =	sadd.s32 @!p0 s3, s7;
	s7 =	simm.s32 @!p0 $0x108  }
0x21: {  	s3 =	sadd.s32 s3, s9;
	s6 =	sadd.s32 @!p0 $0x88, s6;
	s7 =	simm.s32 @p2 $0x1082  }
0x22: {  	[simem:s7], [sflag:s8] =	dma.local @!p0 [hbm:s6], $0xF7A  }
0x23: {  	s9 =	sor.u32 $0xD0000000, s2;
	s6 =	simm.s32 $0x108;
	_ =	swait.ge @!p0 [sflag:s8], $0x0  }
0x24: {  	s3 =	sadd.s32 $0x88, s3;
	s6 =	simm.s32 @!p1 $0x1082;
	[sflag:s4] =	ssyncset.s32 $0xFFFFF086  }
0x25: {  	[simem:s6], [sflag:s4] =	dma.local [hbm:s3], $0xF7A  }
0x26: {  	[smem:$0x3FA0] =	sst s1;
	(tag) =	ssettag s2;
	_ =	strace s9  }
0x27: {  	s1 =	sld [smem:$0x3FB0]  }
0x28: {  	s2 =	sld [smem:$0x3FB1]  }
0x29: {  	s4 =	sld [smem:$0x3FB3]  }
0x2a: {  	p0 =	seq.s32 s5, $0x0;
	s5 =	sld [smem:$0x3FB4]  }
0x2b: {  	s6 =	sld [smem:$0x3FB5]  }
0x2c: {  	s7 =	sld [smem:$0x3FB6]  }
0x2d: {  	s3 =	simm.s32 $0x108;
	s8 =	sld [smem:$0x3FB7]  }
0x2e: {  	s3 =	simm.s32 @!p0 $0x1082;
	s9 =	sld [smem:$0x3FB8]  }
0x2f: {  	lr =	sadd.s32 s0, s3;
	s0 =	sld [smem:$0x3FAF]  }
0x30: {  	s3 =	sld [smem:$0x3FB2]  }
0x31: {  	[smem:$0x3FBB] =	sst s10  }
0x32: {  	s10 =	sld [smem:$0x3FB9];
	_ =	sdelay $0x3  }
0x33: {  	p0 =	seq.s32 s10, $0x1;
	s10 =	sld [smem:$0x3FBB];
	_ =	sdelay $0x3  }
0x34: {  	[smem:$0x3FBB] =	sst s10  }
0x35: {  	s10 =	sld [smem:$0x3FBA];
	_ =	sdelay $0x3  }
0x36: {  	p1 =	seq.s32 s10, $0x1;
	s10 =	sld [smem:$0x3FBB];
	_ =	sdelay $0x3  }
0x37: {  	[smem:$0x3FBB] =	sst s10  }
0x38: {  	s10 =	sld [smem:$0x3FBC]  }
0x39: {  	_ = 	snop;
	(pc) =	sbr.ind lr, $3  }
0x3a: {  	_ = 	snop  }
0x3b: {  	_ = 	snop  }
0x3c: {  	p2 =	seq.s32 s10, $0x1;
	s10 =	sld [smem:$0x3FBB]  }
0x3d: {  	_ =	shalt  }
0x3e: {  	_ =	shalt  }
0x3f: {  	_ =	shalt  }
0x40: {  	_ =	shalt  }
0x41: {  	_ =	shalt  }
0x42: {  	_ =	shalt  }
0x43: {  	_ =	shalt  }
0x44: {  	_ =	shalt  }
0x45: {  	_ =	shalt  }
0x46: {  	_ =	shalt  }
0x47: {  	_ =	shalt  }
0x48: {  	_ =	shalt  }
0x49: {  	_ =	shalt  }
0x4a: {  	_ =	shalt  }
0x4b: {  	_ =	shalt  }
0x4c: {  	_ =	shalt  }
0x4d: {  	_ =	shalt  }
0x4e: {  	_ =	shalt  }
0x4f: {  	_ =	shalt  }
0x50: {  	_ =	shalt  }
0x51: {  	_ =	shalt  }
0x52: {  	_ =	shalt  }
0x53: {  	_ =	shalt  }
0x54: {  	_ =	shalt  }
0x55: {  	_ =	shalt  }
0x56: {  	_ =	shalt  }
0x57: {  	_ =	shalt  }
0x58: {  	_ =	shalt  }
0x59: {  	_ =	shalt  }
0x5a: {  	_ =	shalt  }
0x5b: {  	_ =	shalt  }
0x5c: {  	_ =	shalt  }
0x5d: {  	_ =	shalt  }
0x5e: {  	_ =	shalt  }
0x5f: {  	_ =	shalt  }
0x60: {  	_ =	shalt  }
0x61: {  	_ =	shalt  }
0x62: {  	_ =	shalt  }
0x63: {  	_ =	shalt  }
0x64: {  	_ =	shalt  }
0x65: {  	_ =	shalt  }
0x66: {  	_ =	shalt  }
0x67: {  	_ =	shalt  }
0x68: {  	_ =	shalt  }
0x69: {  	_ =	shalt  }
0x6a: {  	_ =	shalt  }
0x6b: {  	_ =	shalt  }
0x6c: {  	_ =	shalt  }
0x6d: {  	_ =	shalt  }
0x6e: {  	_ =	shalt  }
0x6f: {  	_ =	shalt  }
0x70: {  	_ =	shalt  }
0x71: {  	_ =	shalt  }
0x72: {  	_ =	shalt  }
0x73: {  	_ =	shalt  }
0x74: {  	_ =	shalt  }
0x75: {  	_ =	shalt  }
0x76: {  	_ =	shalt  }
0x77: {  	_ =	shalt  }
0x78: {  	_ =	shalt  }
0x79: {  	_ =	shalt  }
0x7a: {  	_ =	shalt  }
0x7b: {  	_ =	shalt  }
0x7c: {  	_ =	shalt  }
0x7d: {  	_ =	shalt  }
0x7e: {  	_ =	shalt  }
0x7f: {  	_ =	shalt  }
0x80: {  	_ =	shalt  }
0x81: {  	_ =	shalt  }
0x82: {  	_ =	shalt  }
0x83: {  	_ =	shalt  }
0x84: {  	_ =	shalt  }
0x85: {  	_ =	shalt  }
0x86: {  	_ =	shalt  }
0x87: {  	_ =	shalt  }
.Lfunc_end0:
.L_simem_size_0:
called_computation.3_lowered:
.L_overlay_start_0:
0x88: {  	s2 =	sld [smem:$0x3FD9]  }
0x89: {  	s3 =	sld [smem:$0x3FFE];
	_ =	sdelay $0x1  }
0x8a: {  	s1 =	srdreg.scid  }
0x8b: {  	s0 =	sand.u32 $0x1, s1  }
0x8c: {  	s17 =	sshll.u32 s0, $0xA;
	s2 =	sadd.s32 s3, s2  }
0x8d: {  	s2 =	sadd.s32 s2, s17  }
0x8e: {  	[smem:$0x3FC7] =	sst s2  }
0x8f: {  	_ = 	snop  }
0x90: {  	s2 =	sld [smem:$0x3FD0];
	(tm) =	ssettm $0x1  }
0x91: {  	s18 =	sld [smem:$0x3FFB];
	_ =	sdelay $0x3  }
0x92: {  	_ =	strace s18  }
0x93: {  	s3 =	sld [smem:$0x3FFC];
	_ =	sdelay $0x3  }
0x94: {  	_ =	strace s3  }
0x95: {  	s3 =	sld [smem:$0x3FFD];
	_ =	sdelay $0x3  }
0x96: {  	_ =	strace s3  }
0x97: {  	_ =	strace $0x8FFFFFFF  }
0x98: {  	s19 =	sld [smem:$0x3FDB];
	_ =	sdelay $0x1  }
0x99: {  	s4 =	simm.s32 $_scs_section_size  }
0x9a: {  	s5 =	simm.s32 $_size__tile_overlayer_lowered;
	s6 =	simm.s32 $_tile_overlayer_lowered  }
0x9b: {  	s22 =	simm.s32 $0x1BFF;
	s21 =	sshll.u32 s6, $0x1;
	s3 =	sadd.s32 s4, s19  }
0x9c: {  	s7 =	simm.s32 $0x0;
	s20 =	sshll.u32 s5, $0x1;
	s5 =	sadd.s32 s21, s3  }
0x9d: {  	[timem:s7], [sflag:s22] =	dma.local [hbm:s5], s20  }
0x9e: {  	_ =	swait.ge [sflag:s22], s20  }
0x9f: {  	s4 =	ssub.s32 $0x0, s20;
	[sflag:s22] =	ssyncset.done $0x0  }
0xa0: {  	[sflag:s22] =	ssyncadd.s32 s4;
	_ =	sdelay $0x1  }
0xa1: {  	s23 =	simm.s32 $0x1B8B  }
0xa2: {  	_ =	swait.ge [sflag:s23], $0x1  }
0xa3: {  	[sflag:s23] =	ssyncset.done $0x0  }
0xa4: {  	s25 =	simm.s32 $0x1B8E;
	s24 =	sld [smem:$0x3FFE];
	[sflag:s23] =	ssyncadd.s32 $0xFFFFFFFF  }
0xa5: {  	s26 =	simm.s32 $execute0_lowered;
	[smem:$0x3FD2] =	sst s25  }
0xa6: {  	s5 =	sshll.u32 s26, $0x1;
	_ =	strace $0x8000004F;
	[dreg:$0x1] =	wrdreg $0xFFFFFFFF  }
0xa7: {  	s28 =	simm.s32 $_size_execute0_lowered;
	s3 =	sadd.s32 s3, s5;
	[dreg:$0x0] =	wrdreg $0x0  }
0xa8: {  	s5 =	sshll.u32 s28, $0x1;
	[dreg:$0x2] =	wrdreg s3  }
0xa9: {  	[dreg:$0x3] =	wrdreg s5  }
0xaa: {  	[dreg:$0x4] =	wrdreg $0xC0  }
0xab: {  	_ =	task [dreg:s7], $0x5FFFF  }
0xac: {  	[dreg:$0x1] =	wrdreg $0xFFFFFFFF  }
0xad: {  	[dreg:$0x0] =	wrdreg $0x60  }
0xae: {  	[dreg:$0x2] =	wrdreg s24  }
0xaf: {  	[dreg:$0x3] =	wrdreg s2  }
0xb0: {  	[dreg:$0x4] =	wrdreg $0x101000  }
0xb1: {  	[dreg:$0x5] =	wrdreg $0x9  }
0xb2: {  	_ =	task.clear_ibuf [dreg:s7], $0x6FFFF;
	_ =	strace $0x9000004F  }
0xb3: {  	s29 =	simm.s32 $0x9;
	_ =	strace $0x80000051  }
0xb4: {  	_ =	swait.ge [sflag:s29], $0x1  }
0xb5: {  	[sflag:s29] =	ssyncadd.s32 $0xFFFFFFFF  }
0xb6: {  	_ =	strace $0x90000051  }
0xb7: {  	_ =	sfence  }
0xb8: {  	s30 =	sld [smem:$0x0];
	_ =	sdelay $0x2  }
0xb9: {  	s31 =	sshll.u32 s1, $0xD;
	s1 =	sshrl.u32 s1, $0x2  }
0xba: {  	s3 =	sand.u32 $0x4000, s31;
	s1 =	sadd.s32 s1, s30  }
0xbb: {  	s0 =	sor.u32 s3, s0;
	s1 =	sshll.u32 s1, $0x11  }
0xbc: {  	s0 =	sor.u32 s1, s0  }
0xbd: {  	s0 =	sadd.s32 $0x8F2B, s0  }
0xbe: {  	[sflag:s0] =	ssyncadd.remote.s32 $0x1  }
0xbf: {  	_ =	sfence.sel $0xFFFF  }
0xc0: {  	[dreg:$0x0] =	wrdreg $0xFFFFFFFF;
	(pc) =	sbr.abs _section_cstart, $3  }
0xc1: {  	[dreg:$0x1] =	wrdreg $0xFFFFFFFF  }
0xc2: {  	_ =	task.clear_ibuf [dreg:s7], $0x2FFFF;
	_ =	strace $0x9FFFFFFF  }
0xc3: {  	(tm) =	ssettm $0x7FFFFFFF  }
tec
execute0_lowered:
.L_overlay_start_1:
0x0: {  	(tag) =	ssettag $0x1  }
0x1: {  	s16 =	rddreg [dreg:$0x0]  }
0x2: {  	s9 =	rddreg [dreg:$0x1]  }
0x3: {  	s2 =	rddreg [dreg:$0x2];
	s1 =	srdreg.scid  }
0x4: {  	s0 =	rddreg [dreg:$0x3];
	s3 =	simm.s32 $0x0;
	s8 =	simm.s32 $0x100  }
0x5: {  	s17 =	sand.u32 $0x1, s1;
	s1 =	stileid.u32;
	[smem:$0x7FF] =	sst s3  }
0x6: {  	s4 =	sshll.u32 s17, $0x4;
	_ =	strace $0x80000050;
	s28 =	sshll.u32 s1, $0xB  }
0x7: {  	s5 =	sshll.u32 s1, $0xE;
	s20 =	sshll.u32 s1, $0x6;
	s7 =	sor.u32 s1, s4  }
0x8: {  	s18 =	sadd.s32 s5, s2;
	s5 =	sor.u32 $0x1C01, s20;
	s4 =	sshll.u32 s7, $0xD  }
0x9: {  	s10 =	sshll.u32 s7, $0x5;
	s6 =	sadd.s32 s4, s16;
	s4 =	sadd.s32 s28, s16  }
0xa: {  	s7 =	sshrl.u32 s18, $0x3;
	s4 =	sadd.s32 $0x45C00, s4;
	s6 =	sadd.s32 $0x5C00, s6  }
0xb: {  	[spmem:s7], [sflag:s5] =	dma.local [hbm:s4], $0x800  }
0xc: {  	[tilespmem:s8], [sflag:$0x2] =	stream.linear.gather [hbm4b:s6+s3], $0x10000, $0x38;
	[tilespmem:$0x14100] =	vst v63  }
0xd: {  	s9 =	sadd.s32 s9, s10  }
0xe: {  	[tilespmem:s3], [sflag:$0x3] =	stream.linear.gather [hbm4b:s9+s3], $0x80, $0x38;
	[tilespmem:$0x14100] =	vst v63  }
0xf: {  	s11 =	simm.s32 $0x80;
	s12 =	simm.s32 $0x3;
	s10 =	sadd.s32 $0x10, s9  }
0x10: {  	[tilespmem:s11], [sflag:$0x3] =	stream.linear.gather [hbm4b:s10+s3], $0x80, $0x38;
	[tilespmem:$0x14100] =	vst v63  }
0x11: {  	_ =	swait.ge [sflag:s12], $0x80  }
0x12: {  	[sflag:s12] =	ssyncset.done $0x0  }
0x13: {  	[sflag:s12] =	ssyncadd.s32 $0xFFFFFF80  }
0x14: {  	_ =	swait.ge [sflag:s12], $0x80  }
0x15: {  	[sflag:s12] =	ssyncset.done $0x0  }
0x16: {  	s13 =	simm.s32 $0x1;
	[sflag:s12] =	ssyncadd.s32 $0xFFFFFF80  }
0x17: {  	_ =	swait.ge [sflag:s13], $0x800  }
0x18: {  	[sflag:s13] =	ssyncset.done $0x0  }
0x19: {  	s14 =	simm.s32 $0x2;
	[sflag:s13] =	ssyncadd.s32 $0xFFFFF800  }
0x1a: {  	_ =	swait.ge [sflag:s14], $0x10000  }
0x1b: {  	[sflag:s14] =	ssyncset.done $0x0  }
0x1c: {  	[sflag:s14] =	ssyncadd.s32 $0xFFFF0000  }
0x1d: {  	s15 =	simm.s32 $0x8100;
	[bflag:$0x0] =	sbarrier.arrive $0xFFFF  }
0x1e: {  	[spmem:s2] =	stream.indirect.scatter.add.f32 [tilespmem:s8], [sflag:$0x2], $0x100, s3, s11, $0xb8;
	[tilespmem:$0x14100] =	vst v63  }
0x1f: {  	s19 =	sshll.u32 s17, $0xE;
	s22 =	ssub.s32 $0x2, s17;
	s30 =	sshll.u32 s1, $0xA  }
0x20: {  	[spmem:s2] =	stream.indirect.scatter.add.f32 [tilespmem:s15], [sflag:$0x2], $0x100, s11, s11, $0xb8;
	[tilespmem:$0x14100] =	vst v63  }
0x21: {  	s17 =	simm.s32 $0x10;
	s20 =	sor.u32 $0x1C02, s20;
	_ =	swait.ge [sflag:s14], $0x8000  }
0x22: {  	s31 =	sshrl.u32 s22, $0x1;
	s23 =	sadd.s32 $0x80, s18;
	[sflag:s14] =	ssyncset.done $0x0  }
0x23: {  	s18 =	simm.s32 $0x20;
	s22 =	ssub.s32 s22, s31;
	[sflag:s14] =	ssyncadd.s32 $0xFFFF8000  }
0x24: {  	s16 =	sadd.s32 s19, s16;
	s22 =	smax.u32 s22, $0x1;
	_ =	swait.ge [sflag:s14], $0x8000  }
0x25: {  	s29 =	sadd.s32 $0x4DC00, s16;
	s21 =	sadd.s32 $0x55C00, s16;
	[sflag:s14] =	ssyncset.done $0x0  }
0x26: {  	p0 =	sne.s32 s22, $0x1;
	s16 =	sadd.s32 s30, s29;
	[sflag:s14] =	ssyncadd.s32 $0xFFFF8000  }
0x27: {  	s19 =	sadd.s32 s30, s21;
	s21 =	sshrl.u32 s23, $0x3;
	[bflag:$0x0] =	sbarrier.arrive $0xFFFF  }
0x28: {  	[hbm:s16@s17], [sflag:s5] =	dma.strided [spmem:s7@s18], $0x400, s13, $0x10   }
0x29: {  	[hbm:s19@s17], [sflag:s20] =	dma.strided [spmem:s21@s18], $0x400, s13, $0x10   }
.Ltmp0:
0x2a: {  	_ =	swait.ge [sflag:s13], $0x400;
	(pc) =	sbr.rel @!p0 .LBB2_2-.Ltmp0, $4  }
0x2b: {  	[sflag:s13] =	ssyncset.done $0x0  }
0x2c: {  	[sflag:s13] =	ssyncadd.s32 $0xFFFFFC00  }
0x2d: {  	_ =	swait.ge [sflag:s14], $0x400  }
0x2e: {  	s22 =	sadd.s32 $0xFFFFFFFF, s22;
	[sflag:s14] =	ssyncset.done $0x0  }
.LBB2_1:
0x2f: {  	p0 =	sne.s32 s22, $0x1;
	s22 =	sadd.s32 $0xFFFFFFFF, s22;
	[sflag:s14] =	ssyncadd.s32 $0xFFFFFC00  }
0x30: {  	[spmem:s7], [sflag:s5] =	dma.local [hbm:s4], $0x800  }
0x31: {  	[tilespmem:s8], [sflag:$0x2] =	stream.linear.gather [hbm4b:s6+s3], $0x10000, $0x38;
	[tilespmem:$0x14100] =	vst v63  }
0x32: {  	_ = 	snop  }
0x33: {  	[tilespmem:s3], [sflag:$0x3] =	stream.linear.gather [hbm4b:s9+s3], $0x80, $0x38;
	[tilespmem:$0x14100] =	vst v63  }
0x34: {  	_ = 	snop  }
0x35: {  	[tilespmem:s11], [sflag:$0x3] =	stream.linear.gather [hbm4b:s10+s3], $0x80, $0x38;
	[tilespmem:$0x14100] =	vst v63  }
0x36: {  	_ =	swait.ge [sflag:s12], $0x80  }
0x37: {  	[sflag:s12] =	ssyncset.done $0x0  }
0x38: {  	[sflag:s12] =	ssyncadd.s32 $0xFFFFFF80  }
0x39: {  	_ =	swait.ge [sflag:s12], $0x80  }
0x3a: {  	[sflag:s12] =	ssyncset.done $0x0  }
0x3b: {  	[sflag:s12] =	ssyncadd.s32 $0xFFFFFF80  }
0x3c: {  	_ =	swait.ge [sflag:s13], $0x800  }
0x3d: {  	[sflag:s13] =	ssyncset.done $0x0  }
0x3e: {  	[sflag:s13] =	ssyncadd.s32 $0xFFFFF800  }
0x3f: {  	_ =	swait.ge [sflag:s14], $0x10000  }
0x40: {  	[sflag:s14] =	ssyncset.done $0x0  }
0x41: {  	[sflag:s14] =	ssyncadd.s32 $0xFFFF0000  }
0x42: {  	[bflag:$0x0] =	sbarrier.arrive $0xFFFF  }
0x43: {  	[spmem:s2] =	stream.indirect.scatter.add.f32 [tilespmem:s8], [sflag:$0x2], $0x100, s3, s11, $0xb8;
	[tilespmem:$0x14100] =	vst v63  }
0x44: {  	_ = 	snop  }
0x45: {  	[spmem:s2] =	stream.indirect.scatter.add.f32 [tilespmem:s15], [sflag:$0x2], $0x100, s11, s11, $0xb8;
	[tilespmem:$0x14100] =	vst v63  }
0x46: {  	_ =	swait.ge [sflag:s14], $0x8000  }
0x47: {  	[sflag:s14] =	ssyncset.done $0x0  }
0x48: {  	[sflag:s14] =	ssyncadd.s32 $0xFFFF8000  }
0x49: {  	_ =	swait.ge [sflag:s14], $0x8000  }
0x4a: {  	[sflag:s14] =	ssyncset.done $0x0  }
0x4b: {  	[sflag:s14] =	ssyncadd.s32 $0xFFFF8000  }
0x4c: {  	[bflag:$0x0] =	sbarrier.arrive $0xFFFF  }
0x4d: {  	[hbm:s16@s17], [sflag:s5] =	dma.strided [spmem:s7@s18], $0x400, s13, $0x10   }
0x4e: {  	[hbm:s19@s17], [sflag:s20] =	dma.strided [spmem:s21@s18], $0x400, s13, $0x10   }
.Ltmp1:
0x4f: {  	_ =	swait.ge [sflag:s13], $0x400;
	(pc) =	sbr.rel @p0 .LBB2_1-.Ltmp1, $4  }
0x50: {  	[sflag:s13] =	ssyncset.done $0x0  }
0x51: {  	[sflag:s13] =	ssyncadd.s32 $0xFFFFFC00  }
0x52: {  	_ =	swait.ge [sflag:s14], $0x400  }
0x53: {  	[sflag:s14] =	ssyncset.done $0x0  }
.LBB2_2:
0x54: {  	[sflag:s14] =	ssyncadd.s32 $0xFFFFFC00  }
0x55: {  	_ =	sfence.sel $0x180000  }
0x56: {  	[bflag:$0x0] =	sbarrier.arrive $0xFFFF  }
0x57: {  	p0 =	sne.s32 s1, $0x0;
	_ =	strace $0x90000050  }
0x58: {  	s0 =	sadd.s32 @!p0 $0x100000, s0;
	[bflag:$0x2] =	sbarrier.arrive $0xFFFF  }
0x59: {  	[sflag:s0] =	ssyncadd.tile.s32 @!p0 $0x1;
	_ =	shalt  }
.Lfunc_end2:
_tile_overlayer_lowered:
.L_overlay_start_2:
0x5a: {  	(tag) =	ssettag $0x2  }
0x5b: {  	s0 =	rddreg [dreg:$0x0];
	s2 =	stileid.u32  }
0x5c: {  	s1 =	rddreg [dreg:$0x1];
	p0 =	sne.s32 s2, $0x0  }
0x5d: {  	s3 =	rddreg [dreg:$0x2];
	[bflag:$0x3] =	sbarrier.arrive $0xFFFF;
	s2 =	simm.s32 @!p0 $0x1C04  }
0x5e: {  	[timem:s3], [sflag:s2] =	dma.local @!p0 [hbm:s0], s1  }
0x5f: {  	s0 =	simm.s32 @!p0 $0x4  }
0x60: {  	_ =	swait.ge @!p0 [sflag:s0], s1  }
0x61: {  	s1 =	ssub.s32 @!p0 $0x0, s1;
	[sflag:s0] =	ssyncset.done @!p0 $0x0  }
0x62: {  	[sflag:s0] =	ssyncadd.s32 @!p0 s1  }
0x63: {  	[bflag:$0x3] =	sbarrier.arrive $0xFFFF  }
0x64: {  	_ =	shalt  }

// kernel: kernel.25.cloned.1.call-start
scs
__scs_entry_jumppad:
0x0: {  	(pc) =	sbr.rel $0x88, $3  }
0x1: {  	(tag) =	ssettag $0x0;
	lr =	simm.s32 $0x1  }
0x2: {  	[smem:$0x3FA0] =	sst lr;
	_ =	strace $0xD0000000  }
0x3: {  	_ = 	snop  }
0x4: {  	_ = 	snop  }
0x5: {  	_ = 	snop  }
0x6: {  	_ = 	snop  }
0x7: {  	_ = 	snop  }
__scs_overlays_trampoline_lowered:
0x8: {  	[smem:$0x3FAF] =	sst s0  }
0x9: {  	[smem:$0x3FB0] =	sst s1  }
0xa: {  	[smem:$0x3FB1] =	sst s2  }
0xb: {  	[smem:$0x3FB2] =	sst s3  }
0xc: {  	[smem:$0x3FB3] =	sst s4  }
0xd: {  	[smem:$0x3FB4] =	sst s5  }
0xe: {  	[smem:$0x3FB5] =	sst s6  }
0xf: {  	[smem:$0x3FB6] =	sst s7  }
0x10: {  	[smem:$0x3FB7] =	sst s8  }
0x11: {  	[smem:$0x3FB8] =	sst s9;
	s0 =	simm.s32 @!p0 $0x0  }
0x12: {  	s1 =	sld [smem:$0x3F9E];
	s0 =	simm.s32 @p0 $0x1  }
0x13: {  	[smem:$0x3FB9] =	sst s0;
	s0 =	simm.s32 @!p1 $0x0  }
0x14: {  	s2 =	sld [smem:$0x3F9D];
	s0 =	simm.s32 @p1 $0x1  }
0x15: {  	[smem:$0x3FBA] =	sst s0;
	s0 =	simm.s32 @!p2 $0x0  }
0x16: {  	s3 =	sld [smem:$0x3FDB];
	s0 =	simm.s32 @p2 $0x1  }
0x17: {  	s4 =	simm.s32 $0x1BF5;
	[smem:$0x3FBC] =	sst s0  }
0x18: {  	s0 =	sld [smem:$0x3F9F];
	_ =	swait.ge [sflag:s4], $0x0  }
0x19: {  	s7 =	sld [smem:$0x3FA0]  }
0x1a: {  	s8 =	sadd.s32 $0xFFFFE003, lr  }
0x1b: {  	s9 =	sadd.s32 $0xFFFFFEF7, lr;
	s5 =	simm.s32 $0xFFFFFFFF;
	p2 =	slt.u32 s8, $0xFFFFF086  }
0x1c: {  	p1 =	slt.u32 s9, $0xF7A;
	s5 =	simm.s32 @!p2 $0x0  }
0x1d: {  	s5 =	simm.s32 @p1 $0x1;
	p0 =	seq.s32 s7, s2  }
0x1e: {  	s7 =	smul.u32 @!p0 $0xF7A, s2;
	p2 =	seq.s32 @!p0 s5, $0x0  }
0x1f: {  	s9 =	smul.u32 $0xF7A, s1;
	s8 =	simm.s32 @!p0 $0x1BF5;
	p2 =	por !p2, p0  }
0x20: {  	[sflag:s8] =	ssyncset.s32 @!p0 $0xFFFFF086;
	s6 =	sadd.s32 @!p0 s3, s7;
	s7 =	simm.s32 @!p0 $0x108  }
0x21: {  	s3 =	sadd.s32 s3, s9;
	s6 =	sadd.s32 @!p0 $0x88, s6;
	s7 =	simm.s32 @p2 $0x1082  }
0x22: {  	[simem:s7], [sflag:s8] =	dma.local @!p0 [hbm:s6], $0xF7A  }
0x23: {  	s9 =	sor.u32 $0xD0000000, s2;
	s6 =	simm.s32 $0x108;
	_ =	swait.ge @!p0 [sflag:s8], $0x0  }
0x24: {  	s3 =	sadd.s32 $0x88, s3;
	s6 =	simm.s32 @!p1 $0x1082;
	[sflag:s4] =	ssyncset.s32 $0xFFFFF086  }
0x25: {  	[simem:s6], [sflag:s4] =	dma.local [hbm:s3], $0xF7A  }
0x26: {  	[smem:$0x3FA0] =	sst s1;
	(tag) =	ssettag s2;
	_ =	strace s9  }
0x27: {  	s1 =	sld [smem:$0x3FB0]  }
0x28: {  	s2 =	sld [smem:$0x3FB1]  }
0x29: {  	s4 =	sld [smem:$0x3FB3]  }
0x2a: {  	p0 =	seq.s32 s5, $0x0;
	s5 =	sld [smem:$0x3FB4]  }
0x2b: {  	s6 =	sld [smem:$0x3FB5]  }
0x2c: {  	s7 =	sld [smem:$0x3FB6]  }
0x2d: {  	s3 =	simm.s32 $0x108;
	s8 =	sld [smem:$0x3FB7]  }
0x2e: {  	s3 =	simm.s32 @!p0 $0x1082;
	s9 =	sld [smem:$0x3FB8]  }
0x2f: {  	lr =	sadd.s32 s0, s3;
	s0 =	sld [smem:$0x3FAF]  }
0x30: {  	s3 =	sld [smem:$0x3FB2]  }
0x31: {  	[smem:$0x3FBB] =	sst s10  }
0x32: {  	s10 =	sld [smem:$0x3FB9];
	_ =	sdelay $0x3  }
0x33: {  	p0 =	seq.s32 s10, $0x1;
	s10 =	sld [smem:$0x3FBB];
	_ =	sdelay $0x3  }
0x34: {  	[smem:$0x3FBB] =	sst s10  }
0x35: {  	s10 =	sld [smem:$0x3FBA];
	_ =	sdelay $0x3  }
0x36: {  	p1 =	seq.s32 s10, $0x1;
	s10 =	sld [smem:$0x3FBB];
	_ =	sdelay $0x3  }
0x37: {  	[smem:$0x3FBB] =	sst s10  }
0x38: {  	s10 =	sld [smem:$0x3FBC]  }
0x39: {  	_ = 	snop;
	(pc) =	sbr.ind lr, $3  }
0x3a: {  	_ = 	snop  }
0x3b: {  	_ = 	snop  }
0x3c: {  	p2 =	seq.s32 s10, $0x1;
	s10 =	sld [smem:$0x3FBB]  }
0x3d: {  	_ =	shalt  }
0x3e: {  	_ =	shalt  }
0x3f: {  	_ =	shalt  }
0x40: {  	_ =	shalt  }
0x41: {  	_ =	shalt  }
0x42: {  	_ =	shalt  }
0x43: {  	_ =	shalt  }
0x44: {  	_ =	shalt  }
0x45: {  	_ =	shalt  }
0x46: {  	_ =	shalt  }
0x47: {  	_ =	shalt  }
0x48: {  	_ =	shalt  }
0x49: {  	_ =	shalt  }
0x4a: {  	_ =	shalt  }
0x4b: {  	_ =	shalt  }
0x4c: {  	_ =	shalt  }
0x4d: {  	_ =	shalt  }
0x4e: {  	_ =	shalt  }
0x4f: {  	_ =	shalt  }
0x50: {  	_ =	shalt  }
0x51: {  	_ =	shalt  }
0x52: {  	_ =	shalt  }
0x53: {  	_ =	shalt  }
0x54: {  	_ =	shalt  }
0x55: {  	_ =	shalt  }
0x56: {  	_ =	shalt  }
0x57: {  	_ =	shalt  }
0x58: {  	_ =	shalt  }
0x59: {  	_ =	shalt  }
0x5a: {  	_ =	shalt  }
0x5b: {  	_ =	shalt  }
0x5c: {  	_ =	shalt  }
0x5d: {  	_ =	shalt  }
0x5e: {  	_ =	shalt  }
0x5f: {  	_ =	shalt  }
0x60: {  	_ =	shalt  }
0x61: {  	_ =	shalt  }
0x62: {  	_ =	shalt  }
0x63: {  	_ =	shalt  }
0x64: {  	_ =	shalt  }
0x65: {  	_ =	shalt  }
0x66: {  	_ =	shalt  }
0x67: {  	_ =	shalt  }
0x68: {  	_ =	shalt  }
0x69: {  	_ =	shalt  }
0x6a: {  	_ =	shalt  }
0x6b: {  	_ =	shalt  }
0x6c: {  	_ =	shalt  }
0x6d: {  	_ =	shalt  }
0x6e: {  	_ =	shalt  }
0x6f: {  	_ =	shalt  }
0x70: {  	_ =	shalt  }
0x71: {  	_ =	shalt  }
0x72: {  	_ =	shalt  }
0x73: {  	_ =	shalt  }
0x74: {  	_ =	shalt  }
0x75: {  	_ =	shalt  }
0x76: {  	_ =	shalt  }
0x77: {  	_ =	shalt  }
0x78: {  	_ =	shalt  }
0x79: {  	_ =	shalt  }
0x7a: {  	_ =	shalt  }
0x7b: {  	_ =	shalt  }
0x7c: {  	_ =	shalt  }
0x7d: {  	_ =	shalt  }
0x7e: {  	_ =	shalt  }
0x7f: {  	_ =	shalt  }
0x80: {  	_ =	shalt  }
0x81: {  	_ =	shalt  }
0x82: {  	_ =	shalt  }
0x83: {  	_ =	shalt  }
0x84: {  	_ =	shalt  }
0x85: {  	_ =	shalt  }
0x86: {  	_ =	shalt  }
0x87: {  	_ =	shalt  }
.Lfunc_end0:
.L_simem_size_0:
called_computation.4_lowered:
.L_overlay_start_0:
0x88: {  	s2 =	sld [smem:$0x3FD9]  }
0x89: {  	s3 =	sld [smem:$0x3FFE];
	_ =	sdelay $0x1  }
0x8a: {  	s1 =	srdreg.scid  }
0x8b: {  	s0 =	sand.u32 $0x1, s1  }
0x8c: {  	s17 =	sshll.u32 s0, $0xA;
	s2 =	sadd.s32 s3, s2  }
0x8d: {  	s2 =	sadd.s32 s2, s17  }
0x8e: {  	[smem:$0x3FC7] =	sst s2  }
0x8f: {  	_ = 	snop  }
0x90: {  	s2 =	sld [smem:$0x3FD0];
	(tm) =	ssettm $0x1  }
0x91: {  	s18 =	sld [smem:$0x3FFB];
	_ =	sdelay $0x3  }
0x92: {  	_ =	strace s18  }
0x93: {  	s3 =	sld [smem:$0x3FFC];
	_ =	sdelay $0x3  }
0x94: {  	_ =	strace s3  }
0x95: {  	s3 =	sld [smem:$0x3FFD];
	_ =	sdelay $0x3  }
0x96: {  	_ =	strace s3  }
0x97: {  	_ =	strace $0x8FFFFFFF  }
0x98: {  	s19 =	sld [smem:$0x3FDB];
	_ =	sdelay $0x1  }
0x99: {  	s4 =	simm.s32 $_scs_section_size  }
0x9a: {  	s5 =	simm.s32 $_size__tile_overlayer_lowered;
	s6 =	simm.s32 $_tile_overlayer_lowered  }
0x9b: {  	s22 =	simm.s32 $0x1BFF;
	s21 =	sshll.u32 s6, $0x1;
	s3 =	sadd.s32 s4, s19  }
0x9c: {  	s7 =	simm.s32 $0x0;
	s20 =	sshll.u32 s5, $0x1;
	s5 =	sadd.s32 s21, s3  }
0x9d: {  	[timem:s7], [sflag:s22] =	dma.local [hbm:s5], s20  }
0x9e: {  	_ =	swait.ge [sflag:s22], s20  }
0x9f: {  	s4 =	ssub.s32 $0x0, s20;
	[sflag:s22] =	ssyncset.done $0x0  }
0xa0: {  	[sflag:s22] =	ssyncadd.s32 s4;
	_ =	sdelay $0x1  }
0xa1: {  	s23 =	simm.s32 $0x1B8B  }
0xa2: {  	_ =	swait.ge [sflag:s23], $0x1  }
0xa3: {  	[sflag:s23] =	ssyncset.done $0x0  }
0xa4: {  	s25 =	simm.s32 $0x1B8E;
	s24 =	sld [smem:$0x3FFE];
	[sflag:s23] =	ssyncadd.s32 $0xFFFFFFFF  }
0xa5: {  	s26 =	simm.s32 $execute0_lowered;
	[smem:$0x3FD2] =	sst s25  }
0xa6: {  	s5 =	sshll.u32 s26, $0x1;
	_ =	strace $0x80000052;
	[dreg:$0x1] =	wrdreg $0xFFFFFFFF  }
0xa7: {  	s28 =	simm.s32 $_size_execute0_lowered;
	s3 =	sadd.s32 s3, s5;
	[dreg:$0x0] =	wrdreg $0x0  }
0xa8: {  	s5 =	sshll.u32 s28, $0x1;
	[dreg:$0x2] =	wrdreg s3  }
0xa9: {  	[dreg:$0x3] =	wrdreg s5  }
0xaa: {  	[dreg:$0x4] =	wrdreg $0xC0  }
0xab: {  	_ =	task [dreg:s7], $0x5FFFF  }
0xac: {  	[dreg:$0x1] =	wrdreg $0xFFFFFFFF  }
0xad: {  	[dreg:$0x0] =	wrdreg $0x60  }
0xae: {  	[dreg:$0x2] =	wrdreg s24  }
0xaf: {  	[dreg:$0x3] =	wrdreg s2  }
0xb0: {  	[dreg:$0x4] =	wrdreg $0x101000  }
0xb1: {  	[dreg:$0x5] =	wrdreg $0x9  }
0xb2: {  	_ =	task.clear_ibuf [dreg:s7], $0x6FFFF;
	_ =	strace $0x90000052  }
0xb3: {  	s29 =	simm.s32 $0x9;
	_ =	strace $0x80000054  }
0xb4: {  	_ =	swait.ge [sflag:s29], $0x1  }
0xb5: {  	[sflag:s29] =	ssyncadd.s32 $0xFFFFFFFF  }
0xb6: {  	_ =	strace $0x90000054  }
0xb7: {  	_ =	sfence  }
0xb8: {  	s30 =	sld [smem:$0x0];
	_ =	sdelay $0x2  }
0xb9: {  	s31 =	sshll.u32 s1, $0xD;
	s1 =	sshrl.u32 s1, $0x2  }
0xba: {  	s3 =	sand.u32 $0x4000, s31;
	s1 =	sadd.s32 s1, s30  }
0xbb: {  	s0 =	sor.u32 s3, s0;
	s1 =	sshll.u32 s1, $0x11  }
0xbc: {  	s0 =	sor.u32 s1, s0  }
0xbd: {  	s0 =	sadd.s32 $0x8F2B, s0  }
0xbe: {  	[sflag:s0] =	ssyncadd.remote.s32 $0x1  }
0xbf: {  	_ =	sfence.sel $0xFFFF  }
0xc0: {  	[dreg:$0x0] =	wrdreg $0xFFFFFFFF;
	(pc) =	sbr.abs _section_cstart, $3  }
0xc1: {  	[dreg:$0x1] =	wrdreg $0xFFFFFFFF  }
0xc2: {  	_ =	task.clear_ibuf [dreg:s7], $0x2FFFF;
	_ =	strace $0x9FFFFFFF  }
0xc3: {  	(tm) =	ssettm $0x7FFFFFFF  }
tec
execute0_lowered:
.L_overlay_start_1:
0x0: {  	(tag) =	ssettag $0x1  }
0x1: {  	s16 =	rddreg [dreg:$0x0]  }
0x2: {  	s9 =	rddreg [dreg:$0x1]  }
0x3: {  	s2 =	rddreg [dreg:$0x2];
	s1 =	srdreg.scid  }
0x4: {  	s0 =	rddreg [dreg:$0x3];
	s3 =	simm.s32 $0x0;
	s8 =	simm.s32 $0x100  }
0x5: {  	s17 =	sand.u32 $0x1, s1;
	s1 =	stileid.u32;
	[smem:$0x7FF] =	sst s3  }
0x6: {  	s4 =	sshll.u32 s17, $0x4;
	_ =	strace $0x80000053;
	s28 =	sshll.u32 s1, $0xB  }
0x7: {  	s5 =	sshll.u32 s1, $0xE;
	s20 =	sshll.u32 s1, $0x6;
	s7 =	sor.u32 s1, s4  }
0x8: {  	s18 =	sadd.s32 s5, s2;
	s5 =	sor.u32 $0x1C01, s20;
	s4 =	sshll.u32 s7, $0xD  }
0x9: {  	s10 =	sshll.u32 s7, $0x5;
	s6 =	sadd.s32 s4, s16;
	s4 =	sadd.s32 s28, s16  }
0xa: {  	s7 =	sshrl.u32 s18, $0x3;
	s4 =	sadd.s32 $0x45C00, s4;
	s6 =	sadd.s32 $0x5C00, s6  }
0xb: {  	[spmem:s7], [sflag:s5] =	dma.local [hbm:s4], $0x800  }
0xc: {  	[tilespmem:s8], [sflag:$0x2] =	stream.linear.gather [hbm4b:s6+s3], $0x10000, $0x38;
	[tilespmem:$0x14100] =	vst v63  }
0xd: {  	s9 =	sadd.s32 s9, s10  }
0xe: {  	[tilespmem:s3], [sflag:$0x3] =	stream.linear.gather [hbm4b:s9+s3], $0x80, $0x38;
	[tilespmem:$0x14100] =	vst v63  }
0xf: {  	s11 =	simm.s32 $0x80;
	s12 =	simm.s32 $0x3;
	s10 =	sadd.s32 $0x10, s9  }
0x10: {  	[tilespmem:s11], [sflag:$0x3] =	stream.linear.gather [hbm4b:s10+s3], $0x80, $0x38;
	[tilespmem:$0x14100] =	vst v63  }
0x11: {  	_ =	swait.ge [sflag:s12], $0x80  }
0x12: {  	[sflag:s12] =	ssyncset.done $0x0  }
0x13: {  	[sflag:s12] =	ssyncadd.s32 $0xFFFFFF80  }
0x14: {  	_ =	swait.ge [sflag:s12], $0x80  }
0x15: {  	[sflag:s12] =	ssyncset.done $0x0  }
0x16: {  	s13 =	simm.s32 $0x1;
	[sflag:s12] =	ssyncadd.s32 $0xFFFFFF80  }
0x17: {  	_ =	swait.ge [sflag:s13], $0x800  }
0x18: {  	[sflag:s13] =	ssyncset.done $0x0  }
0x19: {  	s14 =	simm.s32 $0x2;
	[sflag:s13] =	ssyncadd.s32 $0xFFFFF800  }
0x1a: {  	_ =	swait.ge [sflag:s14], $0x10000  }
0x1b: {  	[sflag:s14] =	ssyncset.done $0x0  }
0x1c: {  	[sflag:s14] =	ssyncadd.s32 $0xFFFF0000  }
0x1d: {  	s15 =	simm.s32 $0x8100;
	[bflag:$0x0] =	sbarrier.arrive $0xFFFF  }
0x1e: {  	[spmem:s2] =	stream.indirect.scatter.add.f32 [tilespmem:s8], [sflag:$0x2], $0x100, s3, s11, $0xb8;
	[tilespmem:$0x14100] =	vst v63  }
0x1f: {  	s19 =	sshll.u32 s17, $0xE;
	s22 =	ssub.s32 $0x2, s17;
	s30 =	sshll.u32 s1, $0xA  }
0x20: {  	[spmem:s2] =	stream.indirect.scatter.add.f32 [tilespmem:s15], [sflag:$0x2], $0x100, s11, s11, $0xb8;
	[tilespmem:$0x14100] =	vst v63  }
0x21: {  	s17 =	simm.s32 $0x10;
	s20 =	sor.u32 $0x1C02, s20;
	_ =	swait.ge [sflag:s14], $0x8000  }
0x22: {  	s31 =	sshrl.u32 s22, $0x1;
	s23 =	sadd.s32 $0x80, s18;
	[sflag:s14] =	ssyncset.done $0x0  }
0x23: {  	s18 =	simm.s32 $0x20;
	s22 =	ssub.s32 s22, s31;
	[sflag:s14] =	ssyncadd.s32 $0xFFFF8000  }
0x24: {  	s16 =	sadd.s32 s19, s16;
	s22 =	smax.u32 s22, $0x1;
	_ =	swait.ge [sflag:s14], $0x8000  }
0x25: {  	s29 =	sadd.s32 $0x4DC00, s16;
	s21 =	sadd.s32 $0x55C00, s16;
	[sflag:s14] =	ssyncset.done $0x0  }
0x26: {  	p0 =	sne.s32 s22, $0x1;
	s16 =	sadd.s32 s30, s29;
	[sflag:s14] =	ssyncadd.s32 $0xFFFF8000  }
0x27: {  	s19 =	sadd.s32 s30, s21;
	s21 =	sshrl.u32 s23, $0x3;
	[bflag:$0x0] =	sbarrier.arrive $0xFFFF  }
0x28: {  	[hbm:s16@s17], [sflag:s5] =	dma.strided [spmem:s7@s18], $0x400, s13, $0x10   }
0x29: {  	[hbm:s19@s17], [sflag:s20] =	dma.strided [spmem:s21@s18], $0x400, s13, $0x10   }
.Ltmp0:
0x2a: {  	_ =	swait.ge [sflag:s13], $0x400;
	(pc) =	sbr.rel @!p0 .LBB2_2-.Ltmp0, $4  }
0x2b: {  	[sflag:s13] =	ssyncset.done $0x0  }
0x2c: {  	[sflag:s13] =	ssyncadd.s32 $0xFFFFFC00  }
0x2d: {  	_ =	swait.ge [sflag:s14], $0x400  }
0x2e: {  	s22 =	sadd.s32 $0xFFFFFFFF, s22;
	[sflag:s14] =	ssyncset.done $0x0  }
.LBB2_1:
0x2f: {  	p0 =	sne.s32 s22, $0x1;
	s22 =	sadd.s32 $0xFFFFFFFF, s22;
	[sflag:s14] =	ssyncadd.s32 $0xFFFFFC00  }
0x30: {  	[spmem:s7], [sflag:s5] =	dma.local [hbm:s4], $0x800  }
0x31: {  	[tilespmem:s8], [sflag:$0x2] =	stream.linear.gather [hbm4b:s6+s3], $0x10000, $0x38;
	[tilespmem:$0x14100] =	vst v63  }
0x32: {  	_ = 	snop  }
0x33: {  	[tilespmem:s3], [sflag:$0x3] =	stream.linear.gather [hbm4b:s9+s3], $0x80, $0x38;
	[tilespmem:$0x14100] =	vst v63  }
0x34: {  	_ = 	snop  }
0x35: {  	[tilespmem:s11], [sflag:$0x3] =	stream.linear.gather [hbm4b:s10+s3], $0x80, $0x38;
	[tilespmem:$0x14100] =	vst v63  }
0x36: {  	_ =	swait.ge [sflag:s12], $0x80  }
0x37: {  	[sflag:s12] =	ssyncset.done $0x0  }
0x38: {  	[sflag:s12] =	ssyncadd.s32 $0xFFFFFF80  }
0x39: {  	_ =	swait.ge [sflag:s12], $0x80  }
0x3a: {  	[sflag:s12] =	ssyncset.done $0x0  }
0x3b: {  	[sflag:s12] =	ssyncadd.s32 $0xFFFFFF80  }
0x3c: {  	_ =	swait.ge [sflag:s13], $0x800  }
0x3d: {  	[sflag:s13] =	ssyncset.done $0x0  }
0x3e: {  	[sflag:s13] =	ssyncadd.s32 $0xFFFFF800  }
0x3f: {  	_ =	swait.ge [sflag:s14], $0x10000  }
0x40: {  	[sflag:s14] =	ssyncset.done $0x0  }
0x41: {  	[sflag:s14] =	ssyncadd.s32 $0xFFFF0000  }
0x42: {  	[bflag:$0x0] =	sbarrier.arrive $0xFFFF  }
0x43: {  	[spmem:s2] =	stream.indirect.scatter.add.f32 [tilespmem:s8], [sflag:$0x2], $0x100, s3, s11, $0xb8;
	[tilespmem:$0x14100] =	vst v63  }
0x44: {  	_ = 	snop  }
0x45: {  	[spmem:s2] =	stream.indirect.scatter.add.f32 [tilespmem:s15], [sflag:$0x2], $0x100, s11, s11, $0xb8;
	[tilespmem:$0x14100] =	vst v63  }
0x46: {  	_ =	swait.ge [sflag:s14], $0x8000  }
0x47: {  	[sflag:s14] =	ssyncset.done $0x0  }
0x48: {  	[sflag:s14] =	ssyncadd.s32 $0xFFFF8000  }
0x49: {  	_ =	swait.ge [sflag:s14], $0x8000  }
0x4a: {  	[sflag:s14] =	ssyncset.done $0x0  }
0x4b: {  	[sflag:s14] =	ssyncadd.s32 $0xFFFF8000  }
0x4c: {  	[bflag:$0x0] =	sbarrier.arrive $0xFFFF  }
0x4d: {  	[hbm:s16@s17], [sflag:s5] =	dma.strided [spmem:s7@s18], $0x400, s13, $0x10   }
0x4e: {  	[hbm:s19@s17], [sflag:s20] =	dma.strided [spmem:s21@s18], $0x400, s13, $0x10   }
.Ltmp1:
0x4f: {  	_ =	swait.ge [sflag:s13], $0x400;
	(pc) =	sbr.rel @p0 .LBB2_1-.Ltmp1, $4  }
0x50: {  	[sflag:s13] =	ssyncset.done $0x0  }
0x51: {  	[sflag:s13] =	ssyncadd.s32 $0xFFFFFC00  }
0x52: {  	_ =	swait.ge [sflag:s14], $0x400  }
0x53: {  	[sflag:s14] =	ssyncset.done $0x0  }
.LBB2_2:
0x54: {  	[sflag:s14] =	ssyncadd.s32 $0xFFFFFC00  }
0x55: {  	_ =	sfence.sel $0x180000  }
0x56: {  	[bflag:$0x0] =	sbarrier.arrive $0xFFFF  }
0x57: {  	p0 =	sne.s32 s1, $0x0;
	_ =	strace $0x90000053  }
0x58: {  	s0 =	sadd.s32 @!p0 $0x100000, s0;
	[bflag:$0x2] =	sbarrier.arrive $0xFFFF  }
0x59: {  	[sflag:s0] =	ssyncadd.tile.s32 @!p0 $0x1;
	_ =	shalt  }
.Lfunc_end2:
_tile_overlayer_lowered:
.L_overlay_start_2:
0x5a: {  	(tag) =	ssettag $0x2  }
0x5b: {  	s0 =	rddreg [dreg:$0x0];
	s2 =	stileid.u32  }
0x5c: {  	s1 =	rddreg [dreg:$0x1];
	p0 =	sne.s32 s2, $0x0  }
0x5d: {  	s3 =	rddreg [dreg:$0x2];
	[bflag:$0x3] =	sbarrier.arrive $0xFFFF;
	s2 =	simm.s32 @!p0 $0x1C04  }
0x5e: {  	[timem:s3], [sflag:s2] =	dma.local @!p0 [hbm:s0], s1  }
0x5f: {  	s0 =	simm.s32 @!p0 $0x4  }
0x60: {  	_ =	swait.ge @!p0 [sflag:s0], s1  }
0x61: {  	s1 =	ssub.s32 @!p0 $0x0, s1;
	[sflag:s0] =	ssyncset.done @!p0 $0x0  }
0x62: {  	[sflag:s0] =	ssyncadd.s32 @!p0 s1  }
0x63: {  	[bflag:$0x3] =	sbarrier.arrive $0xFFFF  }
0x64: {  	_ =	shalt  }

</sc_bundles>
